<compile_context>
chip_gen: v7x
topology: tpu7x:2x2x1
jax: 0.10.2.dev20260603
libtpu: 0.0.44.dev20260713+nightly
codegen_flags: <defaults>
</compile_context>

<pallas_src>
import jax
import jax.numpy as jnp
from jax import lax
from jax.experimental import pallas as pl
from jax.experimental.pallas import tpu as pltpu
from jax.experimental.pallas import tpu_sc as plsc

N = 10000
F = 128
FH = 64
E = 320000
KSTEPS = 10
ALPHA = 0.1
BN_EPS = 1e-5

NC = 2
NT = 16
NP = 10240
EPT = E // NT
CH = 96
NCHUNK = (EPT + CH - 1) // CH
EPAD = NCHUNK * CH - EPT
ROWS_PT = NP // NT
RCH = 32
NRCH = ROWS_PT // RCH
DWIN = ROWS_PT
LBUF = DWIN + 16


def _rsqrt16(d):
    i = lax.bitcast_convert_type(d, jnp.int32)
    y = lax.bitcast_convert_type(jnp.int32(0x5F3759DF) - (i >> 1), jnp.float32)
    for _ in range(3):
        y = y * (1.5 - 0.5 * d * y * y)
    return y


def _sc_propagate(srcp, dstp, h0):
    mesh = plsc.VectorSubcoreMesh(
        core_axis_name="c", subcore_axis_name="s", num_cores=NC,
        num_subcores=NT)

    def body(srcp_hbm, dstp_hbm, h0_hbm, g_hbm, inv_hbm,
             acc_sp, odeg_sp, ideg_sp,
             src_idx, dst_idx, gbuf0, gbuf1, gbuf2, gbuf3, gbuf4,
             accb0, accb1, h0b0, h0b1, gnb0, gnb1, zbuf,
             zflat, ones, dbuf, ns_l, nd_l, inv_l,
             sem0, sem1, sem2, sem3, sem4, sra0, sra1, srh0, srh1, swg0, swg1):
        c = lax.axis_index("c")
        t = lax.axis_index("s")
        base = pl.multiple_of(t * ROWS_PT, RCH)

        pltpu.sync_copy(srcp_hbm.at[t], src_idx)
        pltpu.sync_copy(dstp_hbm.at[t], dst_idx)

        zv = jnp.zeros((16,), jnp.float32)

        def zrow(i, _):
            for v in range(4):
                zbuf[i, pl.ds(16 * v, 16)] = zv
            return 0
        lax.fori_loop(0, RCH, zrow, 0)

        def onesf(i, _):
            ones[pl.ds(pl.multiple_of(i * 16, 16), 16)] = zv + 1.0
            return 0
        lax.fori_loop(0, CH // 16, onesf, 0)

        def zfl(i, _):
            zflat[pl.ds(pl.multiple_of(i * 16, 16), 16)] = zv
            return 0
        lax.fori_loop(0, RCH // 16, zfl, 0)

        def zsp(u, _):
            rb = pl.multiple_of(base + u * RCH, RCH)
            pltpu.sync_copy(zbuf, acc_sp.at[pl.ds(rb, RCH), :])
            pltpu.sync_copy(zflat, odeg_sp.at[pl.ds(rb, RCH)])
            pltpu.sync_copy(zflat, ideg_sp.at[pl.ds(rb, RCH)])
            return 0
        lax.fori_loop(0, NRCH, zsp, 0)
        plsc.subcore_barrier()

        def hissue(j, so, si):
            pltpu.async_copy(ones, odeg_sp.at[src_idx.at[j]], so, add=True)
            pltpu.async_copy(ones, ideg_sp.at[dst_idx.at[j]], si, add=True)

        def hdrain(j, so, si):
            pltpu.make_async_copy(ones, odeg_sp.at[src_idx.at[j]], so).wait()
            pltpu.make_async_copy(ones, ideg_sp.at[dst_idx.at[j]], si).wait()

        hissue(0, sra0, srh0)

        def hist_chunk(j, _):
            nxt = j + 1

            @pl.when(jnp.logical_and(nxt < NCHUNK, nxt % 2 == 1))
            def _():
                hissue(nxt, sra1, srh1)

            @pl.when(jnp.logical_and(nxt < NCHUNK, nxt % 2 == 0))
            def _():
                hissue(nxt, sra0, srh0)

            @pl.when(j % 2 == 0)
            def _():
                hdrain(j, sra0, srh0)

            @pl.when(j % 2 == 1)
            def _():
                hdrain(j, sra1, srh1)
            return 0
        lax.fori_loop(0, NCHUNK, hist_chunk, 0)
        plsc.subcore_barrier()

        pltpu.sync_copy(odeg_sp.at[pl.ds(base, DWIN)], dbuf)

        def nsv(i, _):
            o = pl.multiple_of(i * 16, 16)
            d = jnp.maximum(dbuf[pl.ds(o, 16)], 1.0)
            y = _rsqrt16(d)
            ns_l[pl.ds(o, 16)] = y
            inv_l[pl.ds(o, 16)] = d * y
            return 0
        lax.fori_loop(0, DWIN // 16, nsv, 0)

        pltpu.sync_copy(ideg_sp.at[pl.ds(base, DWIN)], dbuf)

        def ndv(i, _):
            o = pl.multiple_of(i * 16, 16)
            d = jnp.maximum(dbuf[pl.ds(o, 16)], 1.0)
            nd_l[pl.ds(o, 16)] = _rsqrt16(d)
            return 0
        lax.fori_loop(0, DWIN // 16, ndv, 0)

        def g0chunk(u, _):
            rb = pl.multiple_of(base + u * RCH, RCH)
            pltpu.sync_copy(h0_hbm.at[c].at[pl.ds(rb, RCH), :], h0b0)

            def g0row(r, _):
                s = ns_l[pl.ds(u * RCH + r, 16)][0]
                for v in range(4):
                    h0v = h0b0[r, pl.ds(16 * v, 16)]
                    gnb0[r, pl.ds(16 * v, 16)] = s * h0v
                return 0
            lax.fori_loop(0, RCH, g0row, 0)
            pltpu.sync_copy(gnb0, g_hbm.at[c].at[pl.ds(rb, RCH), :])
            return 0
        lax.fori_loop(0, NRCH, g0chunk, 0)
        plsc.subcore_barrier()

        def issue(j, buf, sem):
            return pltpu.async_copy(g_hbm.at[c].at[src_idx.at[j]], buf, sem)

        def bread(u, ab, hb, sa, sh):
            rb = pl.multiple_of(base + u * RCH, RCH)
            pltpu.async_copy(acc_sp.at[pl.ds(rb, RCH), :], ab, sa)
            pltpu.async_copy(h0_hbm.at[c].at[pl.ds(rb, RCH), :], hb, sh)

        def bwait(u, ab, hb, sa, sh):
            rb = pl.multiple_of(base + u * RCH, RCH)
            pltpu.make_async_copy(
                acc_sp.at[pl.ds(rb, RCH), :], ab, sa).wait()
            pltpu.make_async_copy(
                h0_hbm.at[c].at[pl.ds(rb, RCH), :], hb, sh).wait()

        def gwrite(u, gb, sw):
            rb = pl.multiple_of(base + u * RCH, RCH)
            return pltpu.async_copy(gb, g_hbm.at[c].at[pl.ds(rb, RCH), :], sw)

        def gwdrain(u, gb, sw):
            rb = pl.multiple_of(base + u * RCH, RCH)
            pltpu.make_async_copy(gb, g_hbm.at[c].at[pl.ds(rb, RCH), :],
                                  sw).wait()

        gbufs = (gbuf0, gbuf1, gbuf2, gbuf3, gbuf4)
        gsems = (sem0, sem1, sem2, sem3, sem4)

        def step(_k, _):
            for bb in range(4):
                issue(bb, gbufs[bb], gsems[bb])

            def chunk(j, _):
                nxt = j + 4
                for b in range(5):
                    @pl.when(jnp.logical_and(nxt < NCHUNK, nxt % 5 == b))
                    def _(b=b):
                        issue(nxt, gbufs[b], gsems[b])

                for b in range(5):
                    @pl.when(j % 5 == b)
                    def _(b=b):
                        pltpu.make_async_copy(
                            g_hbm.at[c].at[src_idx.at[j]],
                            gbufs[b], gsems[b]).wait()
                        pltpu.sync_copy(gbufs[b], acc_sp.at[dst_idx.at[j]],
                                        add=True)
                return 0
            lax.fori_loop(0, NCHUNK, chunk, 0)
            plsc.subcore_barrier()

            bread(0, accb0, h0b0, sra0, srh0)

            def bcompute(u, ab, hb, gb):
                def brow(r, _):
                    li = u * RCH + r
                    s_ns = ns_l[pl.ds(li, 16)][0]
                    c1 = (1.0 - ALPHA) * s_ns * nd_l[pl.ds(li, 16)][0]
                    c2 = ALPHA * s_ns
                    for v in range(4):
                        av = ab[r, pl.ds(16 * v, 16)]
                        hv = hb[r, pl.ds(16 * v, 16)]
                        gb[r, pl.ds(16 * v, 16)] = c1 * av + c2 * hv
                    return 0
                lax.fori_loop(0, RCH, brow, 0)

            def bchunk(u, _):
                nxt = u + 1

                @pl.when(jnp.logical_and(nxt < NRCH, nxt % 2 == 1))
                def _():
                    bread(nxt, accb1, h0b1, sra1, srh1)

                @pl.when(jnp.logical_and(nxt < NRCH, nxt % 2 == 0))
                def _():
                    bread(nxt, accb0, h0b0, sra0, srh0)

                @pl.when(u % 2 == 0)
                def _():
                    bwait(u, accb0, h0b0, sra0, srh0)

                    @pl.when(u >= 2)
                    def _():
                        gwdrain(u - 2, gnb0, swg0)
                    bcompute(u, accb0, h0b0, gnb0)
                    gwrite(u, gnb0, swg0)

                @pl.when(u % 2 == 1)
                def _():
                    bwait(u, accb1, h0b1, sra1, srh1)

                    @pl.when(u >= 2)
                    def _():
                        gwdrain(u - 2, gnb1, swg1)
                    bcompute(u, accb1, h0b1, gnb1)
                    gwrite(u, gnb1, swg1)

                rb = pl.multiple_of(base + u * RCH, RCH)
                pltpu.sync_copy(zbuf, acc_sp.at[pl.ds(rb, RCH), :])
                return 0
            lax.fori_loop(0, NRCH, bchunk, 0)
            gwdrain(NRCH - 2, gnb0, swg0)
            gwdrain(NRCH - 1, gnb1, swg1)
            plsc.subcore_barrier()
            return 0
        lax.fori_loop(0, KSTEPS, step, 0)

        @pl.when(c == 0)
        def _():
            pltpu.sync_copy(inv_l.at[pl.ds(0, DWIN)],
                            inv_hbm.at[pl.ds(base, DWIN)])

    f32 = jnp.float32
    kern = pl.kernel(
        body,
        out_type=[
            jax.ShapeDtypeStruct((NC, NP, FH), f32),
            jax.ShapeDtypeStruct((NP,), f32),
        ],
        mesh=mesh,
        compiler_params=pltpu.CompilerParams(use_tc_tiling_on_sc=False),
        scratch_types=[
            pltpu.VMEM_SHARED((NP, FH), f32),
            pltpu.VMEM_SHARED((NP,), f32),
            pltpu.VMEM_SHARED((NP,), f32),
            pltpu.VMEM((NCHUNK, CH), jnp.int32),
            pltpu.VMEM((NCHUNK, CH), jnp.int32),
            pltpu.VMEM((CH, FH), f32),
            pltpu.VMEM((CH, FH), f32),
            pltpu.VMEM((CH, FH), f32),
            pltpu.VMEM((CH, FH), f32),
            pltpu.VMEM((CH, FH), f32),
            pltpu.VMEM((RCH, FH), f32),
            pltpu.VMEM((RCH, FH), f32),
            pltpu.VMEM((RCH, FH), f32),
            pltpu.VMEM((RCH, FH), f32),
            pltpu.VMEM((RCH, FH), f32),
            pltpu.VMEM((RCH, FH), f32),
            pltpu.VMEM((RCH, FH), f32),
            pltpu.VMEM((RCH,), f32),
            pltpu.VMEM((CH,), f32),
            pltpu.VMEM((DWIN,), f32),
            pltpu.VMEM((LBUF,), f32),
            pltpu.VMEM((LBUF,), f32),
            pltpu.VMEM((LBUF,), f32),
            pltpu.SemaphoreType.DMA,
            pltpu.SemaphoreType.DMA,
            pltpu.SemaphoreType.DMA,
            pltpu.SemaphoreType.DMA,
            pltpu.SemaphoreType.DMA,
            pltpu.SemaphoreType.DMA,
            pltpu.SemaphoreType.DMA,
            pltpu.SemaphoreType.DMA,
            pltpu.SemaphoreType.DMA,
            pltpu.SemaphoreType.DMA,
            pltpu.SemaphoreType.DMA,
        ],
    )
    g, inv_ns = kern(srcp, dstp, h0)
    return g, inv_ns


def _tc_linear(feat, W, b):
    def body(feat_ref, w_ref, b_ref, out_ref):
        h = lax.dot_general(feat_ref[...], w_ref[...],
                            (((1,), (1,)), ((), ())),
                            preferred_element_type=jnp.float32)
        h = jnp.maximum(h + b_ref[...][None, :], 0.0)
        out_ref[0, :N] = h[:, :FH]
        out_ref[1, :N] = h[:, FH:]
        pad = jnp.zeros((NP - N, FH), jnp.float32)
        out_ref[0, N:] = pad
        out_ref[1, N:] = pad

    return pl.pallas_call(
        body,
        out_shape=jax.ShapeDtypeStruct((NC, NP, FH), jnp.float32),
    )(feat, W, b)


def _tc_batchnorm(hfin, inv_ns, gamma, beta):
    def body(h_ref, inv_ref, g_ref, b_ref, out_ref):
        inv = inv_ref[pl.ds(0, N)][:, None]
        for half in range(NC):
            x = h_ref[half, :N] * inv
            m = jnp.mean(x, axis=0)
            var = jnp.mean((x - m[None, :]) ** 2, axis=0)
            scale = lax.rsqrt(var + BN_EPS) * g_ref[pl.ds(half * FH, FH)]
            out_ref[:, pl.ds(half * FH, FH)] = (
                (x - m[None, :]) * scale[None, :]
                + b_ref[pl.ds(half * FH, FH)][None, :])

    return pl.pallas_call(
        body,
        out_shape=jax.ShapeDtypeStruct((N, F), jnp.float32),
    )(hfin, inv_ns, gamma, beta)


@jax.jit
def kernel(feat, edge_index, W, b, gamma, beta):
    src = edge_index[0].astype(jnp.int32)
    dst = edge_index[1].astype(jnp.int32)
    pad = (N + jnp.arange(NT, dtype=jnp.int32))[:, None] * jnp.ones(
        (1, EPAD), jnp.int32)
    srcp = jnp.concatenate([src.reshape(NT, EPT), pad], axis=1)
    srcp = srcp.reshape(NT, NCHUNK, CH)
    dstp = jnp.concatenate([dst.reshape(NT, EPT), pad], axis=1)
    dstp = dstp.reshape(NT, NCHUNK, CH)

    h0 = _tc_linear(feat, W, b)
    g, inv_ns = _sc_propagate(srcp, dstp, h0)
    return _tc_batchnorm(g, inv_ns, gamma, beta)

# --- scband reference (transcript-rebuilt; emitter-appended) ---
"""Pipeline reference for scband-appnplayer-63874753626441 (READ-ONLY COPY).

The authoritative reference and input builder live on the scoring server;
editing this copy changes nothing except your own understanding.
"""

import jax, jax.numpy as jnp
import numpy as np

N_NODES = 10000
N_EDGES = 320000
IN_FEATS = 128
N_HIDDEN = 128
K = 10
ALPHA = 0.1
BN_EPS = 1e-5


def setup_inputs(seed: int = 0) -> dict:
    key = jax.random.key(seed)
    k1, k2, k3, k4 = jax.random.split(key, 4)
    feat = jax.random.normal(k1, (N_NODES, IN_FEATS), dtype=jnp.float32)
    edge_index = jax.random.randint(k2, (2, N_EDGES), 0, N_NODES, dtype=jnp.int64)
    # Linear layer params (kaiming-ish init)
    W = jax.random.normal(k3, (N_HIDDEN, IN_FEATS), dtype=jnp.float32) * (2.0 / IN_FEATS) ** 0.5
    b = jnp.zeros((N_HIDDEN,), dtype=jnp.float32)
    # BatchNorm affine params
    gamma = jnp.ones((N_HIDDEN,), dtype=jnp.float32)
    beta = jnp.zeros((N_HIDDEN,), dtype=jnp.float32)
    return {"feat": feat, "edge_index": edge_index, "W": W, "b": b, "gamma": gamma, "beta": beta}


def reference(feat, edge_index, W, b, gamma, beta):
    src = edge_index[0]
    dst = edge_index[1]
    # Linear + activation
    h = jax.nn.relu(feat @ W.T + b)
    # Degree-based symmetric normalization (DGL APPNPConv)
    ones = jnp.ones((src.shape[0],), dtype=jnp.float32)
    out_deg = jax.ops.segment_sum(ones, src, num_segments=N_NODES)
    in_deg = jax.ops.segment_sum(ones, dst, num_segments=N_NODES)
    norm_src = jnp.clip(out_deg, 1.0) ** (-0.5)
    norm_dst = jnp.clip(in_deg, 1.0) ** (-0.5)
    h0 = h
    for _ in range(K):
        m = h * norm_src[:, None]
        m = jnp.take(m, src, axis=0)          # gather from src nodes
        agg = jax.ops.segment_sum(m, dst, num_segments=N_NODES)  # scatter-add to dst
        h = agg * norm_dst[:, None]
        h = (1.0 - ALPHA) * h + ALPHA * h0
    # BatchNorm1d (training-mode batch statistics)
    mean = jnp.mean(h, axis=0)
    var = jnp.var(h, axis=0)
    out = (h - mean) / jnp.sqrt(var + BN_EPS) * gamma + beta
    return out

if __name__ == "__main__":
    import jax
    _d = setup_inputs()
    print(jax.jit(kernel)(*tuple(_d.values())))

</pallas_src>

<mosaic_0001>
#map = affine_map<(d0, d1) -> (0, 0, 0)>
#map1 = affine_map<(d0, d1) -> (0)>
module attributes {stable_mosaic.version = 14 : i64} {
  func.func @body(%arg0: i32, %arg1: i32, %arg2: memref<16x209x96xi32, #tpu.memory_space<hbm>>, %arg3: memref<16x209x96xi32, #tpu.memory_space<hbm>>, %arg4: memref<2x10240x64xf32, #tpu.memory_space<hbm>>, %arg5: memref<2x10240x64xf32, #tpu.memory_space<hbm>>, %arg6: memref<10240xf32, #tpu.memory_space<hbm>>, %arg7: memref<10240x64xf32, #tpu.memory_space<vmem_shared>>, %arg8: memref<10240xf32, #tpu.memory_space<vmem_shared>>, %arg9: memref<10240xf32, #tpu.memory_space<vmem_shared>>, %arg10: memref<209x96xi32, #tpu.memory_space<vmem>>, %arg11: memref<209x96xi32, #tpu.memory_space<vmem>>, %arg12: memref<96x64xf32, #tpu.memory_space<vmem>>, %arg13: memref<96x64xf32, #tpu.memory_space<vmem>>, %arg14: memref<96x64xf32, #tpu.memory_space<vmem>>, %arg15: memref<96x64xf32, #tpu.memory_space<vmem>>, %arg16: memref<96x64xf32, #tpu.memory_space<vmem>>, %arg17: memref<32x64xf32, #tpu.memory_space<vmem>>, %arg18: memref<32x64xf32, #tpu.memory_space<vmem>>, %arg19: memref<32x64xf32, #tpu.memory_space<vmem>>, %arg20: memref<32x64xf32, #tpu.memory_space<vmem>>, %arg21: memref<32x64xf32, #tpu.memory_space<vmem>>, %arg22: memref<32x64xf32, #tpu.memory_space<vmem>>, %arg23: memref<32x64xf32, #tpu.memory_space<vmem>>, %arg24: memref<32xf32, #tpu.memory_space<vmem>>, %arg25: memref<96xf32, #tpu.memory_space<vmem>>, %arg26: memref<640xf32, #tpu.memory_space<vmem>>, %arg27: memref<656xf32, #tpu.memory_space<vmem>>, %arg28: memref<656xf32, #tpu.memory_space<vmem>>, %arg29: memref<656xf32, #tpu.memory_space<vmem>>, %arg30: memref<!tpu.dma_semaphore, #tpu.memory_space<semaphore_mem>>, %arg31: memref<!tpu.dma_semaphore, #tpu.memory_space<semaphore_mem>>, %arg32: memref<!tpu.dma_semaphore, #tpu.memory_space<semaphore_mem>>, %arg33: memref<!tpu.dma_semaphore, #tpu.memory_space<semaphore_mem>>, %arg34: memref<!tpu.dma_semaphore, #tpu.memory_space<semaphore_mem>>, %arg35: memref<!tpu.dma_semaphore, #tpu.memory_space<semaphore_mem>>, %arg36: memref<!tpu.dma_semaphore, #tpu.memory_space<semaphore_mem>>, %arg37: memref<!tpu.dma_semaphore, #tpu.memory_space<semaphore_mem>>, %arg38: memref<!tpu.dma_semaphore, #tpu.memory_space<semaphore_mem>>, %arg39: memref<!tpu.dma_semaphore, #tpu.memory_space<semaphore_mem>>, %arg40: memref<!tpu.dma_semaphore, #tpu.memory_space<semaphore_mem>>) attributes {dimension_semantics = [#tpu.dimension_semantics<core_parallel>, #tpu.dimension_semantics<subcore_parallel>], iteration_bounds = array<i64: 2, 16>, scalar_prefetch = 0 : i64, scratch_operands = 34 : i64, tpu.core_type = #tpu.core_type<sc_vector_subcore>, window_params = [{transform_indices = #map}, {transform_indices = #map}, {transform_indices = #map}, {transform_indices = #map}, {transform_indices = #map1}]} {
    %mul3A = arith.constant 640 : i32
    %mul3A_0 = arith.muli %arg1, %mul3A : i32
    %multiple_of3A = tpu.assume_multiple %mul3A_0, 32 : i32
    "tpu.region"() ({
      %run_scoped3A = tpu.sem_alloc : memref<!tpu.dma_semaphore, #tpu.memory_space<semaphore_mem>>
      %dma_start3A_79 = arith.constant 0 : i32
      %dma_start3A_80 = arith.constant 0 : i32
      %dma_start3A_81 = tpu.memref_slice %arg2[%arg1, %dma_start3A_79, %dma_start3A_80] : memref<16x209x96xi32, #tpu.memory_space<hbm>> -> memref<1x209x96xi32, #tpu.memory_space<hbm>>
      %dma_start3A_82 = tpu.memref_squeeze %dma_start3A_81 : memref<1x209x96xi32, #tpu.memory_space<hbm>> -> memref<209x96xi32, #tpu.memory_space<hbm>>
      %dma_start3A_83 = arith.constant 0 : i32
      %dma_start3A_84 = arith.constant 0 : i32
      %dma_start3A_85 = tpu.memref_slice %arg2[%arg1, %dma_start3A_83, %dma_start3A_84] : memref<16x209x96xi32, #tpu.memory_space<hbm>> -> memref<1x209x96xi32, #tpu.memory_space<hbm>>
      %dma_start3A_86 = tpu.memref_squeeze %dma_start3A_85 : memref<1x209x96xi32, #tpu.memory_space<hbm>> -> memref<209x96xi32, #tpu.memory_space<hbm>>
      tpu.enqueue_dma source(%dma_start3A_86 : memref<209x96xi32, #tpu.memory_space<hbm>>) target(%arg10 : memref<209x96xi32, #tpu.memory_space<vmem>>) target_semaphore(%run_scoped3A : memref<!tpu.dma_semaphore, #tpu.memory_space<semaphore_mem>>)
      %dma_wait3A = arith.constant 0 : i32
      %dma_wait3A_87 = arith.constant 0 : i32
      %dma_wait3A_88 = tpu.memref_slice %arg2[%arg1, %dma_wait3A, %dma_wait3A_87] : memref<16x209x96xi32, #tpu.memory_space<hbm>> -> memref<1x209x96xi32, #tpu.memory_space<hbm>>
      %dma_wait3A_89 = tpu.memref_squeeze %dma_wait3A_88 : memref<1x209x96xi32, #tpu.memory_space<hbm>> -> memref<209x96xi32, #tpu.memory_space<hbm>>
      %dma_wait3A_90 = arith.constant 0 : i32
      %dma_wait3A_91 = arith.constant 0 : i32
      %dma_wait3A_92 = tpu.memref_slice %arg2[%arg1, %dma_wait3A_90, %dma_wait3A_91] : memref<16x209x96xi32, #tpu.memory_space<hbm>> -> memref<1x209x96xi32, #tpu.memory_space<hbm>>
      %dma_wait3A_93 = tpu.memref_squeeze %dma_wait3A_92 : memref<1x209x96xi32, #tpu.memory_space<hbm>> -> memref<209x96xi32, #tpu.memory_space<hbm>>
      tpu.wait_dma2 semaphore(%run_scoped3A : memref<!tpu.dma_semaphore, #tpu.memory_space<semaphore_mem>>) src(%dma_wait3A_93 : memref<209x96xi32, #tpu.memory_space<hbm>>) dst(%arg10 : memref<209x96xi32, #tpu.memory_space<vmem>>)
      tpu.yield
    }) : () -> ()
    "tpu.region"() ({
      %run_scoped3A = tpu.sem_alloc : memref<!tpu.dma_semaphore, #tpu.memory_space<semaphore_mem>>
      %dma_start3A_79 = arith.constant 0 : i32
      %dma_start3A_80 = arith.constant 0 : i32
      %dma_start3A_81 = tpu.memref_slice %arg3[%arg1, %dma_start3A_79, %dma_start3A_80] : memref<16x209x96xi32, #tpu.memory_space<hbm>> -> memref<1x209x96xi32, #tpu.memory_space<hbm>>
      %dma_start3A_82 = tpu.memref_squeeze %dma_start3A_81 : memref<1x209x96xi32, #tpu.memory_space<hbm>> -> memref<209x96xi32, #tpu.memory_space<hbm>>
      %dma_start3A_83 = arith.constant 0 : i32
      %dma_start3A_84 = arith.constant 0 : i32
      %dma_start3A_85 = tpu.memref_slice %arg3[%arg1, %dma_start3A_83, %dma_start3A_84] : memref<16x209x96xi32, #tpu.memory_space<hbm>> -> memref<1x209x96xi32, #tpu.memory_space<hbm>>
      %dma_start3A_86 = tpu.memref_squeeze %dma_start3A_85 : memref<1x209x96xi32, #tpu.memory_space<hbm>> -> memref<209x96xi32, #tpu.memory_space<hbm>>
      tpu.enqueue_dma source(%dma_start3A_86 : memref<209x96xi32, #tpu.memory_space<hbm>>) target(%arg11 : memref<209x96xi32, #tpu.memory_space<vmem>>) target_semaphore(%run_scoped3A : memref<!tpu.dma_semaphore, #tpu.memory_space<semaphore_mem>>)
      %dma_wait3A = arith.constant 0 : i32
      %dma_wait3A_87 = arith.constant 0 : i32
      %dma_wait3A_88 = tpu.memref_slice %arg3[%arg1, %dma_wait3A, %dma_wait3A_87] : memref<16x209x96xi32, #tpu.memory_space<hbm>> -> memref<1x209x96xi32, #tpu.memory_space<hbm>>
      %dma_wait3A_89 = tpu.memref_squeeze %dma_wait3A_88 : memref<1x209x96xi32, #tpu.memory_space<hbm>> -> memref<209x96xi32, #tpu.memory_space<hbm>>
      %dma_wait3A_90 = arith.constant 0 : i32
      %dma_wait3A_91 = arith.constant 0 : i32
      %dma_wait3A_92 = tpu.memref_slice %arg3[%arg1, %dma_wait3A_90, %dma_wait3A_91] : memref<16x209x96xi32, #tpu.memory_space<hbm>> -> memref<1x209x96xi32, #tpu.memory_space<hbm>>
      %dma_wait3A_93 = tpu.memref_squeeze %dma_wait3A_92 : memref<1x209x96xi32, #tpu.memory_space<hbm>> -> memref<209x96xi32, #tpu.memory_space<hbm>>
      tpu.wait_dma2 semaphore(%run_scoped3A : memref<!tpu.dma_semaphore, #tpu.memory_space<semaphore_mem>>) src(%dma_wait3A_93 : memref<209x96xi32, #tpu.memory_space<hbm>>) dst(%arg11 : memref<209x96xi32, #tpu.memory_space<vmem>>)
      tpu.yield
    }) : () -> ()
    %broadcast_in_dim3A = arith.constant 0.000000e+00 : f32
    %broadcast_in_dim3A_1 = vector.broadcast %broadcast_in_dim3A : f32 to vector<16xf32>
    %scan3A = arith.constant 0 : i32
    %scan3A_2 = arith.constant 0 : i32
    %scan3A_3 = arith.constant 32 : i32
    %scan3A_4 = arith.addi %scan3A_2, %scan3A_3 : i32
    %scan3A_5 = arith.constant 1 : i32
    %scan3A_6 = scf.for %scan3A_79 = %scan3A_2 to %scan3A_4 step %scan3A_5 iter_args(%scan3A_80 = %scan3A) -> (i32)  : i32 {
      %swap3A = arith.index_cast %scan3A_79 : i32 to index
      %swap3A_81 = arith.constant 0 : index
      %swap3A_82 = tpu.vector_load %arg23[%swap3A, %swap3A_81] {strides = array<i32>} : memref<32x64xf32, #tpu.memory_space<vmem>>, vector<1x16xf32>,
      %swap3A_83 = vector.shape_cast %swap3A_82 : vector<1x16xf32> to vector<16xf32>
      %swap3A_84 = vector.shape_cast %broadcast_in_dim3A_1 : vector<16xf32> to vector<1x16xf32>
      tpu.vector_store %arg23[%swap3A, %swap3A_81], %swap3A_84 {strides = array<i32>} : memref<32x64xf32, #tpu.memory_space<vmem>>, vector<1x16xf32>,
      %swap3A_85 = arith.index_cast %scan3A_79 : i32 to index
      %swap3A_86 = arith.constant 16 : index
      %swap3A_87 = tpu.vector_load %arg23[%swap3A_85, %swap3A_86] {strides = array<i32>} : memref<32x64xf32, #tpu.memory_space<vmem>>, vector<1x16xf32>,
      %swap3A_88 = vector.shape_cast %swap3A_87 : vector<1x16xf32> to vector<16xf32>
      %swap3A_89 = vector.shape_cast %broadcast_in_dim3A_1 : vector<16xf32> to vector<1x16xf32>
      tpu.vector_store %arg23[%swap3A_85, %swap3A_86], %swap3A_89 {strides = array<i32>} : memref<32x64xf32, #tpu.memory_space<vmem>>, vector<1x16xf32>,
      %swap3A_90 = arith.index_cast %scan3A_79 : i32 to index
      %swap3A_91 = arith.constant 32 : index
      %swap3A_92 = tpu.vector_load %arg23[%swap3A_90, %swap3A_91] {strides = array<i32>} : memref<32x64xf32, #tpu.memory_space<vmem>>, vector<1x16xf32>,
      %swap3A_93 = vector.shape_cast %swap3A_92 : vector<1x16xf32> to vector<16xf32>
      %swap3A_94 = vector.shape_cast %broadcast_in_dim3A_1 : vector<16xf32> to vector<1x16xf32>
      tpu.vector_store %arg23[%swap3A_90, %swap3A_91], %swap3A_94 {strides = array<i32>} : memref<32x64xf32, #tpu.memory_space<vmem>>, vector<1x16xf32>,
      %swap3A_95 = arith.index_cast %scan3A_79 : i32 to index
      %swap3A_96 = arith.constant 48 : index
      %swap3A_97 = tpu.vector_load %arg23[%swap3A_95, %swap3A_96] {strides = array<i32>} : memref<32x64xf32, #tpu.memory_space<vmem>>, vector<1x16xf32>,
      %swap3A_98 = vector.shape_cast %swap3A_97 : vector<1x16xf32> to vector<16xf32>
      %swap3A_99 = vector.shape_cast %broadcast_in_dim3A_1 : vector<16xf32> to vector<1x16xf32>
      tpu.vector_store %arg23[%swap3A_95, %swap3A_96], %swap3A_99 {strides = array<i32>} : memref<32x64xf32, #tpu.memory_space<vmem>>, vector<1x16xf32>,
      %scan3A_100 = arith.constant 0 : i32
      scf.yield %scan3A_100 : i32
    }
    %scan3A_7 = arith.constant 32 : i32
    %scan3A_8 = arith.constant 0 : i32
    %scan3A_9 = arith.constant 0 : i32
    %scan3A_10 = arith.constant 6 : i32
    %scan3A_11 = arith.addi %scan3A_9, %scan3A_10 : i32
    %scan3A_12 = arith.constant 1 : i32
    %scan3A_13 = scf.for %scan3A_79 = %scan3A_9 to %scan3A_11 step %scan3A_12 iter_args(%scan3A_80 = %scan3A_8) -> (i32)  : i32 {
      %add3A = arith.constant 1.000000e+00 : f32
      %add3A_81 = vector.broadcast %add3A : f32 to vector<16xf32>
      %add3A_82 = arith.addf %broadcast_in_dim3A_1, %add3A_81 : vector<16xf32>
      %mul3A_83 = arith.constant 16 : i32
      %mul3A_84 = arith.muli %scan3A_79, %mul3A_83 : i32
      %multiple_of3A_85 = tpu.assume_multiple %mul3A_84, 16 : i32
      %swap3A = arith.index_cast %multiple_of3A_85 : i32 to index
      %swap3A_86 = tpu.vector_load %arg25[%swap3A] {strides = array<i32>} : memref<96xf32, #tpu.memory_space<vmem>>, vector<16xf32>,
      %swap3A_87 = vector.shape_cast %swap3A_86 : vector<16xf32> to vector<16xf32>
      %swap3A_88 = vector.shape_cast %add3A_82 : vector<16xf32> to vector<16xf32>
      tpu.vector_store %arg25[%swap3A], %swap3A_88 {strides = array<i32>} : memref<96xf32, #tpu.memory_space<vmem>>, vector<16xf32>,
      %scan3A_89 = arith.constant 0 : i32
      scf.yield %scan3A_89 : i32
    }
    %scan3A_14 = arith.constant 6 : i32
    %scan3A_15 = arith.constant 0 : i32
    %scan3A_16 = arith.constant 0 : i32
    %scan3A_17 = arith.constant 2 : i32
    %scan3A_18 = arith.addi %scan3A_16, %scan3A_17 : i32
    %scan3A_19 = arith.constant 1 : i32
    %scan3A_20 = scf.for %scan3A_79 = %scan3A_16 to %scan3A_18 step %scan3A_19 iter_args(%scan3A_80 = %scan3A_15) -> (i32)  : i32 {
      %mul3A_81 = arith.constant 16 : i32
      %mul3A_82 = arith.muli %scan3A_79, %mul3A_81 : i32
      %multiple_of3A_83 = tpu.assume_multiple %mul3A_82, 16 : i32
      %swap3A = arith.index_cast %multiple_of3A_83 : i32 to index
      %swap3A_84 = tpu.vector_load %arg24[%swap3A] {strides = array<i32>} : memref<32xf32, #tpu.memory_space<vmem>>, vector<16xf32>,
      %swap3A_85 = vector.shape_cast %swap3A_84 : vector<16xf32> to vector<16xf32>
      %swap3A_86 = vector.shape_cast %broadcast_in_dim3A_1 : vector<16xf32> to vector<16xf32>
      tpu.vector_store %arg24[%swap3A], %swap3A_86 {strides = array<i32>} : memref<32xf32, #tpu.memory_space<vmem>>, vector<16xf32>,
      %scan3A_87 = arith.constant 0 : i32
      scf.yield %scan3A_87 : i32
    }
    %scan3A_21 = arith.constant 2 : i32
    %scan3A_22 = arith.constant 0 : i32
    %scan3A_23 = arith.constant 0 : i32
    %scan3A_24 = arith.constant 20 : i32
    %scan3A_25 = arith.addi %scan3A_23, %scan3A_24 : i32
    %scan3A_26 = arith.constant 1 : i32
    %scan3A_27 = scf.for %scan3A_79 = %scan3A_23 to %scan3A_25 step %scan3A_26 iter_args(%scan3A_80 = %scan3A_22) -> (i32)  : i32 {
      %mul3A_81 = arith.constant 32 : i32
      %mul3A_82 = arith.muli %scan3A_79, %mul3A_81 : i32
      %add3A = arith.addi %multiple_of3A, %mul3A_82 : i32
      %multiple_of3A_83 = tpu.assume_multiple %add3A, 32 : i32
      "tpu.region"() ({
        %run_scoped3A = tpu.sem_alloc : memref<!tpu.dma_semaphore, #tpu.memory_space<semaphore_mem>>
        %dma_start3A_85 = arith.constant 0 : i32
        %dma_start3A_86 = tpu.memref_slice %arg7[%multiple_of3A_83, %dma_start3A_85] : memref<10240x64xf32, #tpu.memory_space<vmem_shared>> -> memref<32x64xf32, #tpu.memory_space<vmem_shared>>
        %dma_start3A_87 = arith.constant 0 : i32
        %dma_start3A_88 = tpu.memref_slice %arg7[%multiple_of3A_83, %dma_start3A_87] : memref<10240x64xf32, #tpu.memory_space<vmem_shared>> -> memref<32x64xf32, #tpu.memory_space<vmem_shared>>
        tpu.enqueue_dma source(%arg23 : memref<32x64xf32, #tpu.memory_space<vmem>>) target(%dma_start3A_88 : memref<32x64xf32, #tpu.memory_space<vmem_shared>>) target_semaphore(%run_scoped3A : memref<!tpu.dma_semaphore, #tpu.memory_space<semaphore_mem>>)
        %dma_wait3A = arith.constant 0 : i32
        %dma_wait3A_89 = tpu.memref_slice %arg7[%multiple_of3A_83, %dma_wait3A] : memref<10240x64xf32, #tpu.memory_space<vmem_shared>> -> memref<32x64xf32, #tpu.memory_space<vmem_shared>>
        %dma_wait3A_90 = arith.constant 0 : i32
        %dma_wait3A_91 = tpu.memref_slice %arg7[%multiple_of3A_83, %dma_wait3A_90] : memref<10240x64xf32, #tpu.memory_space<vmem_shared>> -> memref<32x64xf32, #tpu.memory_space<vmem_shared>>
        tpu.wait_dma2 semaphore(%run_scoped3A : memref<!tpu.dma_semaphore, #tpu.memory_space<semaphore_mem>>) src(%arg23 : memref<32x64xf32, #tpu.memory_space<vmem>>) dst(%dma_wait3A_91 : memref<32x64xf32, #tpu.memory_space<vmem_shared>>)
        tpu.yield
      }) : () -> ()
      "tpu.region"() ({
        %run_scoped3A = tpu.sem_alloc : memref<!tpu.dma_semaphore, #tpu.memory_space<semaphore_mem>>
        %dma_start3A_85 = tpu.memref_slice %arg8[%multiple_of3A_83] : memref<10240xf32, #tpu.memory_space<vmem_shared>> -> memref<32xf32, #tpu.memory_space<vmem_shared>>
        %dma_start3A_86 = tpu.memref_slice %arg8[%multiple_of3A_83] : memref<10240xf32, #tpu.memory_space<vmem_shared>> -> memref<32xf32, #tpu.memory_space<vmem_shared>>
        tpu.enqueue_dma source(%arg24 : memref<32xf32, #tpu.memory_space<vmem>>) target(%dma_start3A_86 : memref<32xf32, #tpu.memory_space<vmem_shared>>) target_semaphore(%run_scoped3A : memref<!tpu.dma_semaphore, #tpu.memory_space<semaphore_mem>>)
        %dma_wait3A = tpu.memref_slice %arg8[%multiple_of3A_83] : memref<10240xf32, #tpu.memory_space<vmem_shared>> -> memref<32xf32, #tpu.memory_space<vmem_shared>>
        %dma_wait3A_87 = tpu.memref_slice %arg8[%multiple_of3A_83] : memref<10240xf32, #tpu.memory_space<vmem_shared>> -> memref<32xf32, #tpu.memory_space<vmem_shared>>
        tpu.wait_dma2 semaphore(%run_scoped3A : memref<!tpu.dma_semaphore, #tpu.memory_space<semaphore_mem>>) src(%arg24 : memref<32xf32, #tpu.memory_space<vmem>>) dst(%dma_wait3A_87 : memref<32xf32, #tpu.memory_space<vmem_shared>>)
        tpu.yield
      }) : () -> ()
      "tpu.region"() ({
        %run_scoped3A = tpu.sem_alloc : memref<!tpu.dma_semaphore, #tpu.memory_space<semaphore_mem>>
        %dma_start3A_85 = tpu.memref_slice %arg9[%multiple_of3A_83] : memref<10240xf32, #tpu.memory_space<vmem_shared>> -> memref<32xf32, #tpu.memory_space<vmem_shared>>
        %dma_start3A_86 = tpu.memref_slice %arg9[%multiple_of3A_83] : memref<10240xf32, #tpu.memory_space<vmem_shared>> -> memref<32xf32, #tpu.memory_space<vmem_shared>>
        tpu.enqueue_dma source(%arg24 : memref<32xf32, #tpu.memory_space<vmem>>) target(%dma_start3A_86 : memref<32xf32, #tpu.memory_space<vmem_shared>>) target_semaphore(%run_scoped3A : memref<!tpu.dma_semaphore, #tpu.memory_space<semaphore_mem>>)
        %dma_wait3A = tpu.memref_slice %arg9[%multiple_of3A_83] : memref<10240xf32, #tpu.memory_space<vmem_shared>> -> memref<32xf32, #tpu.memory_space<vmem_shared>>
        %dma_wait3A_87 = tpu.memref_slice %arg9[%multiple_of3A_83] : memref<10240xf32, #tpu.memory_space<vmem_shared>> -> memref<32xf32, #tpu.memory_space<vmem_shared>>
        tpu.wait_dma2 semaphore(%run_scoped3A : memref<!tpu.dma_semaphore, #tpu.memory_space<semaphore_mem>>) src(%arg24 : memref<32xf32, #tpu.memory_space<vmem>>) dst(%dma_wait3A_87 : memref<32xf32, #tpu.memory_space<vmem_shared>>)
        tpu.yield
      }) : () -> ()
      %scan3A_84 = arith.constant 0 : i32
      scf.yield %scan3A_84 : i32
    }
    %scan3A_28 = arith.constant 20 : i32
    %barrier3A = arith.constant 0 : index
    tpu.barrier barrier_id(%barrier3A)
    %dma_start3A = arith.constant 0 : i32
    %dma_start3A_29 = arith.constant 0 : i32
    %dma_start3A_30 = tpu.memref_slice %arg10[%dma_start3A, %dma_start3A_29] : memref<209x96xi32, #tpu.memory_space<vmem>> -> memref<1x96xi32, #tpu.memory_space<vmem>>
    %dma_start3A_31 = tpu.memref_squeeze %dma_start3A_30 : memref<1x96xi32, #tpu.memory_space<vmem>> -> memref<96xi32, #tpu.memory_space<vmem>>
    %dma_start3A_32 = arith.constant 0 : i32
    %dma_start3A_33 = tpu.memref_slice %arg8[%dma_start3A_32] : memref<10240xf32, #tpu.memory_space<vmem_shared>> -> memref<10240xf32, #tpu.memory_space<vmem_shared>>
    tpu.enqueue_indirect_dma source(%arg25 : memref<96xf32, #tpu.memory_space<vmem>>) target(%dma_start3A_33 : memref<10240xf32, #tpu.memory_space<vmem_shared>>) offsets(%dma_start3A_31 : memref<96xi32, #tpu.memory_space<vmem>>) semaphore(%arg35 : memref<!tpu.dma_semaphore, #tpu.memory_space<semaphore_mem>>) {add = true}
    %dma_start3A_34 = arith.constant 0 : i32
    %dma_start3A_35 = arith.constant 0 : i32
    %dma_start3A_36 = tpu.memref_slice %arg11[%dma_start3A_34, %dma_start3A_35] : memref<209x96xi32, #tpu.memory_space<vmem>> -> memref<1x96xi32, #tpu.memory_space<vmem>>
    %dma_start3A_37 = tpu.memref_squeeze %dma_start3A_36 : memref<1x96xi32, #tpu.memory_space<vmem>> -> memref<96xi32, #tpu.memory_space<vmem>>
    %dma_start3A_38 = arith.constant 0 : i32
    %dma_start3A_39 = tpu.memref_slice %arg9[%dma_start3A_38] : memref<10240xf32, #tpu.memory_space<vmem_shared>> -> memref<10240xf32, #tpu.memory_space<vmem_shared>>
    tpu.enqueue_indirect_dma source(%arg25 : memref<96xf32, #tpu.memory_space<vmem>>) target(%dma_start3A_39 : memref<10240xf32, #tpu.memory_space<vmem_shared>>) offsets(%dma_start3A_37 : memref<96xi32, #tpu.memory_space<vmem>>) semaphore(%arg37 : memref<!tpu.dma_semaphore, #tpu.memory_space<semaphore_mem>>) {add = true}
    %scan3A_40 = arith.constant 0 : i32
    %scan3A_41 = arith.constant 0 : i32
    %scan3A_42 = arith.constant 209 : i32
    %scan3A_43 = arith.addi %scan3A_41, %scan3A_42 : i32
    %scan3A_44 = arith.constant 1 : i32
    %scan3A_45 = scf.for %scan3A_79 = %scan3A_41 to %scan3A_43 step %scan3A_44 iter_args(%scan3A_80 = %scan3A_40) -> (i32)  : i32 {
      %add3A = arith.constant 1 : i32
      %add3A_81 = arith.addi %scan3A_79, %add3A : i32
      %lt3A = arith.constant 209 : i32
      %lt3A_82 = arith.cmpi slt, %add3A_81, %lt3A : i32
      %jit3A = arith.constant 2 : i32
      %eq3A_83 = arith.constant 0 : i32
      %eq3A_84 = arith.cmpi eq, %jit3A, %eq3A_83 : i32
      %jit3A_85 = arith.constant 1 : i32
      %select_n3A = arith.select %eq3A_84, %jit3A_85, %jit3A : i32
      %rem3A = arith.remsi %add3A_81, %select_n3A : i32
      %ne3A = arith.constant 0 : i32
      %ne3A_86 = arith.cmpi ne, %rem3A, %ne3A : i32
      %lt3A_87 = arith.constant 0 : i32
      %lt3A_88 = arith.cmpi slt, %rem3A, %lt3A_87 : i32
      %lt3A_89 = arith.constant 0 : i32
      %lt3A_90 = arith.cmpi slt, %select_n3A, %lt3A_89 : i32
      %ne3A_91 = arith.xori %lt3A_88, %lt3A_90 : i1
      %and3A = arith.andi %ne3A_91, %ne3A_86 : i1
      %add3A_92 = arith.addi %rem3A, %select_n3A : i32
      %select_n3A_93 = arith.select %and3A, %add3A_92, %rem3A : i32
      %eq3A_94 = arith.constant 1 : i32
      %eq3A_95 = arith.cmpi eq, %select_n3A_93, %eq3A_94 : i32
      %and3A_96 = arith.andi %lt3A_82, %eq3A_95 : i1
      %convert_element_type3A_97 = arith.extui %and3A_96 : i1 to i32
      %cond3A_98 = arith.constant 0 : i32
      %cond3A_99 = arith.cmpi ne, %convert_element_type3A_97, %cond3A_98 : i32
      scf.if %cond3A_99 {
        %dma_start3A_167 = arith.constant 0 : i32
        %dma_start3A_168 = tpu.memref_slice %arg10[%add3A_81, %dma_start3A_167] : memref<209x96xi32, #tpu.memory_space<vmem>> -> memref<1x96xi32, #tpu.memory_space<vmem>>
        %dma_start3A_169 = tpu.memref_squeeze %dma_start3A_168 : memref<1x96xi32, #tpu.memory_space<vmem>> -> memref<96xi32, #tpu.memory_space<vmem>>
        %dma_start3A_170 = arith.constant 0 : i32
        %dma_start3A_171 = tpu.memref_slice %arg8[%dma_start3A_170] : memref<10240xf32, #tpu.memory_space<vmem_shared>> -> memref<10240xf32, #tpu.memory_space<vmem_shared>>
        tpu.enqueue_indirect_dma source(%arg25 : memref<96xf32, #tpu.memory_space<vmem>>) target(%dma_start3A_171 : memref<10240xf32, #tpu.memory_space<vmem_shared>>) offsets(%dma_start3A_169 : memref<96xi32, #tpu.memory_space<vmem>>) semaphore(%arg36 : memref<!tpu.dma_semaphore, #tpu.memory_space<semaphore_mem>>) {add = true}
        %dma_start3A_172 = arith.constant 0 : i32
        %dma_start3A_173 = tpu.memref_slice %arg11[%add3A_81, %dma_start3A_172] : memref<209x96xi32, #tpu.memory_space<vmem>> -> memref<1x96xi32, #tpu.memory_space<vmem>>
        %dma_start3A_174 = tpu.memref_squeeze %dma_start3A_173 : memref<1x96xi32, #tpu.memory_space<vmem>> -> memref<96xi32, #tpu.memory_space<vmem>>
        %dma_start3A_175 = arith.constant 0 : i32
        %dma_start3A_176 = tpu.memref_slice %arg9[%dma_start3A_175] : memref<10240xf32, #tpu.memory_space<vmem_shared>> -> memref<10240xf32, #tpu.memory_space<vmem_shared>>
        tpu.enqueue_indirect_dma source(%arg25 : memref<96xf32, #tpu.memory_space<vmem>>) target(%dma_start3A_176 : memref<10240xf32, #tpu.memory_space<vmem_shared>>) offsets(%dma_start3A_174 : memref<96xi32, #tpu.memory_space<vmem>>) semaphore(%arg38 : memref<!tpu.dma_semaphore, #tpu.memory_space<semaphore_mem>>) {add = true}
      } else {
      }
      %lt3A_100 = arith.constant 209 : i32
      %lt3A_101 = arith.cmpi slt, %add3A_81, %lt3A_100 : i32
      %jit3A_102 = arith.constant 2 : i32
      %eq3A_103 = arith.constant 0 : i32
      %eq3A_104 = arith.cmpi eq, %jit3A_102, %eq3A_103 : i32
      %jit3A_105 = arith.constant 1 : i32
      %select_n3A_106 = arith.select %eq3A_104, %jit3A_105, %jit3A_102 : i32
      %rem3A_107 = arith.remsi %add3A_81, %select_n3A_106 : i32
      %ne3A_108 = arith.constant 0 : i32
      %ne3A_109 = arith.cmpi ne, %rem3A_107, %ne3A_108 : i32
      %lt3A_110 = arith.constant 0 : i32
      %lt3A_111 = arith.cmpi slt, %rem3A_107, %lt3A_110 : i32
      %lt3A_112 = arith.constant 0 : i32
      %lt3A_113 = arith.cmpi slt, %select_n3A_106, %lt3A_112 : i32
      %ne3A_114 = arith.xori %lt3A_111, %lt3A_113 : i1
      %and3A_115 = arith.andi %ne3A_114, %ne3A_109 : i1
      %add3A_116 = arith.addi %rem3A_107, %select_n3A_106 : i32
      %select_n3A_117 = arith.select %and3A_115, %add3A_116, %rem3A_107 : i32
      %eq3A_118 = arith.constant 0 : i32
      %eq3A_119 = arith.cmpi eq, %select_n3A_117, %eq3A_118 : i32
      %and3A_120 = arith.andi %lt3A_101, %eq3A_119 : i1
      %convert_element_type3A_121 = arith.extui %and3A_120 : i1 to i32
      %cond3A_122 = arith.constant 0 : i32
      %cond3A_123 = arith.cmpi ne, %convert_element_type3A_121, %cond3A_122 : i32
      scf.if %cond3A_123 {
        %dma_start3A_167 = arith.constant 0 : i32
        %dma_start3A_168 = tpu.memref_slice %arg10[%add3A_81, %dma_start3A_167] : memref<209x96xi32, #tpu.memory_space<vmem>> -> memref<1x96xi32, #tpu.memory_space<vmem>>
        %dma_start3A_169 = tpu.memref_squeeze %dma_start3A_168 : memref<1x96xi32, #tpu.memory_space<vmem>> -> memref<96xi32, #tpu.memory_space<vmem>>
        %dma_start3A_170 = arith.constant 0 : i32
        %dma_start3A_171 = tpu.memref_slice %arg8[%dma_start3A_170] : memref<10240xf32, #tpu.memory_space<vmem_shared>> -> memref<10240xf32, #tpu.memory_space<vmem_shared>>
        tpu.enqueue_indirect_dma source(%arg25 : memref<96xf32, #tpu.memory_space<vmem>>) target(%dma_start3A_171 : memref<10240xf32, #tpu.memory_space<vmem_shared>>) offsets(%dma_start3A_169 : memref<96xi32, #tpu.memory_space<vmem>>) semaphore(%arg35 : memref<!tpu.dma_semaphore, #tpu.memory_space<semaphore_mem>>) {add = true}
        %dma_start3A_172 = arith.constant 0 : i32
        %dma_start3A_173 = tpu.memref_slice %arg11[%add3A_81, %dma_start3A_172] : memref<209x96xi32, #tpu.memory_space<vmem>> -> memref<1x96xi32, #tpu.memory_space<vmem>>
        %dma_start3A_174 = tpu.memref_squeeze %dma_start3A_173 : memref<1x96xi32, #tpu.memory_space<vmem>> -> memref<96xi32, #tpu.memory_space<vmem>>
        %dma_start3A_175 = arith.constant 0 : i32
        %dma_start3A_176 = tpu.memref_slice %arg9[%dma_start3A_175] : memref<10240xf32, #tpu.memory_space<vmem_shared>> -> memref<10240xf32, #tpu.memory_space<vmem_shared>>
        tpu.enqueue_indirect_dma source(%arg25 : memref<96xf32, #tpu.memory_space<vmem>>) target(%dma_start3A_176 : memref<10240xf32, #tpu.memory_space<vmem_shared>>) offsets(%dma_start3A_174 : memref<96xi32, #tpu.memory_space<vmem>>) semaphore(%arg37 : memref<!tpu.dma_semaphore, #tpu.memory_space<semaphore_mem>>) {add = true}
      } else {
      }
      %jit3A_124 = arith.constant 2 : i32
      %eq3A_125 = arith.constant 0 : i32
      %eq3A_126 = arith.cmpi eq, %jit3A_124, %eq3A_125 : i32
      %jit3A_127 = arith.constant 1 : i32
      %select_n3A_128 = arith.select %eq3A_126, %jit3A_127, %jit3A_124 : i32
      %rem3A_129 = arith.remsi %scan3A_79, %select_n3A_128 : i32
      %ne3A_130 = arith.constant 0 : i32
      %ne3A_131 = arith.cmpi ne, %rem3A_129, %ne3A_130 : i32
      %lt3A_132 = arith.constant 0 : i32
      %lt3A_133 = arith.cmpi slt, %rem3A_129, %lt3A_132 : i32
      %lt3A_134 = arith.constant 0 : i32
      %lt3A_135 = arith.cmpi slt, %select_n3A_128, %lt3A_134 : i32
      %ne3A_136 = arith.xori %lt3A_133, %lt3A_135 : i1
      %and3A_137 = arith.andi %ne3A_136, %ne3A_131 : i1
      %add3A_138 = arith.addi %rem3A_129, %select_n3A_128 : i32
      %select_n3A_139 = arith.select %and3A_137, %add3A_138, %rem3A_129 : i32
      %eq3A_140 = arith.constant 0 : i32
      %eq3A_141 = arith.cmpi eq, %select_n3A_139, %eq3A_140 : i32
      %convert_element_type3A_142 = arith.extui %eq3A_141 : i1 to i32
      %cond3A_143 = arith.constant 0 : i32
      %cond3A_144 = arith.cmpi ne, %convert_element_type3A_142, %cond3A_143 : i32
      scf.if %cond3A_144 {
        %dma_wait3A = arith.constant 0 : i32
        %dma_wait3A_167 = tpu.memref_slice %arg10[%scan3A_79, %dma_wait3A] : memref<209x96xi32, #tpu.memory_space<vmem>> -> memref<1x96xi32, #tpu.memory_space<vmem>>
        %dma_wait3A_168 = tpu.memref_squeeze %dma_wait3A_167 : memref<1x96xi32, #tpu.memory_space<vmem>> -> memref<96xi32, #tpu.memory_space<vmem>>
        %dma_wait3A_169 = arith.constant 0 : i32
        %dma_wait3A_170 = tpu.memref_slice %arg8[%dma_wait3A_169] : memref<10240xf32, #tpu.memory_space<vmem_shared>> -> memref<10240xf32, #tpu.memory_space<vmem_shared>>
        tpu.wait_indirect_dma semaphore(%arg35 : memref<!tpu.dma_semaphore, #tpu.memory_space<semaphore_mem>>) src(%arg25 : memref<96xf32, #tpu.memory_space<vmem>>) dst(%dma_wait3A_170 : memref<10240xf32, #tpu.memory_space<vmem_shared>>)
        %dma_wait3A_171 = arith.constant 0 : i32
        %dma_wait3A_172 = tpu.memref_slice %arg11[%scan3A_79, %dma_wait3A_171] : memref<209x96xi32, #tpu.memory_space<vmem>> -> memref<1x96xi32, #tpu.memory_space<vmem>>
        %dma_wait3A_173 = tpu.memref_squeeze %dma_wait3A_172 : memref<1x96xi32, #tpu.memory_space<vmem>> -> memref<96xi32, #tpu.memory_space<vmem>>
        %dma_wait3A_174 = arith.constant 0 : i32
        %dma_wait3A_175 = tpu.memref_slice %arg9[%dma_wait3A_174] : memref<10240xf32, #tpu.memory_space<vmem_shared>> -> memref<10240xf32, #tpu.memory_space<vmem_shared>>
        tpu.wait_indirect_dma semaphore(%arg37 : memref<!tpu.dma_semaphore, #tpu.memory_space<semaphore_mem>>) src(%arg25 : memref<96xf32, #tpu.memory_space<vmem>>) dst(%dma_wait3A_175 : memref<10240xf32, #tpu.memory_space<vmem_shared>>)
      } else {
      }
      %jit3A_145 = arith.constant 2 : i32
      %eq3A_146 = arith.constant 0 : i32
      %eq3A_147 = arith.cmpi eq, %jit3A_145, %eq3A_146 : i32
      %jit3A_148 = arith.constant 1 : i32
      %select_n3A_149 = arith.select %eq3A_147, %jit3A_148, %jit3A_145 : i32
      %rem3A_150 = arith.remsi %scan3A_79, %select_n3A_149 : i32
      %ne3A_151 = arith.constant 0 : i32
      %ne3A_152 = arith.cmpi ne, %rem3A_150, %ne3A_151 : i32
      %lt3A_153 = arith.constant 0 : i32
      %lt3A_154 = arith.cmpi slt, %rem3A_150, %lt3A_153 : i32
      %lt3A_155 = arith.constant 0 : i32
      %lt3A_156 = arith.cmpi slt, %select_n3A_149, %lt3A_155 : i32
      %ne3A_157 = arith.xori %lt3A_154, %lt3A_156 : i1
      %and3A_158 = arith.andi %ne3A_157, %ne3A_152 : i1
      %add3A_159 = arith.addi %rem3A_150, %select_n3A_149 : i32
      %select_n3A_160 = arith.select %and3A_158, %add3A_159, %rem3A_150 : i32
      %eq3A_161 = arith.constant 1 : i32
      %eq3A_162 = arith.cmpi eq, %select_n3A_160, %eq3A_161 : i32
      %convert_element_type3A_163 = arith.extui %eq3A_162 : i1 to i32
      %cond3A_164 = arith.constant 0 : i32
      %cond3A_165 = arith.cmpi ne, %convert_element_type3A_163, %cond3A_164 : i32
      scf.if %cond3A_165 {
        %dma_wait3A = arith.constant 0 : i32
        %dma_wait3A_167 = tpu.memref_slice %arg10[%scan3A_79, %dma_wait3A] : memref<209x96xi32, #tpu.memory_space<vmem>> -> memref<1x96xi32, #tpu.memory_space<vmem>>
        %dma_wait3A_168 = tpu.memref_squeeze %dma_wait3A_167 : memref<1x96xi32, #tpu.memory_space<vmem>> -> memref<96xi32, #tpu.memory_space<vmem>>
        %dma_wait3A_169 = arith.constant 0 : i32
        %dma_wait3A_170 = tpu.memref_slice %arg8[%dma_wait3A_169] : memref<10240xf32, #tpu.memory_space<vmem_shared>> -> memref<10240xf32, #tpu.memory_space<vmem_shared>>
        tpu.wait_indirect_dma semaphore(%arg36 : memref<!tpu.dma_semaphore, #tpu.memory_space<semaphore_mem>>) src(%arg25 : memref<96xf32, #tpu.memory_space<vmem>>) dst(%dma_wait3A_170 : memref<10240xf32, #tpu.memory_space<vmem_shared>>)
        %dma_wait3A_171 = arith.constant 0 : i32
        %dma_wait3A_172 = tpu.memref_slice %arg11[%scan3A_79, %dma_wait3A_171] : memref<209x96xi32, #tpu.memory_space<vmem>> -> memref<1x96xi32, #tpu.memory_space<vmem>>
        %dma_wait3A_173 = tpu.memref_squeeze %dma_wait3A_172 : memref<1x96xi32, #tpu.memory_space<vmem>> -> memref<96xi32, #tpu.memory_space<vmem>>
        %dma_wait3A_174 = arith.constant 0 : i32
        %dma_wait3A_175 = tpu.memref_slice %arg9[%dma_wait3A_174] : memref<10240xf32, #tpu.memory_space<vmem_shared>> -> memref<10240xf32, #tpu.memory_space<vmem_shared>>
        tpu.wait_indirect_dma semaphore(%arg38 : memref<!tpu.dma_semaphore, #tpu.memory_space<semaphore_mem>>) src(%arg25 : memref<96xf32, #tpu.memory_space<vmem>>) dst(%dma_wait3A_175 : memref<10240xf32, #tpu.memory_space<vmem_shared>>)
      } else {
      }
      %scan3A_166 = arith.constant 0 : i32
      scf.yield %scan3A_166 : i32
    }
    %scan3A_46 = arith.constant 209 : i32
    %barrier3A_47 = arith.constant 0 : index
    tpu.barrier barrier_id(%barrier3A_47)
    "tpu.region"() ({
      %run_scoped3A = tpu.sem_alloc : memref<!tpu.dma_semaphore, #tpu.memory_space<semaphore_mem>>
      %dma_start3A_79 = tpu.memref_slice %arg8[%multiple_of3A] : memref<10240xf32, #tpu.memory_space<vmem_shared>> -> memref<640xf32, #tpu.memory_space<vmem_shared>>
      %dma_start3A_80 = tpu.memref_slice %arg8[%multiple_of3A] : memref<10240xf32, #tpu.memory_space<vmem_shared>> -> memref<640xf32, #tpu.memory_space<vmem_shared>>
      tpu.enqueue_dma source(%dma_start3A_80 : memref<640xf32, #tpu.memory_space<vmem_shared>>) target(%arg26 : memref<640xf32, #tpu.memory_space<vmem>>) target_semaphore(%run_scoped3A : memref<!tpu.dma_semaphore, #tpu.memory_space<semaphore_mem>>)
      %dma_wait3A = tpu.memref_slice %arg8[%multiple_of3A] : memref<10240xf32, #tpu.memory_space<vmem_shared>> -> memref<640xf32, #tpu.memory_space<vmem_shared>>
      %dma_wait3A_81 = tpu.memref_slice %arg8[%multiple_of3A] : memref<10240xf32, #tpu.memory_space<vmem_shared>> -> memref<640xf32, #tpu.memory_space<vmem_shared>>
      tpu.wait_dma2 semaphore(%run_scoped3A : memref<!tpu.dma_semaphore, #tpu.memory_space<semaphore_mem>>) src(%dma_wait3A_81 : memref<640xf32, #tpu.memory_space<vmem_shared>>) dst(%arg26 : memref<640xf32, #tpu.memory_space<vmem>>)
      tpu.yield
    }) : () -> ()
    %scan3A_48 = arith.constant 0 : i32
    %scan3A_49 = arith.constant 0 : i32
    %scan3A_50 = arith.constant 40 : i32
    %scan3A_51 = arith.addi %scan3A_49, %scan3A_50 : i32
    %scan3A_52 = arith.constant 1 : i32
    %scan3A_53 = scf.for %scan3A_79 = %scan3A_49 to %scan3A_51 step %scan3A_52 iter_args(%scan3A_80 = %scan3A_48) -> (i32)  : i32 {
      %mul3A_81 = arith.constant 16 : i32
      %mul3A_82 = arith.muli %scan3A_79, %mul3A_81 : i32
      %multiple_of3A_83 = tpu.assume_multiple %mul3A_82, 16 : i32
      %get3A = arith.index_cast %multiple_of3A_83 : i32 to index
      %get3A_84 = tpu.vector_load %arg26[%get3A] {strides = array<i32>} : memref<640xf32, #tpu.memory_space<vmem>>, vector<16xf32>,
      %get3A_85 = vector.shape_cast %get3A_84 : vector<16xf32> to vector<16xf32>
      %max3A = arith.constant 1.000000e+00 : f32
      %max3A_86 = vector.broadcast %max3A : f32 to vector<16xf32>
      %max3A_87 = arith.maximumf %get3A_85, %max3A_86 : vector<16xf32>
      %bitcast_convert_type3A = tpu.bitcast %max3A_87 : vector<16xf32> -> vector<16xi32>
      %shift_right_arithmetic3A = arith.constant 1 : i32
      %shift_right_arithmetic3A_88 = vector.broadcast %shift_right_arithmetic3A : i32 to vector<16xi32>
      %shift_right_arithmetic3A_89 = arith.shrsi %bitcast_convert_type3A, %shift_right_arithmetic3A_88 : vector<16xi32>
      %sub3A = arith.constant 1597463007 : i32
      %sub3A_90 = vector.broadcast %sub3A : i32 to vector<16xi32>
      %sub3A_91 = arith.subi %sub3A_90, %shift_right_arithmetic3A_89 : vector<16xi32>
      %bitcast_convert_type3A_92 = tpu.bitcast %sub3A_91 : vector<16xi32> -> vector<16xf32>
      %mul3A_93 = arith.constant 5.000000e-01 : f32
      %mul3A_94 = vector.broadcast %mul3A_93 : f32 to vector<16xf32>
      %mul3A_95 = arith.mulf %mul3A_94, %max3A_87 : vector<16xf32>
      %mul3A_96 = arith.mulf %mul3A_95, %bitcast_convert_type3A_92 : vector<16xf32>
      %mul3A_97 = arith.mulf %mul3A_96, %bitcast_convert_type3A_92 : vector<16xf32>
      %sub3A_98 = arith.constant 1.500000e+00 : f32
      %sub3A_99 = vector.broadcast %sub3A_98 : f32 to vector<16xf32>
      %sub3A_100 = arith.subf %sub3A_99, %mul3A_97 : vector<16xf32>
      %mul3A_101 = arith.mulf %bitcast_convert_type3A_92, %sub3A_100 : vector<16xf32>
      %mul3A_102 = arith.constant 5.000000e-01 : f32
      %mul3A_103 = vector.broadcast %mul3A_102 : f32 to vector<16xf32>
      %mul3A_104 = arith.mulf %mul3A_103, %max3A_87 : vector<16xf32>
      %mul3A_105 = arith.mulf %mul3A_104, %mul3A_101 : vector<16xf32>
      %mul3A_106 = arith.mulf %mul3A_105, %mul3A_101 : vector<16xf32>
      %sub3A_107 = arith.constant 1.500000e+00 : f32
      %sub3A_108 = vector.broadcast %sub3A_107 : f32 to vector<16xf32>
      %sub3A_109 = arith.subf %sub3A_108, %mul3A_106 : vector<16xf32>
      %mul3A_110 = arith.mulf %mul3A_101, %sub3A_109 : vector<16xf32>
      %mul3A_111 = arith.constant 5.000000e-01 : f32
      %mul3A_112 = vector.broadcast %mul3A_111 : f32 to vector<16xf32>
      %mul3A_113 = arith.mulf %mul3A_112, %max3A_87 : vector<16xf32>
      %mul3A_114 = arith.mulf %mul3A_113, %mul3A_110 : vector<16xf32>
      %mul3A_115 = arith.mulf %mul3A_114, %mul3A_110 : vector<16xf32>
      %sub3A_116 = arith.constant 1.500000e+00 : f32
      %sub3A_117 = vector.broadcast %sub3A_116 : f32 to vector<16xf32>
      %sub3A_118 = arith.subf %sub3A_117, %mul3A_115 : vector<16xf32>
      %mul3A_119 = arith.mulf %mul3A_110, %sub3A_118 : vector<16xf32>
      %swap3A = arith.index_cast %multiple_of3A_83 : i32 to index
      %swap3A_120 = tpu.vector_load %arg27[%swap3A] {strides = array<i32>} : memref<656xf32, #tpu.memory_space<vmem>>, vector<16xf32>,
      %swap3A_121 = vector.shape_cast %swap3A_120 : vector<16xf32> to vector<16xf32>
      %swap3A_122 = vector.shape_cast %mul3A_119 : vector<16xf32> to vector<16xf32>
      tpu.vector_store %arg27[%swap3A], %swap3A_122 {strides = array<i32>} : memref<656xf32, #tpu.memory_space<vmem>>, vector<16xf32>,
      %mul3A_123 = arith.mulf %max3A_87, %mul3A_119 : vector<16xf32>
      %swap3A_124 = arith.index_cast %multiple_of3A_83 : i32 to index
      %swap3A_125 = tpu.vector_load %arg29[%swap3A_124] {strides = array<i32>} : memref<656xf32, #tpu.memory_space<vmem>>, vector<16xf32>,
      %swap3A_126 = vector.shape_cast %swap3A_125 : vector<16xf32> to vector<16xf32>
      %swap3A_127 = vector.shape_cast %mul3A_123 : vector<16xf32> to vector<16xf32>
      tpu.vector_store %arg29[%swap3A_124], %swap3A_127 {strides = array<i32>} : memref<656xf32, #tpu.memory_space<vmem>>, vector<16xf32>,
      %scan3A_128 = arith.constant 0 : i32
      scf.yield %scan3A_128 : i32
    }
    %scan3A_54 = arith.constant 40 : i32
    "tpu.region"() ({
      %run_scoped3A = tpu.sem_alloc : memref<!tpu.dma_semaphore, #tpu.memory_space<semaphore_mem>>
      %dma_start3A_79 = tpu.memref_slice %arg9[%multiple_of3A] : memref<10240xf32, #tpu.memory_space<vmem_shared>> -> memref<640xf32, #tpu.memory_space<vmem_shared>>
      %dma_start3A_80 = tpu.memref_slice %arg9[%multiple_of3A] : memref<10240xf32, #tpu.memory_space<vmem_shared>> -> memref<640xf32, #tpu.memory_space<vmem_shared>>
      tpu.enqueue_dma source(%dma_start3A_80 : memref<640xf32, #tpu.memory_space<vmem_shared>>) target(%arg26 : memref<640xf32, #tpu.memory_space<vmem>>) target_semaphore(%run_scoped3A : memref<!tpu.dma_semaphore, #tpu.memory_space<semaphore_mem>>)
      %dma_wait3A = tpu.memref_slice %arg9[%multiple_of3A] : memref<10240xf32, #tpu.memory_space<vmem_shared>> -> memref<640xf32, #tpu.memory_space<vmem_shared>>
      %dma_wait3A_81 = tpu.memref_slice %arg9[%multiple_of3A] : memref<10240xf32, #tpu.memory_space<vmem_shared>> -> memref<640xf32, #tpu.memory_space<vmem_shared>>
      tpu.wait_dma2 semaphore(%run_scoped3A : memref<!tpu.dma_semaphore, #tpu.memory_space<semaphore_mem>>) src(%dma_wait3A_81 : memref<640xf32, #tpu.memory_space<vmem_shared>>) dst(%arg26 : memref<640xf32, #tpu.memory_space<vmem>>)
      tpu.yield
    }) : () -> ()
    %scan3A_55 = arith.constant 0 : i32
    %scan3A_56 = arith.constant 0 : i32
    %scan3A_57 = arith.constant 40 : i32
    %scan3A_58 = arith.addi %scan3A_56, %scan3A_57 : i32
    %scan3A_59 = arith.constant 1 : i32
    %scan3A_60 = scf.for %scan3A_79 = %scan3A_56 to %scan3A_58 step %scan3A_59 iter_args(%scan3A_80 = %scan3A_55) -> (i32)  : i32 {
      %mul3A_81 = arith.constant 16 : i32
      %mul3A_82 = arith.muli %scan3A_79, %mul3A_81 : i32
      %multiple_of3A_83 = tpu.assume_multiple %mul3A_82, 16 : i32
      %get3A = arith.index_cast %multiple_of3A_83 : i32 to index
      %get3A_84 = tpu.vector_load %arg26[%get3A] {strides = array<i32>} : memref<640xf32, #tpu.memory_space<vmem>>, vector<16xf32>,
      %get3A_85 = vector.shape_cast %get3A_84 : vector<16xf32> to vector<16xf32>
      %max3A = arith.constant 1.000000e+00 : f32
      %max3A_86 = vector.broadcast %max3A : f32 to vector<16xf32>
      %max3A_87 = arith.maximumf %get3A_85, %max3A_86 : vector<16xf32>
      %bitcast_convert_type3A = tpu.bitcast %max3A_87 : vector<16xf32> -> vector<16xi32>
      %shift_right_arithmetic3A = arith.constant 1 : i32
      %shift_right_arithmetic3A_88 = vector.broadcast %shift_right_arithmetic3A : i32 to vector<16xi32>
      %shift_right_arithmetic3A_89 = arith.shrsi %bitcast_convert_type3A, %shift_right_arithmetic3A_88 : vector<16xi32>
      %sub3A = arith.constant 1597463007 : i32
      %sub3A_90 = vector.broadcast %sub3A : i32 to vector<16xi32>
      %sub3A_91 = arith.subi %sub3A_90, %shift_right_arithmetic3A_89 : vector<16xi32>
      %bitcast_convert_type3A_92 = tpu.bitcast %sub3A_91 : vector<16xi32> -> vector<16xf32>
      %mul3A_93 = arith.constant 5.000000e-01 : f32
      %mul3A_94 = vector.broadcast %mul3A_93 : f32 to vector<16xf32>
      %mul3A_95 = arith.mulf %mul3A_94, %max3A_87 : vector<16xf32>
      %mul3A_96 = arith.mulf %mul3A_95, %bitcast_convert_type3A_92 : vector<16xf32>
      %mul3A_97 = arith.mulf %mul3A_96, %bitcast_convert_type3A_92 : vector<16xf32>
      %sub3A_98 = arith.constant 1.500000e+00 : f32
      %sub3A_99 = vector.broadcast %sub3A_98 : f32 to vector<16xf32>
      %sub3A_100 = arith.subf %sub3A_99, %mul3A_97 : vector<16xf32>
      %mul3A_101 = arith.mulf %bitcast_convert_type3A_92, %sub3A_100 : vector<16xf32>
      %mul3A_102 = arith.constant 5.000000e-01 : f32
      %mul3A_103 = vector.broadcast %mul3A_102 : f32 to vector<16xf32>
      %mul3A_104 = arith.mulf %mul3A_103, %max3A_87 : vector<16xf32>
      %mul3A_105 = arith.mulf %mul3A_104, %mul3A_101 : vector<16xf32>
      %mul3A_106 = arith.mulf %mul3A_105, %mul3A_101 : vector<16xf32>
      %sub3A_107 = arith.constant 1.500000e+00 : f32
      %sub3A_108 = vector.broadcast %sub3A_107 : f32 to vector<16xf32>
      %sub3A_109 = arith.subf %sub3A_108, %mul3A_106 : vector<16xf32>
      %mul3A_110 = arith.mulf %mul3A_101, %sub3A_109 : vector<16xf32>
      %mul3A_111 = arith.constant 5.000000e-01 : f32
      %mul3A_112 = vector.broadcast %mul3A_111 : f32 to vector<16xf32>
      %mul3A_113 = arith.mulf %mul3A_112, %max3A_87 : vector<16xf32>
      %mul3A_114 = arith.mulf %mul3A_113, %mul3A_110 : vector<16xf32>
      %mul3A_115 = arith.mulf %mul3A_114, %mul3A_110 : vector<16xf32>
      %sub3A_116 = arith.constant 1.500000e+00 : f32
      %sub3A_117 = vector.broadcast %sub3A_116 : f32 to vector<16xf32>
      %sub3A_118 = arith.subf %sub3A_117, %mul3A_115 : vector<16xf32>
      %mul3A_119 = arith.mulf %mul3A_110, %sub3A_118 : vector<16xf32>
      %swap3A = arith.index_cast %multiple_of3A_83 : i32 to index
      %swap3A_120 = tpu.vector_load %arg28[%swap3A] {strides = array<i32>} : memref<656xf32, #tpu.memory_space<vmem>>, vector<16xf32>,
      %swap3A_121 = vector.shape_cast %swap3A_120 : vector<16xf32> to vector<16xf32>
      %swap3A_122 = vector.shape_cast %mul3A_119 : vector<16xf32> to vector<16xf32>
      tpu.vector_store %arg28[%swap3A], %swap3A_122 {strides = array<i32>} : memref<656xf32, #tpu.memory_space<vmem>>, vector<16xf32>,
      %scan3A_123 = arith.constant 0 : i32
      scf.yield %scan3A_123 : i32
    }
    %scan3A_61 = arith.constant 40 : i32
    %scan3A_62 = arith.constant 0 : i32
    %scan3A_63 = arith.constant 0 : i32
    %scan3A_64 = arith.constant 20 : i32
    %scan3A_65 = arith.addi %scan3A_63, %scan3A_64 : i32
    %scan3A_66 = arith.constant 1 : i32
    %scan3A_67 = scf.for %scan3A_79 = %scan3A_63 to %scan3A_65 step %scan3A_66 iter_args(%scan3A_80 = %scan3A_62) -> (i32)  : i32 {
      %mul3A_81 = arith.constant 32 : i32
      %mul3A_82 = arith.muli %scan3A_79, %mul3A_81 : i32
      %add3A = arith.addi %multiple_of3A, %mul3A_82 : i32
      %multiple_of3A_83 = tpu.assume_multiple %add3A, 32 : i32
      "tpu.region"() ({
        %run_scoped3A = tpu.sem_alloc : memref<!tpu.dma_semaphore, #tpu.memory_space<semaphore_mem>>
        %dma_start3A_92 = arith.constant 0 : i32
        %dma_start3A_93 = arith.constant 0 : i32
        %dma_start3A_94 = tpu.memref_slice %arg4[%arg0, %dma_start3A_92, %dma_start3A_93] : memref<2x10240x64xf32, #tpu.memory_space<hbm>> -> memref<1x10240x64xf32, #tpu.memory_space<hbm>>
        %dma_start3A_95 = tpu.memref_squeeze %dma_start3A_94 : memref<1x10240x64xf32, #tpu.memory_space<hbm>> -> memref<10240x64xf32, #tpu.memory_space<hbm>>
        %dma_start3A_96 = arith.constant 0 : i32
        %dma_start3A_97 = tpu.memref_slice %dma_start3A_95[%multiple_of3A_83, %dma_start3A_96] : memref<10240x64xf32, #tpu.memory_space<hbm>> -> memref<32x64xf32, #tpu.memory_space<hbm>>
        %dma_start3A_98 = arith.constant 0 : i32
        %dma_start3A_99 = arith.constant 0 : i32
        %dma_start3A_100 = tpu.memref_slice %arg4[%arg0, %dma_start3A_98, %dma_start3A_99] : memref<2x10240x64xf32, #tpu.memory_space<hbm>> -> memref<1x10240x64xf32, #tpu.memory_space<hbm>>
        %dma_start3A_101 = tpu.memref_squeeze %dma_start3A_100 : memref<1x10240x64xf32, #tpu.memory_space<hbm>> -> memref<10240x64xf32, #tpu.memory_space<hbm>>
        %dma_start3A_102 = arith.constant 0 : i32
        %dma_start3A_103 = tpu.memref_slice %dma_start3A_101[%multiple_of3A_83, %dma_start3A_102] : memref<10240x64xf32, #tpu.memory_space<hbm>> -> memref<32x64xf32, #tpu.memory_space<hbm>>
        tpu.enqueue_dma source(%dma_start3A_103 : memref<32x64xf32, #tpu.memory_space<hbm>>) target(%arg19 : memref<32x64xf32, #tpu.memory_space<vmem>>) target_semaphore(%run_scoped3A : memref<!tpu.dma_semaphore, #tpu.memory_space<semaphore_mem>>)
        %dma_wait3A = arith.constant 0 : i32
        %dma_wait3A_104 = arith.constant 0 : i32
        %dma_wait3A_105 = tpu.memref_slice %arg4[%arg0, %dma_wait3A, %dma_wait3A_104] : memref<2x10240x64xf32, #tpu.memory_space<hbm>> -> memref<1x10240x64xf32, #tpu.memory_space<hbm>>
        %dma_wait3A_106 = tpu.memref_squeeze %dma_wait3A_105 : memref<1x10240x64xf32, #tpu.memory_space<hbm>> -> memref<10240x64xf32, #tpu.memory_space<hbm>>
        %dma_wait3A_107 = arith.constant 0 : i32
        %dma_wait3A_108 = tpu.memref_slice %dma_wait3A_106[%multiple_of3A_83, %dma_wait3A_107] : memref<10240x64xf32, #tpu.memory_space<hbm>> -> memref<32x64xf32, #tpu.memory_space<hbm>>
        %dma_wait3A_109 = arith.constant 0 : i32
        %dma_wait3A_110 = arith.constant 0 : i32
        %dma_wait3A_111 = tpu.memref_slice %arg4[%arg0, %dma_wait3A_109, %dma_wait3A_110] : memref<2x10240x64xf32, #tpu.memory_space<hbm>> -> memref<1x10240x64xf32, #tpu.memory_space<hbm>>
        %dma_wait3A_112 = tpu.memref_squeeze %dma_wait3A_111 : memref<1x10240x64xf32, #tpu.memory_space<hbm>> -> memref<10240x64xf32, #tpu.memory_space<hbm>>
        %dma_wait3A_113 = arith.constant 0 : i32
        %dma_wait3A_114 = tpu.memref_slice %dma_wait3A_112[%multiple_of3A_83, %dma_wait3A_113] : memref<10240x64xf32, #tpu.memory_space<hbm>> -> memref<32x64xf32, #tpu.memory_space<hbm>>
        tpu.wait_dma2 semaphore(%run_scoped3A : memref<!tpu.dma_semaphore, #tpu.memory_space<semaphore_mem>>) src(%dma_wait3A_114 : memref<32x64xf32, #tpu.memory_space<hbm>>) dst(%arg19 : memref<32x64xf32, #tpu.memory_space<vmem>>)
        tpu.yield
      }) : () -> ()
      %scan3A_84 = arith.constant 0 : i32
      %scan3A_85 = arith.constant 0 : i32
      %scan3A_86 = arith.constant 32 : i32
      %scan3A_87 = arith.addi %scan3A_85, %scan3A_86 : i32
      %scan3A_88 = arith.constant 1 : i32
      %scan3A_89 = scf.for %scan3A_92 = %scan3A_85 to %scan3A_87 step %scan3A_88 iter_args(%scan3A_93 = %scan3A_84) -> (i32)  : i32 {
        %mul3A_94 = arith.constant 32 : i32
        %mul3A_95 = arith.muli %scan3A_79, %mul3A_94 : i32
        %add3A_96 = arith.addi %mul3A_95, %scan3A_92 : i32
        %get3A = arith.index_cast %add3A_96 : i32 to index
        %get3A_97 = tpu.vector_load %arg27[%get3A] {strides = array<i32>} : memref<656xf32, #tpu.memory_space<vmem>>, vector<16xf32>,
        %get3A_98 = vector.shape_cast %get3A_97 : vector<16xf32> to vector<16xf32>
        %slice3A = vector.extract_strided_slice %get3A_98 {offsets = [0], sizes = [1], strides = [1]} : vector<16xf32> to vector<1xf32>
        %squeeze3A = vector.extract %slice3A[0] : f32 from vector<1xf32>
        %get3A_99 = arith.index_cast %scan3A_92 : i32 to index
        %get3A_100 = arith.constant 0 : index
        %get3A_101 = tpu.vector_load %arg19[%get3A_99, %get3A_100] {strides = array<i32>} : memref<32x64xf32, #tpu.memory_space<vmem>>, vector<1x16xf32>,
        %get3A_102 = vector.shape_cast %get3A_101 : vector<1x16xf32> to vector<16xf32>
        %mul3A_103 = vector.broadcast %squeeze3A : f32 to vector<16xf32>
        %mul3A_104 = arith.mulf %mul3A_103, %get3A_102 : vector<16xf32>
        %swap3A = arith.index_cast %scan3A_92 : i32 to index
        %swap3A_105 = arith.constant 0 : index
        %swap3A_106 = tpu.vector_load %arg21[%swap3A, %swap3A_105] {strides = array<i32>} : memref<32x64xf32, #tpu.memory_space<vmem>>, vector<1x16xf32>,
        %swap3A_107 = vector.shape_cast %swap3A_106 : vector<1x16xf32> to vector<16xf32>
        %swap3A_108 = vector.shape_cast %mul3A_104 : vector<16xf32> to vector<1x16xf32>
        tpu.vector_store %arg21[%swap3A, %swap3A_105], %swap3A_108 {strides = array<i32>} : memref<32x64xf32, #tpu.memory_space<vmem>>, vector<1x16xf32>,
        %get3A_109 = arith.index_cast %scan3A_92 : i32 to index
        %get3A_110 = arith.constant 16 : index
        %get3A_111 = tpu.vector_load %arg19[%get3A_109, %get3A_110] {strides = array<i32>} : memref<32x64xf32, #tpu.memory_space<vmem>>, vector<1x16xf32>,
        %get3A_112 = vector.shape_cast %get3A_111 : vector<1x16xf32> to vector<16xf32>
        %mul3A_113 = vector.broadcast %squeeze3A : f32 to vector<16xf32>
        %mul3A_114 = arith.mulf %mul3A_113, %get3A_112 : vector<16xf32>
        %swap3A_115 = arith.index_cast %scan3A_92 : i32 to index
        %swap3A_116 = arith.constant 16 : index
        %swap3A_117 = tpu.vector_load %arg21[%swap3A_115, %swap3A_116] {strides = array<i32>} : memref<32x64xf32, #tpu.memory_space<vmem>>, vector<1x16xf32>,
        %swap3A_118 = vector.shape_cast %swap3A_117 : vector<1x16xf32> to vector<16xf32>
        %swap3A_119 = vector.shape_cast %mul3A_114 : vector<16xf32> to vector<1x16xf32>
        tpu.vector_store %arg21[%swap3A_115, %swap3A_116], %swap3A_119 {strides = array<i32>} : memref<32x64xf32, #tpu.memory_space<vmem>>, vector<1x16xf32>,
        %get3A_120 = arith.index_cast %scan3A_92 : i32 to index
        %get3A_121 = arith.constant 32 : index
        %get3A_122 = tpu.vector_load %arg19[%get3A_120, %get3A_121] {strides = array<i32>} : memref<32x64xf32, #tpu.memory_space<vmem>>, vector<1x16xf32>,
        %get3A_123 = vector.shape_cast %get3A_122 : vector<1x16xf32> to vector<16xf32>
        %mul3A_124 = vector.broadcast %squeeze3A : f32 to vector<16xf32>
        %mul3A_125 = arith.mulf %mul3A_124, %get3A_123 : vector<16xf32>
        %swap3A_126 = arith.index_cast %scan3A_92 : i32 to index
        %swap3A_127 = arith.constant 32 : index
        %swap3A_128 = tpu.vector_load %arg21[%swap3A_126, %swap3A_127] {strides = array<i32>} : memref<32x64xf32, #tpu.memory_space<vmem>>, vector<1x16xf32>,
        %swap3A_129 = vector.shape_cast %swap3A_128 : vector<1x16xf32> to vector<16xf32>
        %swap3A_130 = vector.shape_cast %mul3A_125 : vector<16xf32> to vector<1x16xf32>
        tpu.vector_store %arg21[%swap3A_126, %swap3A_127], %swap3A_130 {strides = array<i32>} : memref<32x64xf32, #tpu.memory_space<vmem>>, vector<1x16xf32>,
        %get3A_131 = arith.index_cast %scan3A_92 : i32 to index
        %get3A_132 = arith.constant 48 : index
        %get3A_133 = tpu.vector_load %arg19[%get3A_131, %get3A_132] {strides = array<i32>} : memref<32x64xf32, #tpu.memory_space<vmem>>, vector<1x16xf32>,
        %get3A_134 = vector.shape_cast %get3A_133 : vector<1x16xf32> to vector<16xf32>
        %mul3A_135 = vector.broadcast %squeeze3A : f32 to vector<16xf32>
        %mul3A_136 = arith.mulf %mul3A_135, %get3A_134 : vector<16xf32>
        %swap3A_137 = arith.index_cast %scan3A_92 : i32 to index
        %swap3A_138 = arith.constant 48 : index
        %swap3A_139 = tpu.vector_load %arg21[%swap3A_137, %swap3A_138] {strides = array<i32>} : memref<32x64xf32, #tpu.memory_space<vmem>>, vector<1x16xf32>,
        %swap3A_140 = vector.shape_cast %swap3A_139 : vector<1x16xf32> to vector<16xf32>
        %swap3A_141 = vector.shape_cast %mul3A_136 : vector<16xf32> to vector<1x16xf32>
        tpu.vector_store %arg21[%swap3A_137, %swap3A_138], %swap3A_141 {strides = array<i32>} : memref<32x64xf32, #tpu.memory_space<vmem>>, vector<1x16xf32>,
        %scan3A_142 = arith.constant 0 : i32
        scf.yield %scan3A_142 : i32
      }
      %scan3A_90 = arith.constant 32 : i32
      "tpu.region"() ({
        %run_scoped3A = tpu.sem_alloc : memref<!tpu.dma_semaphore, #tpu.memory_space<semaphore_mem>>
        %dma_start3A_92 = arith.constant 0 : i32
        %dma_start3A_93 = arith.constant 0 : i32
        %dma_start3A_94 = tpu.memref_slice %arg5[%arg0, %dma_start3A_92, %dma_start3A_93] : memref<2x10240x64xf32, #tpu.memory_space<hbm>> -> memref<1x10240x64xf32, #tpu.memory_space<hbm>>
        %dma_start3A_95 = tpu.memref_squeeze %dma_start3A_94 : memref<1x10240x64xf32, #tpu.memory_space<hbm>> -> memref<10240x64xf32, #tpu.memory_space<hbm>>
        %dma_start3A_96 = arith.constant 0 : i32
        %dma_start3A_97 = tpu.memref_slice %dma_start3A_95[%multiple_of3A_83, %dma_start3A_96] : memref<10240x64xf32, #tpu.memory_space<hbm>> -> memref<32x64xf32, #tpu.memory_space<hbm>>
        %dma_start3A_98 = arith.constant 0 : i32
        %dma_start3A_99 = arith.constant 0 : i32
        %dma_start3A_100 = tpu.memref_slice %arg5[%arg0, %dma_start3A_98, %dma_start3A_99] : memref<2x10240x64xf32, #tpu.memory_space<hbm>> -> memref<1x10240x64xf32, #tpu.memory_space<hbm>>
        %dma_start3A_101 = tpu.memref_squeeze %dma_start3A_100 : memref<1x10240x64xf32, #tpu.memory_space<hbm>> -> memref<10240x64xf32, #tpu.memory_space<hbm>>
        %dma_start3A_102 = arith.constant 0 : i32
        %dma_start3A_103 = tpu.memref_slice %dma_start3A_101[%multiple_of3A_83, %dma_start3A_102] : memref<10240x64xf32, #tpu.memory_space<hbm>> -> memref<32x64xf32, #tpu.memory_space<hbm>>
        tpu.enqueue_dma source(%arg21 : memref<32x64xf32, #tpu.memory_space<vmem>>) target(%dma_start3A_103 : memref<32x64xf32, #tpu.memory_space<hbm>>) target_semaphore(%run_scoped3A : memref<!tpu.dma_semaphore, #tpu.memory_space<semaphore_mem>>)
        %dma_wait3A = arith.constant 0 : i32
        %dma_wait3A_104 = arith.constant 0 : i32
        %dma_wait3A_105 = tpu.memref_slice %arg5[%arg0, %dma_wait3A, %dma_wait3A_104] : memref<2x10240x64xf32, #tpu.memory_space<hbm>> -> memref<1x10240x64xf32, #tpu.memory_space<hbm>>
        %dma_wait3A_106 = tpu.memref_squeeze %dma_wait3A_105 : memref<1x10240x64xf32, #tpu.memory_space<hbm>> -> memref<10240x64xf32, #tpu.memory_space<hbm>>
        %dma_wait3A_107 = arith.constant 0 : i32
        %dma_wait3A_108 = tpu.memref_slice %dma_wait3A_106[%multiple_of3A_83, %dma_wait3A_107] : memref<10240x64xf32, #tpu.memory_space<hbm>> -> memref<32x64xf32, #tpu.memory_space<hbm>>
        %dma_wait3A_109 = arith.constant 0 : i32
        %dma_wait3A_110 = arith.constant 0 : i32
        %dma_wait3A_111 = tpu.memref_slice %arg5[%arg0, %dma_wait3A_109, %dma_wait3A_110] : memref<2x10240x64xf32, #tpu.memory_space<hbm>> -> memref<1x10240x64xf32, #tpu.memory_space<hbm>>
        %dma_wait3A_112 = tpu.memref_squeeze %dma_wait3A_111 : memref<1x10240x64xf32, #tpu.memory_space<hbm>> -> memref<10240x64xf32, #tpu.memory_space<hbm>>
        %dma_wait3A_113 = arith.constant 0 : i32
        %dma_wait3A_114 = tpu.memref_slice %dma_wait3A_112[%multiple_of3A_83, %dma_wait3A_113] : memref<10240x64xf32, #tpu.memory_space<hbm>> -> memref<32x64xf32, #tpu.memory_space<hbm>>
        tpu.wait_dma2 semaphore(%run_scoped3A : memref<!tpu.dma_semaphore, #tpu.memory_space<semaphore_mem>>) src(%arg21 : memref<32x64xf32, #tpu.memory_space<vmem>>) dst(%dma_wait3A_114 : memref<32x64xf32, #tpu.memory_space<hbm>>)
        tpu.yield
      }) : () -> ()
      %scan3A_91 = arith.constant 0 : i32
      scf.yield %scan3A_91 : i32
    }
    %scan3A_68 = arith.constant 20 : i32
    %barrier3A_69 = arith.constant 0 : index
    tpu.barrier barrier_id(%barrier3A_69)
    %scan3A_70 = arith.constant 0 : i32
    %scan3A_71 = arith.constant 0 : i32
    %scan3A_72 = arith.constant 10 : i32
    %scan3A_73 = arith.addi %scan3A_71, %scan3A_72 : i32
    %scan3A_74 = arith.constant 1 : i32
    %scan3A_75 = scf.for %scan3A_79 = %scan3A_71 to %scan3A_73 step %scan3A_74 iter_args(%scan3A_80 = %scan3A_70) -> (i32)  : i32 {
      %dma_start3A_81 = arith.constant 0 : i32
      %dma_start3A_82 = arith.constant 0 : i32
      %dma_start3A_83 = tpu.memref_slice %arg10[%dma_start3A_81, %dma_start3A_82] : memref<209x96xi32, #tpu.memory_space<vmem>> -> memref<1x96xi32, #tpu.memory_space<vmem>>
      %dma_start3A_84 = tpu.memref_squeeze %dma_start3A_83 : memref<1x96xi32, #tpu.memory_space<vmem>> -> memref<96xi32, #tpu.memory_space<vmem>>
      %dma_start3A_85 = arith.constant 0 : i32
      %dma_start3A_86 = arith.constant 0 : i32
      %dma_start3A_87 = tpu.memref_slice %arg5[%arg0, %dma_start3A_85, %dma_start3A_86] : memref<2x10240x64xf32, #tpu.memory_space<hbm>> -> memref<1x10240x64xf32, #tpu.memory_space<hbm>>
      %dma_start3A_88 = tpu.memref_squeeze %dma_start3A_87 : memref<1x10240x64xf32, #tpu.memory_space<hbm>> -> memref<10240x64xf32, #tpu.memory_space<hbm>>
      %dma_start3A_89 = arith.constant 0 : i32
      %dma_start3A_90 = arith.constant 0 : i32
      %dma_start3A_91 = tpu.memref_slice %dma_start3A_88[%dma_start3A_89, %dma_start3A_90] : memref<10240x64xf32, #tpu.memory_space<hbm>> -> memref<10240x64xf32, #tpu.memory_space<hbm>>
      tpu.enqueue_indirect_dma source(%dma_start3A_91 : memref<10240x64xf32, #tpu.memory_space<hbm>>) target(%arg12 : memref<96x64xf32, #tpu.memory_space<vmem>>) offsets(%dma_start3A_84 : memref<96xi32, #tpu.memory_space<vmem>>) semaphore(%arg30 : memref<!tpu.dma_semaphore, #tpu.memory_space<semaphore_mem>>)
      %dma_start3A_92 = arith.constant 1 : i32
      %dma_start3A_93 = arith.constant 0 : i32
      %dma_start3A_94 = tpu.memref_slice %arg10[%dma_start3A_92, %dma_start3A_93] : memref<209x96xi32, #tpu.memory_space<vmem>> -> memref<1x96xi32, #tpu.memory_space<vmem>>
      %dma_start3A_95 = tpu.memref_squeeze %dma_start3A_94 : memref<1x96xi32, #tpu.memory_space<vmem>> -> memref<96xi32, #tpu.memory_space<vmem>>
      %dma_start3A_96 = arith.constant 0 : i32
      %dma_start3A_97 = arith.constant 0 : i32
      %dma_start3A_98 = tpu.memref_slice %arg5[%arg0, %dma_start3A_96, %dma_start3A_97] : memref<2x10240x64xf32, #tpu.memory_space<hbm>> -> memref<1x10240x64xf32, #tpu.memory_space<hbm>>
      %dma_start3A_99 = tpu.memref_squeeze %dma_start3A_98 : memref<1x10240x64xf32, #tpu.memory_space<hbm>> -> memref<10240x64xf32, #tpu.memory_space<hbm>>
      %dma_start3A_100 = arith.constant 0 : i32
      %dma_start3A_101 = arith.constant 0 : i32
      %dma_start3A_102 = tpu.memref_slice %dma_start3A_99[%dma_start3A_100, %dma_start3A_101] : memref<10240x64xf32, #tpu.memory_space<hbm>> -> memref<10240x64xf32, #tpu.memory_space<hbm>>
      tpu.enqueue_indirect_dma source(%dma_start3A_102 : memref<10240x64xf32, #tpu.memory_space<hbm>>) target(%arg13 : memref<96x64xf32, #tpu.memory_space<vmem>>) offsets(%dma_start3A_95 : memref<96xi32, #tpu.memory_space<vmem>>) semaphore(%arg31 : memref<!tpu.dma_semaphore, #tpu.memory_space<semaphore_mem>>)
      %dma_start3A_103 = arith.constant 2 : i32
      %dma_start3A_104 = arith.constant 0 : i32
      %dma_start3A_105 = tpu.memref_slice %arg10[%dma_start3A_103, %dma_start3A_104] : memref<209x96xi32, #tpu.memory_space<vmem>> -> memref<1x96xi32, #tpu.memory_space<vmem>>
      %dma_start3A_106 = tpu.memref_squeeze %dma_start3A_105 : memref<1x96xi32, #tpu.memory_space<vmem>> -> memref<96xi32, #tpu.memory_space<vmem>>
      %dma_start3A_107 = arith.constant 0 : i32
      %dma_start3A_108 = arith.constant 0 : i32
      %dma_start3A_109 = tpu.memref_slice %arg5[%arg0, %dma_start3A_107, %dma_start3A_108] : memref<2x10240x64xf32, #tpu.memory_space<hbm>> -> memref<1x10240x64xf32, #tpu.memory_space<hbm>>
      %dma_start3A_110 = tpu.memref_squeeze %dma_start3A_109 : memref<1x10240x64xf32, #tpu.memory_space<hbm>> -> memref<10240x64xf32, #tpu.memory_space<hbm>>
      %dma_start3A_111 = arith.constant 0 : i32
      %dma_start3A_112 = arith.constant 0 : i32
      %dma_start3A_113 = tpu.memref_slice %dma_start3A_110[%dma_start3A_111, %dma_start3A_112] : memref<10240x64xf32, #tpu.memory_space<hbm>> -> memref<10240x64xf32, #tpu.memory_space<hbm>>
      tpu.enqueue_indirect_dma source(%dma_start3A_113 : memref<10240x64xf32, #tpu.memory_space<hbm>>) target(%arg14 : memref<96x64xf32, #tpu.memory_space<vmem>>) offsets(%dma_start3A_106 : memref<96xi32, #tpu.memory_space<vmem>>) semaphore(%arg32 : memref<!tpu.dma_semaphore, #tpu.memory_space<semaphore_mem>>)
      %dma_start3A_114 = arith.constant 3 : i32
      %dma_start3A_115 = arith.constant 0 : i32
      %dma_start3A_116 = tpu.memref_slice %arg10[%dma_start3A_114, %dma_start3A_115] : memref<209x96xi32, #tpu.memory_space<vmem>> -> memref<1x96xi32, #tpu.memory_space<vmem>>
      %dma_start3A_117 = tpu.memref_squeeze %dma_start3A_116 : memref<1x96xi32, #tpu.memory_space<vmem>> -> memref<96xi32, #tpu.memory_space<vmem>>
      %dma_start3A_118 = arith.constant 0 : i32
      %dma_start3A_119 = arith.constant 0 : i32
      %dma_start3A_120 = tpu.memref_slice %arg5[%arg0, %dma_start3A_118, %dma_start3A_119] : memref<2x10240x64xf32, #tpu.memory_space<hbm>> -> memref<1x10240x64xf32, #tpu.memory_space<hbm>>
      %dma_start3A_121 = tpu.memref_squeeze %dma_start3A_120 : memref<1x10240x64xf32, #tpu.memory_space<hbm>> -> memref<10240x64xf32, #tpu.memory_space<hbm>>
      %dma_start3A_122 = arith.constant 0 : i32
      %dma_start3A_123 = arith.constant 0 : i32
      %dma_start3A_124 = tpu.memref_slice %dma_start3A_121[%dma_start3A_122, %dma_start3A_123] : memref<10240x64xf32, #tpu.memory_space<hbm>> -> memref<10240x64xf32, #tpu.memory_space<hbm>>
      tpu.enqueue_indirect_dma source(%dma_start3A_124 : memref<10240x64xf32, #tpu.memory_space<hbm>>) target(%arg15 : memref<96x64xf32, #tpu.memory_space<vmem>>) offsets(%dma_start3A_117 : memref<96xi32, #tpu.memory_space<vmem>>) semaphore(%arg33 : memref<!tpu.dma_semaphore, #tpu.memory_space<semaphore_mem>>)
      %scan3A_125 = arith.constant 0 : i32
      %scan3A_126 = arith.constant 0 : i32
      %scan3A_127 = arith.constant 209 : i32
      %scan3A_128 = arith.addi %scan3A_126, %scan3A_127 : i32
      %scan3A_129 = arith.constant 1 : i32
      %scan3A_130 = scf.for %scan3A_189 = %scan3A_126 to %scan3A_128 step %scan3A_129 iter_args(%scan3A_190 = %scan3A_125) -> (i32)  : i32 {
        %add3A_191 = arith.constant 4 : i32
        %add3A_192 = arith.addi %scan3A_189, %add3A_191 : i32
        %lt3A = arith.constant 209 : i32
        %lt3A_193 = arith.cmpi slt, %add3A_192, %lt3A : i32
        %jit3A = arith.constant 5 : i32
        %eq3A_194 = arith.constant 0 : i32
        %eq3A_195 = arith.cmpi eq, %jit3A, %eq3A_194 : i32
        %jit3A_196 = arith.constant 1 : i32
        %select_n3A = arith.select %eq3A_195, %jit3A_196, %jit3A : i32
        %rem3A = arith.remsi %add3A_192, %select_n3A : i32
        %ne3A = arith.constant 0 : i32
        %ne3A_197 = arith.cmpi ne, %rem3A, %ne3A : i32
        %lt3A_198 = arith.constant 0 : i32
        %lt3A_199 = arith.cmpi slt, %rem3A, %lt3A_198 : i32
        %lt3A_200 = arith.constant 0 : i32
        %lt3A_201 = arith.cmpi slt, %select_n3A, %lt3A_200 : i32
        %ne3A_202 = arith.xori %lt3A_199, %lt3A_201 : i1
        %and3A = arith.andi %ne3A_202, %ne3A_197 : i1
        %add3A_203 = arith.addi %rem3A, %select_n3A : i32
        %select_n3A_204 = arith.select %and3A, %add3A_203, %rem3A : i32
        %eq3A_205 = arith.constant 0 : i32
        %eq3A_206 = arith.cmpi eq, %select_n3A_204, %eq3A_205 : i32
        %and3A_207 = arith.andi %lt3A_193, %eq3A_206 : i1
        %convert_element_type3A_208 = arith.extui %and3A_207 : i1 to i32
        %cond3A_209 = arith.constant 0 : i32
        %cond3A_210 = arith.cmpi ne, %convert_element_type3A_208, %cond3A_209 : i32
        scf.if %cond3A_210 {
          %dma_start3A_413 = arith.constant 0 : i32
          %dma_start3A_414 = tpu.memref_slice %arg10[%add3A_192, %dma_start3A_413] : memref<209x96xi32, #tpu.memory_space<vmem>> -> memref<1x96xi32, #tpu.memory_space<vmem>>
          %dma_start3A_415 = tpu.memref_squeeze %dma_start3A_414 : memref<1x96xi32, #tpu.memory_space<vmem>> -> memref<96xi32, #tpu.memory_space<vmem>>
          %dma_start3A_416 = arith.constant 0 : i32
          %dma_start3A_417 = arith.constant 0 : i32
          %dma_start3A_418 = tpu.memref_slice %arg5[%arg0, %dma_start3A_416, %dma_start3A_417] : memref<2x10240x64xf32, #tpu.memory_space<hbm>> -> memref<1x10240x64xf32, #tpu.memory_space<hbm>>
          %dma_start3A_419 = tpu.memref_squeeze %dma_start3A_418 : memref<1x10240x64xf32, #tpu.memory_space<hbm>> -> memref<10240x64xf32, #tpu.memory_space<hbm>>
          %dma_start3A_420 = arith.constant 0 : i32
          %dma_start3A_421 = arith.constant 0 : i32
          %dma_start3A_422 = tpu.memref_slice %dma_start3A_419[%dma_start3A_420, %dma_start3A_421] : memref<10240x64xf32, #tpu.memory_space<hbm>> -> memref<10240x64xf32, #tpu.memory_space<hbm>>
          tpu.enqueue_indirect_dma source(%dma_start3A_422 : memref<10240x64xf32, #tpu.memory_space<hbm>>) target(%arg12 : memref<96x64xf32, #tpu.memory_space<vmem>>) offsets(%dma_start3A_415 : memref<96xi32, #tpu.memory_space<vmem>>) semaphore(%arg30 : memref<!tpu.dma_semaphore, #tpu.memory_space<semaphore_mem>>)
        } else {
        }
        %lt3A_211 = arith.constant 209 : i32
        %lt3A_212 = arith.cmpi slt, %add3A_192, %lt3A_211 : i32
        %jit3A_213 = arith.constant 5 : i32
        %eq3A_214 = arith.constant 0 : i32
        %eq3A_215 = arith.cmpi eq, %jit3A_213, %eq3A_214 : i32
        %jit3A_216 = arith.constant 1 : i32
        %select_n3A_217 = arith.select %eq3A_215, %jit3A_216, %jit3A_213 : i32
        %rem3A_218 = arith.remsi %add3A_192, %select_n3A_217 : i32
        %ne3A_219 = arith.constant 0 : i32
        %ne3A_220 = arith.cmpi ne, %rem3A_218, %ne3A_219 : i32
        %lt3A_221 = arith.constant 0 : i32
        %lt3A_222 = arith.cmpi slt, %rem3A_218, %lt3A_221 : i32
        %lt3A_223 = arith.constant 0 : i32
        %lt3A_224 = arith.cmpi slt, %select_n3A_217, %lt3A_223 : i32
        %ne3A_225 = arith.xori %lt3A_222, %lt3A_224 : i1
        %and3A_226 = arith.andi %ne3A_225, %ne3A_220 : i1
        %add3A_227 = arith.addi %rem3A_218, %select_n3A_217 : i32
        %select_n3A_228 = arith.select %and3A_226, %add3A_227, %rem3A_218 : i32
        %eq3A_229 = arith.constant 1 : i32
        %eq3A_230 = arith.cmpi eq, %select_n3A_228, %eq3A_229 : i32
        %and3A_231 = arith.andi %lt3A_212, %eq3A_230 : i1
        %convert_element_type3A_232 = arith.extui %and3A_231 : i1 to i32
        %cond3A_233 = arith.constant 0 : i32
        %cond3A_234 = arith.cmpi ne, %convert_element_type3A_232, %cond3A_233 : i32
        scf.if %cond3A_234 {
          %dma_start3A_413 = arith.constant 0 : i32
          %dma_start3A_414 = tpu.memref_slice %arg10[%add3A_192, %dma_start3A_413] : memref<209x96xi32, #tpu.memory_space<vmem>> -> memref<1x96xi32, #tpu.memory_space<vmem>>
          %dma_start3A_415 = tpu.memref_squeeze %dma_start3A_414 : memref<1x96xi32, #tpu.memory_space<vmem>> -> memref<96xi32, #tpu.memory_space<vmem>>
          %dma_start3A_416 = arith.constant 0 : i32
          %dma_start3A_417 = arith.constant 0 : i32
          %dma_start3A_418 = tpu.memref_slice %arg5[%arg0, %dma_start3A_416, %dma_start3A_417] : memref<2x10240x64xf32, #tpu.memory_space<hbm>> -> memref<1x10240x64xf32, #tpu.memory_space<hbm>>
          %dma_start3A_419 = tpu.memref_squeeze %dma_start3A_418 : memref<1x10240x64xf32, #tpu.memory_space<hbm>> -> memref<10240x64xf32, #tpu.memory_space<hbm>>
          %dma_start3A_420 = arith.constant 0 : i32
          %dma_start3A_421 = arith.constant 0 : i32
          %dma_start3A_422 = tpu.memref_slice %dma_start3A_419[%dma_start3A_420, %dma_start3A_421] : memref<10240x64xf32, #tpu.memory_space<hbm>> -> memref<10240x64xf32, #tpu.memory_space<hbm>>
          tpu.enqueue_indirect_dma source(%dma_start3A_422 : memref<10240x64xf32, #tpu.memory_space<hbm>>) target(%arg13 : memref<96x64xf32, #tpu.memory_space<vmem>>) offsets(%dma_start3A_415 : memref<96xi32, #tpu.memory_space<vmem>>) semaphore(%arg31 : memref<!tpu.dma_semaphore, #tpu.memory_space<semaphore_mem>>)
        } else {
        }
        %lt3A_235 = arith.constant 209 : i32
        %lt3A_236 = arith.cmpi slt, %add3A_192, %lt3A_235 : i32
        %jit3A_237 = arith.constant 5 : i32
        %eq3A_238 = arith.constant 0 : i32
        %eq3A_239 = arith.cmpi eq, %jit3A_237, %eq3A_238 : i32
        %jit3A_240 = arith.constant 1 : i32
        %select_n3A_241 = arith.select %eq3A_239, %jit3A_240, %jit3A_237 : i32
        %rem3A_242 = arith.remsi %add3A_192, %select_n3A_241 : i32
        %ne3A_243 = arith.constant 0 : i32
        %ne3A_244 = arith.cmpi ne, %rem3A_242, %ne3A_243 : i32
        %lt3A_245 = arith.constant 0 : i32
        %lt3A_246 = arith.cmpi slt, %rem3A_242, %lt3A_245 : i32
        %lt3A_247 = arith.constant 0 : i32
        %lt3A_248 = arith.cmpi slt, %select_n3A_241, %lt3A_247 : i32
        %ne3A_249 = arith.xori %lt3A_246, %lt3A_248 : i1
        %and3A_250 = arith.andi %ne3A_249, %ne3A_244 : i1
        %add3A_251 = arith.addi %rem3A_242, %select_n3A_241 : i32
        %select_n3A_252 = arith.select %and3A_250, %add3A_251, %rem3A_242 : i32
        %eq3A_253 = arith.constant 2 : i32
        %eq3A_254 = arith.cmpi eq, %select_n3A_252, %eq3A_253 : i32
        %and3A_255 = arith.andi %lt3A_236, %eq3A_254 : i1
        %convert_element_type3A_256 = arith.extui %and3A_255 : i1 to i32
        %cond3A_257 = arith.constant 0 : i32
        %cond3A_258 = arith.cmpi ne, %convert_element_type3A_256, %cond3A_257 : i32
        scf.if %cond3A_258 {
          %dma_start3A_413 = arith.constant 0 : i32
          %dma_start3A_414 = tpu.memref_slice %arg10[%add3A_192, %dma_start3A_413] : memref<209x96xi32, #tpu.memory_space<vmem>> -> memref<1x96xi32, #tpu.memory_space<vmem>>
          %dma_start3A_415 = tpu.memref_squeeze %dma_start3A_414 : memref<1x96xi32, #tpu.memory_space<vmem>> -> memref<96xi32, #tpu.memory_space<vmem>>
          %dma_start3A_416 = arith.constant 0 : i32
          %dma_start3A_417 = arith.constant 0 : i32
          %dma_start3A_418 = tpu.memref_slice %arg5[%arg0, %dma_start3A_416, %dma_start3A_417] : memref<2x10240x64xf32, #tpu.memory_space<hbm>> -> memref<1x10240x64xf32, #tpu.memory_space<hbm>>
          %dma_start3A_419 = tpu.memref_squeeze %dma_start3A_418 : memref<1x10240x64xf32, #tpu.memory_space<hbm>> -> memref<10240x64xf32, #tpu.memory_space<hbm>>
          %dma_start3A_420 = arith.constant 0 : i32
          %dma_start3A_421 = arith.constant 0 : i32
          %dma_start3A_422 = tpu.memref_slice %dma_start3A_419[%dma_start3A_420, %dma_start3A_421] : memref<10240x64xf32, #tpu.memory_space<hbm>> -> memref<10240x64xf32, #tpu.memory_space<hbm>>
          tpu.enqueue_indirect_dma source(%dma_start3A_422 : memref<10240x64xf32, #tpu.memory_space<hbm>>) target(%arg14 : memref<96x64xf32, #tpu.memory_space<vmem>>) offsets(%dma_start3A_415 : memref<96xi32, #tpu.memory_space<vmem>>) semaphore(%arg32 : memref<!tpu.dma_semaphore, #tpu.memory_space<semaphore_mem>>)
        } else {
        }
        %lt3A_259 = arith.constant 209 : i32
        %lt3A_260 = arith.cmpi slt, %add3A_192, %lt3A_259 : i32
        %jit3A_261 = arith.constant 5 : i32
        %eq3A_262 = arith.constant 0 : i32
        %eq3A_263 = arith.cmpi eq, %jit3A_261, %eq3A_262 : i32
        %jit3A_264 = arith.constant 1 : i32
        %select_n3A_265 = arith.select %eq3A_263, %jit3A_264, %jit3A_261 : i32
        %rem3A_266 = arith.remsi %add3A_192, %select_n3A_265 : i32
        %ne3A_267 = arith.constant 0 : i32
        %ne3A_268 = arith.cmpi ne, %rem3A_266, %ne3A_267 : i32
        %lt3A_269 = arith.constant 0 : i32
        %lt3A_270 = arith.cmpi slt, %rem3A_266, %lt3A_269 : i32
        %lt3A_271 = arith.constant 0 : i32
        %lt3A_272 = arith.cmpi slt, %select_n3A_265, %lt3A_271 : i32
        %ne3A_273 = arith.xori %lt3A_270, %lt3A_272 : i1
        %and3A_274 = arith.andi %ne3A_273, %ne3A_268 : i1
        %add3A_275 = arith.addi %rem3A_266, %select_n3A_265 : i32
        %select_n3A_276 = arith.select %and3A_274, %add3A_275, %rem3A_266 : i32
        %eq3A_277 = arith.constant 3 : i32
        %eq3A_278 = arith.cmpi eq, %select_n3A_276, %eq3A_277 : i32
        %and3A_279 = arith.andi %lt3A_260, %eq3A_278 : i1
        %convert_element_type3A_280 = arith.extui %and3A_279 : i1 to i32
        %cond3A_281 = arith.constant 0 : i32
        %cond3A_282 = arith.cmpi ne, %convert_element_type3A_280, %cond3A_281 : i32
        scf.if %cond3A_282 {
          %dma_start3A_413 = arith.constant 0 : i32
          %dma_start3A_414 = tpu.memref_slice %arg10[%add3A_192, %dma_start3A_413] : memref<209x96xi32, #tpu.memory_space<vmem>> -> memref<1x96xi32, #tpu.memory_space<vmem>>
          %dma_start3A_415 = tpu.memref_squeeze %dma_start3A_414 : memref<1x96xi32, #tpu.memory_space<vmem>> -> memref<96xi32, #tpu.memory_space<vmem>>
          %dma_start3A_416 = arith.constant 0 : i32
          %dma_start3A_417 = arith.constant 0 : i32
          %dma_start3A_418 = tpu.memref_slice %arg5[%arg0, %dma_start3A_416, %dma_start3A_417] : memref<2x10240x64xf32, #tpu.memory_space<hbm>> -> memref<1x10240x64xf32, #tpu.memory_space<hbm>>
          %dma_start3A_419 = tpu.memref_squeeze %dma_start3A_418 : memref<1x10240x64xf32, #tpu.memory_space<hbm>> -> memref<10240x64xf32, #tpu.memory_space<hbm>>
          %dma_start3A_420 = arith.constant 0 : i32
          %dma_start3A_421 = arith.constant 0 : i32
          %dma_start3A_422 = tpu.memref_slice %dma_start3A_419[%dma_start3A_420, %dma_start3A_421] : memref<10240x64xf32, #tpu.memory_space<hbm>> -> memref<10240x64xf32, #tpu.memory_space<hbm>>
          tpu.enqueue_indirect_dma source(%dma_start3A_422 : memref<10240x64xf32, #tpu.memory_space<hbm>>) target(%arg15 : memref<96x64xf32, #tpu.memory_space<vmem>>) offsets(%dma_start3A_415 : memref<96xi32, #tpu.memory_space<vmem>>) semaphore(%arg33 : memref<!tpu.dma_semaphore, #tpu.memory_space<semaphore_mem>>)
        } else {
        }
        %lt3A_283 = arith.constant 209 : i32
        %lt3A_284 = arith.cmpi slt, %add3A_192, %lt3A_283 : i32
        %jit3A_285 = arith.constant 5 : i32
        %eq3A_286 = arith.constant 0 : i32
        %eq3A_287 = arith.cmpi eq, %jit3A_285, %eq3A_286 : i32
        %jit3A_288 = arith.constant 1 : i32
        %select_n3A_289 = arith.select %eq3A_287, %jit3A_288, %jit3A_285 : i32
        %rem3A_290 = arith.remsi %add3A_192, %select_n3A_289 : i32
        %ne3A_291 = arith.constant 0 : i32
        %ne3A_292 = arith.cmpi ne, %rem3A_290, %ne3A_291 : i32
        %lt3A_293 = arith.constant 0 : i32
        %lt3A_294 = arith.cmpi slt, %rem3A_290, %lt3A_293 : i32
        %lt3A_295 = arith.constant 0 : i32
        %lt3A_296 = arith.cmpi slt, %select_n3A_289, %lt3A_295 : i32
        %ne3A_297 = arith.xori %lt3A_294, %lt3A_296 : i1
        %and3A_298 = arith.andi %ne3A_297, %ne3A_292 : i1
        %add3A_299 = arith.addi %rem3A_290, %select_n3A_289 : i32
        %select_n3A_300 = arith.select %and3A_298, %add3A_299, %rem3A_290 : i32
        %eq3A_301 = arith.constant 4 : i32
        %eq3A_302 = arith.cmpi eq, %select_n3A_300, %eq3A_301 : i32
        %and3A_303 = arith.andi %lt3A_284, %eq3A_302 : i1
        %convert_element_type3A_304 = arith.extui %and3A_303 : i1 to i32
        %cond3A_305 = arith.constant 0 : i32
        %cond3A_306 = arith.cmpi ne, %convert_element_type3A_304, %cond3A_305 : i32
        scf.if %cond3A_306 {
          %dma_start3A_413 = arith.constant 0 : i32
          %dma_start3A_414 = tpu.memref_slice %arg10[%add3A_192, %dma_start3A_413] : memref<209x96xi32, #tpu.memory_space<vmem>> -> memref<1x96xi32, #tpu.memory_space<vmem>>
          %dma_start3A_415 = tpu.memref_squeeze %dma_start3A_414 : memref<1x96xi32, #tpu.memory_space<vmem>> -> memref<96xi32, #tpu.memory_space<vmem>>
          %dma_start3A_416 = arith.constant 0 : i32
          %dma_start3A_417 = arith.constant 0 : i32
          %dma_start3A_418 = tpu.memref_slice %arg5[%arg0, %dma_start3A_416, %dma_start3A_417] : memref<2x10240x64xf32, #tpu.memory_space<hbm>> -> memref<1x10240x64xf32, #tpu.memory_space<hbm>>
          %dma_start3A_419 = tpu.memref_squeeze %dma_start3A_418 : memref<1x10240x64xf32, #tpu.memory_space<hbm>> -> memref<10240x64xf32, #tpu.memory_space<hbm>>
          %dma_start3A_420 = arith.constant 0 : i32
          %dma_start3A_421 = arith.constant 0 : i32
          %dma_start3A_422 = tpu.memref_slice %dma_start3A_419[%dma_start3A_420, %dma_start3A_421] : memref<10240x64xf32, #tpu.memory_space<hbm>> -> memref<10240x64xf32, #tpu.memory_space<hbm>>
          tpu.enqueue_indirect_dma source(%dma_start3A_422 : memref<10240x64xf32, #tpu.memory_space<hbm>>) target(%arg16 : memref<96x64xf32, #tpu.memory_space<vmem>>) offsets(%dma_start3A_415 : memref<96xi32, #tpu.memory_space<vmem>>) semaphore(%arg34 : memref<!tpu.dma_semaphore, #tpu.memory_space<semaphore_mem>>)
        } else {
        }
        %jit3A_307 = arith.constant 5 : i32
        %eq3A_308 = arith.constant 0 : i32
        %eq3A_309 = arith.cmpi eq, %jit3A_307, %eq3A_308 : i32
        %jit3A_310 = arith.constant 1 : i32
        %select_n3A_311 = arith.select %eq3A_309, %jit3A_310, %jit3A_307 : i32
        %rem3A_312 = arith.remsi %scan3A_189, %select_n3A_311 : i32
        %ne3A_313 = arith.constant 0 : i32
        %ne3A_314 = arith.cmpi ne, %rem3A_312, %ne3A_313 : i32
        %lt3A_315 = arith.constant 0 : i32
        %lt3A_316 = arith.cmpi slt, %rem3A_312, %lt3A_315 : i32
        %lt3A_317 = arith.constant 0 : i32
        %lt3A_318 = arith.cmpi slt, %select_n3A_311, %lt3A_317 : i32
        %ne3A_319 = arith.xori %lt3A_316, %lt3A_318 : i1
        %and3A_320 = arith.andi %ne3A_319, %ne3A_314 : i1
        %add3A_321 = arith.addi %rem3A_312, %select_n3A_311 : i32
        %select_n3A_322 = arith.select %and3A_320, %add3A_321, %rem3A_312 : i32
        %eq3A_323 = arith.constant 0 : i32
        %eq3A_324 = arith.cmpi eq, %select_n3A_322, %eq3A_323 : i32
        %convert_element_type3A_325 = arith.extui %eq3A_324 : i1 to i32
        %cond3A_326 = arith.constant 0 : i32
        %cond3A_327 = arith.cmpi ne, %convert_element_type3A_325, %cond3A_326 : i32
        scf.if %cond3A_327 {
          %dma_wait3A_413 = arith.constant 0 : i32
          %dma_wait3A_414 = tpu.memref_slice %arg10[%scan3A_189, %dma_wait3A_413] : memref<209x96xi32, #tpu.memory_space<vmem>> -> memref<1x96xi32, #tpu.memory_space<vmem>>
          %dma_wait3A_415 = tpu.memref_squeeze %dma_wait3A_414 : memref<1x96xi32, #tpu.memory_space<vmem>> -> memref<96xi32, #tpu.memory_space<vmem>>
          %dma_wait3A_416 = arith.constant 0 : i32
          %dma_wait3A_417 = arith.constant 0 : i32
          %dma_wait3A_418 = tpu.memref_slice %arg5[%arg0, %dma_wait3A_416, %dma_wait3A_417] : memref<2x10240x64xf32, #tpu.memory_space<hbm>> -> memref<1x10240x64xf32, #tpu.memory_space<hbm>>
          %dma_wait3A_419 = tpu.memref_squeeze %dma_wait3A_418 : memref<1x10240x64xf32, #tpu.memory_space<hbm>> -> memref<10240x64xf32, #tpu.memory_space<hbm>>
          %dma_wait3A_420 = arith.constant 0 : i32
          %dma_wait3A_421 = arith.constant 0 : i32
          %dma_wait3A_422 = tpu.memref_slice %dma_wait3A_419[%dma_wait3A_420, %dma_wait3A_421] : memref<10240x64xf32, #tpu.memory_space<hbm>> -> memref<10240x64xf32, #tpu.memory_space<hbm>>
          tpu.wait_indirect_dma semaphore(%arg30 : memref<!tpu.dma_semaphore, #tpu.memory_space<semaphore_mem>>) src(%dma_wait3A_422 : memref<10240x64xf32, #tpu.memory_space<hbm>>) dst(%arg12 : memref<96x64xf32, #tpu.memory_space<vmem>>)
          "tpu.region"() ({
            %run_scoped3A = tpu.sem_alloc : memref<!tpu.dma_semaphore, #tpu.memory_space<semaphore_mem>>
            %dma_start3A_423 = arith.constant 0 : i32
            %dma_start3A_424 = tpu.memref_slice %arg11[%scan3A_189, %dma_start3A_423] : memref<209x96xi32, #tpu.memory_space<vmem>> -> memref<1x96xi32, #tpu.memory_space<vmem>>
            %dma_start3A_425 = tpu.memref_squeeze %dma_start3A_424 : memref<1x96xi32, #tpu.memory_space<vmem>> -> memref<96xi32, #tpu.memory_space<vmem>>
            %dma_start3A_426 = arith.constant 0 : i32
            %dma_start3A_427 = arith.constant 0 : i32
            %dma_start3A_428 = tpu.memref_slice %arg7[%dma_start3A_426, %dma_start3A_427] : memref<10240x64xf32, #tpu.memory_space<vmem_shared>> -> memref<10240x64xf32, #tpu.memory_space<vmem_shared>>
            tpu.enqueue_indirect_dma source(%arg12 : memref<96x64xf32, #tpu.memory_space<vmem>>) target(%dma_start3A_428 : memref<10240x64xf32, #tpu.memory_space<vmem_shared>>) offsets(%dma_start3A_425 : memref<96xi32, #tpu.memory_space<vmem>>) semaphore(%run_scoped3A : memref<!tpu.dma_semaphore, #tpu.memory_space<semaphore_mem>>) {add = true}
            %dma_wait3A_429 = arith.constant 0 : i32
            %dma_wait3A_430 = tpu.memref_slice %arg11[%scan3A_189, %dma_wait3A_429] : memref<209x96xi32, #tpu.memory_space<vmem>> -> memref<1x96xi32, #tpu.memory_space<vmem>>
            %dma_wait3A_431 = tpu.memref_squeeze %dma_wait3A_430 : memref<1x96xi32, #tpu.memory_space<vmem>> -> memref<96xi32, #tpu.memory_space<vmem>>
            %dma_wait3A_432 = arith.constant 0 : i32
            %dma_wait3A_433 = arith.constant 0 : i32
            %dma_wait3A_434 = tpu.memref_slice %arg7[%dma_wait3A_432, %dma_wait3A_433] : memref<10240x64xf32, #tpu.memory_space<vmem_shared>> -> memref<10240x64xf32, #tpu.memory_space<vmem_shared>>
            tpu.wait_indirect_dma semaphore(%run_scoped3A : memref<!tpu.dma_semaphore, #tpu.memory_space<semaphore_mem>>) src(%arg12 : memref<96x64xf32, #tpu.memory_space<vmem>>) dst(%dma_wait3A_434 : memref<10240x64xf32, #tpu.memory_space<vmem_shared>>)
            tpu.yield
          }) : () -> ()
        } else {
        }
        %jit3A_328 = arith.constant 5 : i32
        %eq3A_329 = arith.constant 0 : i32
        %eq3A_330 = arith.cmpi eq, %jit3A_328, %eq3A_329 : i32
        %jit3A_331 = arith.constant 1 : i32
        %select_n3A_332 = arith.select %eq3A_330, %jit3A_331, %jit3A_328 : i32
        %rem3A_333 = arith.remsi %scan3A_189, %select_n3A_332 : i32
        %ne3A_334 = arith.constant 0 : i32
        %ne3A_335 = arith.cmpi ne, %rem3A_333, %ne3A_334 : i32
        %lt3A_336 = arith.constant 0 : i32
        %lt3A_337 = arith.cmpi slt, %rem3A_333, %lt3A_336 : i32
        %lt3A_338 = arith.constant 0 : i32
        %lt3A_339 = arith.cmpi slt, %select_n3A_332, %lt3A_338 : i32
        %ne3A_340 = arith.xori %lt3A_337, %lt3A_339 : i1
        %and3A_341 = arith.andi %ne3A_340, %ne3A_335 : i1
        %add3A_342 = arith.addi %rem3A_333, %select_n3A_332 : i32
        %select_n3A_343 = arith.select %and3A_341, %add3A_342, %rem3A_333 : i32
        %eq3A_344 = arith.constant 1 : i32
        %eq3A_345 = arith.cmpi eq, %select_n3A_343, %eq3A_344 : i32
        %convert_element_type3A_346 = arith.extui %eq3A_345 : i1 to i32
        %cond3A_347 = arith.constant 0 : i32
        %cond3A_348 = arith.cmpi ne, %convert_element_type3A_346, %cond3A_347 : i32
        scf.if %cond3A_348 {
          %dma_wait3A_413 = arith.constant 0 : i32
          %dma_wait3A_414 = tpu.memref_slice %arg10[%scan3A_189, %dma_wait3A_413] : memref<209x96xi32, #tpu.memory_space<vmem>> -> memref<1x96xi32, #tpu.memory_space<vmem>>
          %dma_wait3A_415 = tpu.memref_squeeze %dma_wait3A_414 : memref<1x96xi32, #tpu.memory_space<vmem>> -> memref<96xi32, #tpu.memory_space<vmem>>
          %dma_wait3A_416 = arith.constant 0 : i32
          %dma_wait3A_417 = arith.constant 0 : i32
          %dma_wait3A_418 = tpu.memref_slice %arg5[%arg0, %dma_wait3A_416, %dma_wait3A_417] : memref<2x10240x64xf32, #tpu.memory_space<hbm>> -> memref<1x10240x64xf32, #tpu.memory_space<hbm>>
          %dma_wait3A_419 = tpu.memref_squeeze %dma_wait3A_418 : memref<1x10240x64xf32, #tpu.memory_space<hbm>> -> memref<10240x64xf32, #tpu.memory_space<hbm>>
          %dma_wait3A_420 = arith.constant 0 : i32
          %dma_wait3A_421 = arith.constant 0 : i32
          %dma_wait3A_422 = tpu.memref_slice %dma_wait3A_419[%dma_wait3A_420, %dma_wait3A_421] : memref<10240x64xf32, #tpu.memory_space<hbm>> -> memref<10240x64xf32, #tpu.memory_space<hbm>>
          tpu.wait_indirect_dma semaphore(%arg31 : memref<!tpu.dma_semaphore, #tpu.memory_space<semaphore_mem>>) src(%dma_wait3A_422 : memref<10240x64xf32, #tpu.memory_space<hbm>>) dst(%arg13 : memref<96x64xf32, #tpu.memory_space<vmem>>)
          "tpu.region"() ({
            %run_scoped3A = tpu.sem_alloc : memref<!tpu.dma_semaphore, #tpu.memory_space<semaphore_mem>>
            %dma_start3A_423 = arith.constant 0 : i32
            %dma_start3A_424 = tpu.memref_slice %arg11[%scan3A_189, %dma_start3A_423] : memref<209x96xi32, #tpu.memory_space<vmem>> -> memref<1x96xi32, #tpu.memory_space<vmem>>
            %dma_start3A_425 = tpu.memref_squeeze %dma_start3A_424 : memref<1x96xi32, #tpu.memory_space<vmem>> -> memref<96xi32, #tpu.memory_space<vmem>>
            %dma_start3A_426 = arith.constant 0 : i32
            %dma_start3A_427 = arith.constant 0 : i32
            %dma_start3A_428 = tpu.memref_slice %arg7[%dma_start3A_426, %dma_start3A_427] : memref<10240x64xf32, #tpu.memory_space<vmem_shared>> -> memref<10240x64xf32, #tpu.memory_space<vmem_shared>>
            tpu.enqueue_indirect_dma source(%arg13 : memref<96x64xf32, #tpu.memory_space<vmem>>) target(%dma_start3A_428 : memref<10240x64xf32, #tpu.memory_space<vmem_shared>>) offsets(%dma_start3A_425 : memref<96xi32, #tpu.memory_space<vmem>>) semaphore(%run_scoped3A : memref<!tpu.dma_semaphore, #tpu.memory_space<semaphore_mem>>) {add = true}
            %dma_wait3A_429 = arith.constant 0 : i32
            %dma_wait3A_430 = tpu.memref_slice %arg11[%scan3A_189, %dma_wait3A_429] : memref<209x96xi32, #tpu.memory_space<vmem>> -> memref<1x96xi32, #tpu.memory_space<vmem>>
            %dma_wait3A_431 = tpu.memref_squeeze %dma_wait3A_430 : memref<1x96xi32, #tpu.memory_space<vmem>> -> memref<96xi32, #tpu.memory_space<vmem>>
            %dma_wait3A_432 = arith.constant 0 : i32
            %dma_wait3A_433 = arith.constant 0 : i32
            %dma_wait3A_434 = tpu.memref_slice %arg7[%dma_wait3A_432, %dma_wait3A_433] : memref<10240x64xf32, #tpu.memory_space<vmem_shared>> -> memref<10240x64xf32, #tpu.memory_space<vmem_shared>>
            tpu.wait_indirect_dma semaphore(%run_scoped3A : memref<!tpu.dma_semaphore, #tpu.memory_space<semaphore_mem>>) src(%arg13 : memref<96x64xf32, #tpu.memory_space<vmem>>) dst(%dma_wait3A_434 : memref<10240x64xf32, #tpu.memory_space<vmem_shared>>)
            tpu.yield
          }) : () -> ()
        } else {
        }
        %jit3A_349 = arith.constant 5 : i32
        %eq3A_350 = arith.constant 0 : i32
        %eq3A_351 = arith.cmpi eq, %jit3A_349, %eq3A_350 : i32
        %jit3A_352 = arith.constant 1 : i32
        %select_n3A_353 = arith.select %eq3A_351, %jit3A_352, %jit3A_349 : i32
        %rem3A_354 = arith.remsi %scan3A_189, %select_n3A_353 : i32
        %ne3A_355 = arith.constant 0 : i32
        %ne3A_356 = arith.cmpi ne, %rem3A_354, %ne3A_355 : i32
        %lt3A_357 = arith.constant 0 : i32
        %lt3A_358 = arith.cmpi slt, %rem3A_354, %lt3A_357 : i32
        %lt3A_359 = arith.constant 0 : i32
        %lt3A_360 = arith.cmpi slt, %select_n3A_353, %lt3A_359 : i32
        %ne3A_361 = arith.xori %lt3A_358, %lt3A_360 : i1
        %and3A_362 = arith.andi %ne3A_361, %ne3A_356 : i1
        %add3A_363 = arith.addi %rem3A_354, %select_n3A_353 : i32
        %select_n3A_364 = arith.select %and3A_362, %add3A_363, %rem3A_354 : i32
        %eq3A_365 = arith.constant 2 : i32
        %eq3A_366 = arith.cmpi eq, %select_n3A_364, %eq3A_365 : i32
        %convert_element_type3A_367 = arith.extui %eq3A_366 : i1 to i32
        %cond3A_368 = arith.constant 0 : i32
        %cond3A_369 = arith.cmpi ne, %convert_element_type3A_367, %cond3A_368 : i32
        scf.if %cond3A_369 {
          %dma_wait3A_413 = arith.constant 0 : i32
          %dma_wait3A_414 = tpu.memref_slice %arg10[%scan3A_189, %dma_wait3A_413] : memref<209x96xi32, #tpu.memory_space<vmem>> -> memref<1x96xi32, #tpu.memory_space<vmem>>
          %dma_wait3A_415 = tpu.memref_squeeze %dma_wait3A_414 : memref<1x96xi32, #tpu.memory_space<vmem>> -> memref<96xi32, #tpu.memory_space<vmem>>
          %dma_wait3A_416 = arith.constant 0 : i32
          %dma_wait3A_417 = arith.constant 0 : i32
          %dma_wait3A_418 = tpu.memref_slice %arg5[%arg0, %dma_wait3A_416, %dma_wait3A_417] : memref<2x10240x64xf32, #tpu.memory_space<hbm>> -> memref<1x10240x64xf32, #tpu.memory_space<hbm>>
          %dma_wait3A_419 = tpu.memref_squeeze %dma_wait3A_418 : memref<1x10240x64xf32, #tpu.memory_space<hbm>> -> memref<10240x64xf32, #tpu.memory_space<hbm>>
          %dma_wait3A_420 = arith.constant 0 : i32
          %dma_wait3A_421 = arith.constant 0 : i32
          %dma_wait3A_422 = tpu.memref_slice %dma_wait3A_419[%dma_wait3A_420, %dma_wait3A_421] : memref<10240x64xf32, #tpu.memory_space<hbm>> -> memref<10240x64xf32, #tpu.memory_space<hbm>>
          tpu.wait_indirect_dma semaphore(%arg32 : memref<!tpu.dma_semaphore, #tpu.memory_space<semaphore_mem>>) src(%dma_wait3A_422 : memref<10240x64xf32, #tpu.memory_space<hbm>>) dst(%arg14 : memref<96x64xf32, #tpu.memory_space<vmem>>)
          "tpu.region"() ({
            %run_scoped3A = tpu.sem_alloc : memref<!tpu.dma_semaphore, #tpu.memory_space<semaphore_mem>>
            %dma_start3A_423 = arith.constant 0 : i32
            %dma_start3A_424 = tpu.memref_slice %arg11[%scan3A_189, %dma_start3A_423] : memref<209x96xi32, #tpu.memory_space<vmem>> -> memref<1x96xi32, #tpu.memory_space<vmem>>
            %dma_start3A_425 = tpu.memref_squeeze %dma_start3A_424 : memref<1x96xi32, #tpu.memory_space<vmem>> -> memref<96xi32, #tpu.memory_space<vmem>>
            %dma_start3A_426 = arith.constant 0 : i32
            %dma_start3A_427 = arith.constant 0 : i32
            %dma_start3A_428 = tpu.memref_slice %arg7[%dma_start3A_426, %dma_start3A_427] : memref<10240x64xf32, #tpu.memory_space<vmem_shared>> -> memref<10240x64xf32, #tpu.memory_space<vmem_shared>>
            tpu.enqueue_indirect_dma source(%arg14 : memref<96x64xf32, #tpu.memory_space<vmem>>) target(%dma_start3A_428 : memref<10240x64xf32, #tpu.memory_space<vmem_shared>>) offsets(%dma_start3A_425 : memref<96xi32, #tpu.memory_space<vmem>>) semaphore(%run_scoped3A : memref<!tpu.dma_semaphore, #tpu.memory_space<semaphore_mem>>) {add = true}
            %dma_wait3A_429 = arith.constant 0 : i32
            %dma_wait3A_430 = tpu.memref_slice %arg11[%scan3A_189, %dma_wait3A_429] : memref<209x96xi32, #tpu.memory_space<vmem>> -> memref<1x96xi32, #tpu.memory_space<vmem>>
            %dma_wait3A_431 = tpu.memref_squeeze %dma_wait3A_430 : memref<1x96xi32, #tpu.memory_space<vmem>> -> memref<96xi32, #tpu.memory_space<vmem>>
            %dma_wait3A_432 = arith.constant 0 : i32
            %dma_wait3A_433 = arith.constant 0 : i32
            %dma_wait3A_434 = tpu.memref_slice %arg7[%dma_wait3A_432, %dma_wait3A_433] : memref<10240x64xf32, #tpu.memory_space<vmem_shared>> -> memref<10240x64xf32, #tpu.memory_space<vmem_shared>>
            tpu.wait_indirect_dma semaphore(%run_scoped3A : memref<!tpu.dma_semaphore, #tpu.memory_space<semaphore_mem>>) src(%arg14 : memref<96x64xf32, #tpu.memory_space<vmem>>) dst(%dma_wait3A_434 : memref<10240x64xf32, #tpu.memory_space<vmem_shared>>)
            tpu.yield
          }) : () -> ()
        } else {
        }
        %jit3A_370 = arith.constant 5 : i32
        %eq3A_371 = arith.constant 0 : i32
        %eq3A_372 = arith.cmpi eq, %jit3A_370, %eq3A_371 : i32
        %jit3A_373 = arith.constant 1 : i32
        %select_n3A_374 = arith.select %eq3A_372, %jit3A_373, %jit3A_370 : i32
        %rem3A_375 = arith.remsi %scan3A_189, %select_n3A_374 : i32
        %ne3A_376 = arith.constant 0 : i32
        %ne3A_377 = arith.cmpi ne, %rem3A_375, %ne3A_376 : i32
        %lt3A_378 = arith.constant 0 : i32
        %lt3A_379 = arith.cmpi slt, %rem3A_375, %lt3A_378 : i32
        %lt3A_380 = arith.constant 0 : i32
        %lt3A_381 = arith.cmpi slt, %select_n3A_374, %lt3A_380 : i32
        %ne3A_382 = arith.xori %lt3A_379, %lt3A_381 : i1
        %and3A_383 = arith.andi %ne3A_382, %ne3A_377 : i1
        %add3A_384 = arith.addi %rem3A_375, %select_n3A_374 : i32
        %select_n3A_385 = arith.select %and3A_383, %add3A_384, %rem3A_375 : i32
        %eq3A_386 = arith.constant 3 : i32
        %eq3A_387 = arith.cmpi eq, %select_n3A_385, %eq3A_386 : i32
        %convert_element_type3A_388 = arith.extui %eq3A_387 : i1 to i32
        %cond3A_389 = arith.constant 0 : i32
        %cond3A_390 = arith.cmpi ne, %convert_element_type3A_388, %cond3A_389 : i32
        scf.if %cond3A_390 {
          %dma_wait3A_413 = arith.constant 0 : i32
          %dma_wait3A_414 = tpu.memref_slice %arg10[%scan3A_189, %dma_wait3A_413] : memref<209x96xi32, #tpu.memory_space<vmem>> -> memref<1x96xi32, #tpu.memory_space<vmem>>
          %dma_wait3A_415 = tpu.memref_squeeze %dma_wait3A_414 : memref<1x96xi32, #tpu.memory_space<vmem>> -> memref<96xi32, #tpu.memory_space<vmem>>
          %dma_wait3A_416 = arith.constant 0 : i32
          %dma_wait3A_417 = arith.constant 0 : i32
          %dma_wait3A_418 = tpu.memref_slice %arg5[%arg0, %dma_wait3A_416, %dma_wait3A_417] : memref<2x10240x64xf32, #tpu.memory_space<hbm>> -> memref<1x10240x64xf32, #tpu.memory_space<hbm>>
          %dma_wait3A_419 = tpu.memref_squeeze %dma_wait3A_418 : memref<1x10240x64xf32, #tpu.memory_space<hbm>> -> memref<10240x64xf32, #tpu.memory_space<hbm>>
          %dma_wait3A_420 = arith.constant 0 : i32
          %dma_wait3A_421 = arith.constant 0 : i32
          %dma_wait3A_422 = tpu.memref_slice %dma_wait3A_419[%dma_wait3A_420, %dma_wait3A_421] : memref<10240x64xf32, #tpu.memory_space<hbm>> -> memref<10240x64xf32, #tpu.memory_space<hbm>>
          tpu.wait_indirect_dma semaphore(%arg33 : memref<!tpu.dma_semaphore, #tpu.memory_space<semaphore_mem>>) src(%dma_wait3A_422 : memref<10240x64xf32, #tpu.memory_space<hbm>>) dst(%arg15 : memref<96x64xf32, #tpu.memory_space<vmem>>)
          "tpu.region"() ({
            %run_scoped3A = tpu.sem_alloc : memref<!tpu.dma_semaphore, #tpu.memory_space<semaphore_mem>>
            %dma_start3A_423 = arith.constant 0 : i32
            %dma_start3A_424 = tpu.memref_slice %arg11[%scan3A_189, %dma_start3A_423] : memref<209x96xi32, #tpu.memory_space<vmem>> -> memref<1x96xi32, #tpu.memory_space<vmem>>
            %dma_start3A_425 = tpu.memref_squeeze %dma_start3A_424 : memref<1x96xi32, #tpu.memory_space<vmem>> -> memref<96xi32, #tpu.memory_space<vmem>>
            %dma_start3A_426 = arith.constant 0 : i32
            %dma_start3A_427 = arith.constant 0 : i32
            %dma_start3A_428 = tpu.memref_slice %arg7[%dma_start3A_426, %dma_start3A_427] : memref<10240x64xf32, #tpu.memory_space<vmem_shared>> -> memref<10240x64xf32, #tpu.memory_space<vmem_shared>>
            tpu.enqueue_indirect_dma source(%arg15 : memref<96x64xf32, #tpu.memory_space<vmem>>) target(%dma_start3A_428 : memref<10240x64xf32, #tpu.memory_space<vmem_shared>>) offsets(%dma_start3A_425 : memref<96xi32, #tpu.memory_space<vmem>>) semaphore(%run_scoped3A : memref<!tpu.dma_semaphore, #tpu.memory_space<semaphore_mem>>) {add = true}
            %dma_wait3A_429 = arith.constant 0 : i32
            %dma_wait3A_430 = tpu.memref_slice %arg11[%scan3A_189, %dma_wait3A_429] : memref<209x96xi32, #tpu.memory_space<vmem>> -> memref<1x96xi32, #tpu.memory_space<vmem>>
            %dma_wait3A_431 = tpu.memref_squeeze %dma_wait3A_430 : memref<1x96xi32, #tpu.memory_space<vmem>> -> memref<96xi32, #tpu.memory_space<vmem>>
            %dma_wait3A_432 = arith.constant 0 : i32
            %dma_wait3A_433 = arith.constant 0 : i32
            %dma_wait3A_434 = tpu.memref_slice %arg7[%dma_wait3A_432, %dma_wait3A_433] : memref<10240x64xf32, #tpu.memory_space<vmem_shared>> -> memref<10240x64xf32, #tpu.memory_space<vmem_shared>>
            tpu.wait_indirect_dma semaphore(%run_scoped3A : memref<!tpu.dma_semaphore, #tpu.memory_space<semaphore_mem>>) src(%arg15 : memref<96x64xf32, #tpu.memory_space<vmem>>) dst(%dma_wait3A_434 : memref<10240x64xf32, #tpu.memory_space<vmem_shared>>)
            tpu.yield
          }) : () -> ()
        } else {
        }
        %jit3A_391 = arith.constant 5 : i32
        %eq3A_392 = arith.constant 0 : i32
        %eq3A_393 = arith.cmpi eq, %jit3A_391, %eq3A_392 : i32
        %jit3A_394 = arith.constant 1 : i32
        %select_n3A_395 = arith.select %eq3A_393, %jit3A_394, %jit3A_391 : i32
        %rem3A_396 = arith.remsi %scan3A_189, %select_n3A_395 : i32
        %ne3A_397 = arith.constant 0 : i32
        %ne3A_398 = arith.cmpi ne, %rem3A_396, %ne3A_397 : i32
        %lt3A_399 = arith.constant 0 : i32
        %lt3A_400 = arith.cmpi slt, %rem3A_396, %lt3A_399 : i32
        %lt3A_401 = arith.constant 0 : i32
        %lt3A_402 = arith.cmpi slt, %select_n3A_395, %lt3A_401 : i32
        %ne3A_403 = arith.xori %lt3A_400, %lt3A_402 : i1
        %and3A_404 = arith.andi %ne3A_403, %ne3A_398 : i1
        %add3A_405 = arith.addi %rem3A_396, %select_n3A_395 : i32
        %select_n3A_406 = arith.select %and3A_404, %add3A_405, %rem3A_396 : i32
        %eq3A_407 = arith.constant 4 : i32
        %eq3A_408 = arith.cmpi eq, %select_n3A_406, %eq3A_407 : i32
        %convert_element_type3A_409 = arith.extui %eq3A_408 : i1 to i32
        %cond3A_410 = arith.constant 0 : i32
        %cond3A_411 = arith.cmpi ne, %convert_element_type3A_409, %cond3A_410 : i32
        scf.if %cond3A_411 {
          %dma_wait3A_413 = arith.constant 0 : i32
          %dma_wait3A_414 = tpu.memref_slice %arg10[%scan3A_189, %dma_wait3A_413] : memref<209x96xi32, #tpu.memory_space<vmem>> -> memref<1x96xi32, #tpu.memory_space<vmem>>
          %dma_wait3A_415 = tpu.memref_squeeze %dma_wait3A_414 : memref<1x96xi32, #tpu.memory_space<vmem>> -> memref<96xi32, #tpu.memory_space<vmem>>
          %dma_wait3A_416 = arith.constant 0 : i32
          %dma_wait3A_417 = arith.constant 0 : i32
          %dma_wait3A_418 = tpu.memref_slice %arg5[%arg0, %dma_wait3A_416, %dma_wait3A_417] : memref<2x10240x64xf32, #tpu.memory_space<hbm>> -> memref<1x10240x64xf32, #tpu.memory_space<hbm>>
          %dma_wait3A_419 = tpu.memref_squeeze %dma_wait3A_418 : memref<1x10240x64xf32, #tpu.memory_space<hbm>> -> memref<10240x64xf32, #tpu.memory_space<hbm>>
          %dma_wait3A_420 = arith.constant 0 : i32
          %dma_wait3A_421 = arith.constant 0 : i32
          %dma_wait3A_422 = tpu.memref_slice %dma_wait3A_419[%dma_wait3A_420, %dma_wait3A_421] : memref<10240x64xf32, #tpu.memory_space<hbm>> -> memref<10240x64xf32, #tpu.memory_space<hbm>>
          tpu.wait_indirect_dma semaphore(%arg34 : memref<!tpu.dma_semaphore, #tpu.memory_space<semaphore_mem>>) src(%dma_wait3A_422 : memref<10240x64xf32, #tpu.memory_space<hbm>>) dst(%arg16 : memref<96x64xf32, #tpu.memory_space<vmem>>)
          "tpu.region"() ({
            %run_scoped3A = tpu.sem_alloc : memref<!tpu.dma_semaphore, #tpu.memory_space<semaphore_mem>>
            %dma_start3A_423 = arith.constant 0 : i32
            %dma_start3A_424 = tpu.memref_slice %arg11[%scan3A_189, %dma_start3A_423] : memref<209x96xi32, #tpu.memory_space<vmem>> -> memref<1x96xi32, #tpu.memory_space<vmem>>
            %dma_start3A_425 = tpu.memref_squeeze %dma_start3A_424 : memref<1x96xi32, #tpu.memory_space<vmem>> -> memref<96xi32, #tpu.memory_space<vmem>>
            %dma_start3A_426 = arith.constant 0 : i32
            %dma_start3A_427 = arith.constant 0 : i32
            %dma_start3A_428 = tpu.memref_slice %arg7[%dma_start3A_426, %dma_start3A_427] : memref<10240x64xf32, #tpu.memory_space<vmem_shared>> -> memref<10240x64xf32, #tpu.memory_space<vmem_shared>>
            tpu.enqueue_indirect_dma source(%arg16 : memref<96x64xf32, #tpu.memory_space<vmem>>) target(%dma_start3A_428 : memref<10240x64xf32, #tpu.memory_space<vmem_shared>>) offsets(%dma_start3A_425 : memref<96xi32, #tpu.memory_space<vmem>>) semaphore(%run_scoped3A : memref<!tpu.dma_semaphore, #tpu.memory_space<semaphore_mem>>) {add = true}
            %dma_wait3A_429 = arith.constant 0 : i32
            %dma_wait3A_430 = tpu.memref_slice %arg11[%scan3A_189, %dma_wait3A_429] : memref<209x96xi32, #tpu.memory_space<vmem>> -> memref<1x96xi32, #tpu.memory_space<vmem>>
            %dma_wait3A_431 = tpu.memref_squeeze %dma_wait3A_430 : memref<1x96xi32, #tpu.memory_space<vmem>> -> memref<96xi32, #tpu.memory_space<vmem>>
            %dma_wait3A_432 = arith.constant 0 : i32
            %dma_wait3A_433 = arith.constant 0 : i32
            %dma_wait3A_434 = tpu.memref_slice %arg7[%dma_wait3A_432, %dma_wait3A_433] : memref<10240x64xf32, #tpu.memory_space<vmem_shared>> -> memref<10240x64xf32, #tpu.memory_space<vmem_shared>>
            tpu.wait_indirect_dma semaphore(%run_scoped3A : memref<!tpu.dma_semaphore, #tpu.memory_space<semaphore_mem>>) src(%arg16 : memref<96x64xf32, #tpu.memory_space<vmem>>) dst(%dma_wait3A_434 : memref<10240x64xf32, #tpu.memory_space<vmem_shared>>)
            tpu.yield
          }) : () -> ()
        } else {
        }
        %scan3A_412 = arith.constant 0 : i32
        scf.yield %scan3A_412 : i32
      }
      %scan3A_131 = arith.constant 209 : i32
      %barrier3A_132 = arith.constant 0 : index
      tpu.barrier barrier_id(%barrier3A_132)
      %add3A = arith.constant 0 : i32
      %add3A_133 = arith.addi %multiple_of3A, %add3A : i32
      %multiple_of3A_134 = tpu.assume_multiple %add3A_133, 32 : i32
      %dma_start3A_135 = arith.constant 0 : i32
      %dma_start3A_136 = tpu.memref_slice %arg7[%multiple_of3A_134, %dma_start3A_135] : memref<10240x64xf32, #tpu.memory_space<vmem_shared>> -> memref<32x64xf32, #tpu.memory_space<vmem_shared>>
      %dma_start3A_137 = arith.constant 0 : i32
      %dma_start3A_138 = tpu.memref_slice %arg7[%multiple_of3A_134, %dma_start3A_137] : memref<10240x64xf32, #tpu.memory_space<vmem_shared>> -> memref<32x64xf32, #tpu.memory_space<vmem_shared>>
      tpu.enqueue_dma source(%dma_start3A_138 : memref<32x64xf32, #tpu.memory_space<vmem_shared>>) target(%arg17 : memref<32x64xf32, #tpu.memory_space<vmem>>) target_semaphore(%arg35 : memref<!tpu.dma_semaphore, #tpu.memory_space<semaphore_mem>>)
      %dma_start3A_139 = arith.constant 0 : i32
      %dma_start3A_140 = arith.constant 0 : i32
      %dma_start3A_141 = tpu.memref_slice %arg4[%arg0, %dma_start3A_139, %dma_start3A_140] : memref<2x10240x64xf32, #tpu.memory_space<hbm>> -> memref<1x10240x64xf32, #tpu.memory_space<hbm>>
      %dma_start3A_142 = tpu.memref_squeeze %dma_start3A_141 : memref<1x10240x64xf32, #tpu.memory_space<hbm>> -> memref<10240x64xf32, #tpu.memory_space<hbm>>
      %dma_start3A_143 = arith.constant 0 : i32
      %dma_start3A_144 = tpu.memref_slice %dma_start3A_142[%multiple_of3A_134, %dma_start3A_143] : memref<10240x64xf32, #tpu.memory_space<hbm>> -> memref<32x64xf32, #tpu.memory_space<hbm>>
      %dma_start3A_145 = arith.constant 0 : i32
      %dma_start3A_146 = arith.constant 0 : i32
      %dma_start3A_147 = tpu.memref_slice %arg4[%arg0, %dma_start3A_145, %dma_start3A_146] : memref<2x10240x64xf32, #tpu.memory_space<hbm>> -> memref<1x10240x64xf32, #tpu.memory_space<hbm>>
      %dma_start3A_148 = tpu.memref_squeeze %dma_start3A_147 : memref<1x10240x64xf32, #tpu.memory_space<hbm>> -> memref<10240x64xf32, #tpu.memory_space<hbm>>
      %dma_start3A_149 = arith.constant 0 : i32
      %dma_start3A_150 = tpu.memref_slice %dma_start3A_148[%multiple_of3A_134, %dma_start3A_149] : memref<10240x64xf32, #tpu.memory_space<hbm>> -> memref<32x64xf32, #tpu.memory_space<hbm>>
      tpu.enqueue_dma source(%dma_start3A_150 : memref<32x64xf32, #tpu.memory_space<hbm>>) target(%arg19 : memref<32x64xf32, #tpu.memory_space<vmem>>) target_semaphore(%arg37 : memref<!tpu.dma_semaphore, #tpu.memory_space<semaphore_mem>>)
      %scan3A_151 = arith.constant 0 : i32
      %scan3A_152 = arith.constant 0 : i32
      %scan3A_153 = arith.constant 20 : i32
      %scan3A_154 = arith.addi %scan3A_152, %scan3A_153 : i32
      %scan3A_155 = arith.constant 1 : i32
      %scan3A_156 = scf.for %scan3A_189 = %scan3A_152 to %scan3A_154 step %scan3A_155 iter_args(%scan3A_190 = %scan3A_151) -> (i32)  : i32 {
        %add3A_191 = arith.constant 1 : i32
        %add3A_192 = arith.addi %scan3A_189, %add3A_191 : i32
        %lt3A = arith.constant 20 : i32
        %lt3A_193 = arith.cmpi slt, %add3A_192, %lt3A : i32
        %jit3A = arith.constant 2 : i32
        %eq3A_194 = arith.constant 0 : i32
        %eq3A_195 = arith.cmpi eq, %jit3A, %eq3A_194 : i32
        %jit3A_196 = arith.constant 1 : i32
        %select_n3A = arith.select %eq3A_195, %jit3A_196, %jit3A : i32
        %rem3A = arith.remsi %add3A_192, %select_n3A : i32
        %ne3A = arith.constant 0 : i32
        %ne3A_197 = arith.cmpi ne, %rem3A, %ne3A : i32
        %lt3A_198 = arith.constant 0 : i32
        %lt3A_199 = arith.cmpi slt, %rem3A, %lt3A_198 : i32
        %lt3A_200 = arith.constant 0 : i32
        %lt3A_201 = arith.cmpi slt, %select_n3A, %lt3A_200 : i32
        %ne3A_202 = arith.xori %lt3A_199, %lt3A_201 : i1
        %and3A = arith.andi %ne3A_202, %ne3A_197 : i1
        %add3A_203 = arith.addi %rem3A, %select_n3A : i32
        %select_n3A_204 = arith.select %and3A, %add3A_203, %rem3A : i32
        %eq3A_205 = arith.constant 1 : i32
        %eq3A_206 = arith.cmpi eq, %select_n3A_204, %eq3A_205 : i32
        %and3A_207 = arith.andi %lt3A_193, %eq3A_206 : i1
        %convert_element_type3A_208 = arith.extui %and3A_207 : i1 to i32
        %cond3A_209 = arith.constant 0 : i32
        %cond3A_210 = arith.cmpi ne, %convert_element_type3A_208, %cond3A_209 : i32
        scf.if %cond3A_210 {
          %mul3A_282 = arith.constant 32 : i32
          %mul3A_283 = arith.muli %add3A_192, %mul3A_282 : i32
          %add3A_284 = arith.addi %multiple_of3A, %mul3A_283 : i32
          %multiple_of3A_285 = tpu.assume_multiple %add3A_284, 32 : i32
          %dma_start3A_286 = arith.constant 0 : i32
          %dma_start3A_287 = tpu.memref_slice %arg7[%multiple_of3A_285, %dma_start3A_286] : memref<10240x64xf32, #tpu.memory_space<vmem_shared>> -> memref<32x64xf32, #tpu.memory_space<vmem_shared>>
          %dma_start3A_288 = arith.constant 0 : i32
          %dma_start3A_289 = tpu.memref_slice %arg7[%multiple_of3A_285, %dma_start3A_288] : memref<10240x64xf32, #tpu.memory_space<vmem_shared>> -> memref<32x64xf32, #tpu.memory_space<vmem_shared>>
          tpu.enqueue_dma source(%dma_start3A_289 : memref<32x64xf32, #tpu.memory_space<vmem_shared>>) target(%arg18 : memref<32x64xf32, #tpu.memory_space<vmem>>) target_semaphore(%arg36 : memref<!tpu.dma_semaphore, #tpu.memory_space<semaphore_mem>>)
          %dma_start3A_290 = arith.constant 0 : i32
          %dma_start3A_291 = arith.constant 0 : i32
          %dma_start3A_292 = tpu.memref_slice %arg4[%arg0, %dma_start3A_290, %dma_start3A_291] : memref<2x10240x64xf32, #tpu.memory_space<hbm>> -> memref<1x10240x64xf32, #tpu.memory_space<hbm>>
          %dma_start3A_293 = tpu.memref_squeeze %dma_start3A_292 : memref<1x10240x64xf32, #tpu.memory_space<hbm>> -> memref<10240x64xf32, #tpu.memory_space<hbm>>
          %dma_start3A_294 = arith.constant 0 : i32
          %dma_start3A_295 = tpu.memref_slice %dma_start3A_293[%multiple_of3A_285, %dma_start3A_294] : memref<10240x64xf32, #tpu.memory_space<hbm>> -> memref<32x64xf32, #tpu.memory_space<hbm>>
          %dma_start3A_296 = arith.constant 0 : i32
          %dma_start3A_297 = arith.constant 0 : i32
          %dma_start3A_298 = tpu.memref_slice %arg4[%arg0, %dma_start3A_296, %dma_start3A_297] : memref<2x10240x64xf32, #tpu.memory_space<hbm>> -> memref<1x10240x64xf32, #tpu.memory_space<hbm>>
          %dma_start3A_299 = tpu.memref_squeeze %dma_start3A_298 : memref<1x10240x64xf32, #tpu.memory_space<hbm>> -> memref<10240x64xf32, #tpu.memory_space<hbm>>
          %dma_start3A_300 = arith.constant 0 : i32
          %dma_start3A_301 = tpu.memref_slice %dma_start3A_299[%multiple_of3A_285, %dma_start3A_300] : memref<10240x64xf32, #tpu.memory_space<hbm>> -> memref<32x64xf32, #tpu.memory_space<hbm>>
          tpu.enqueue_dma source(%dma_start3A_301 : memref<32x64xf32, #tpu.memory_space<hbm>>) target(%arg20 : memref<32x64xf32, #tpu.memory_space<vmem>>) target_semaphore(%arg38 : memref<!tpu.dma_semaphore, #tpu.memory_space<semaphore_mem>>)
        } else {
        }
        %lt3A_211 = arith.constant 20 : i32
        %lt3A_212 = arith.cmpi slt, %add3A_192, %lt3A_211 : i32
        %jit3A_213 = arith.constant 2 : i32
        %eq3A_214 = arith.constant 0 : i32
        %eq3A_215 = arith.cmpi eq, %jit3A_213, %eq3A_214 : i32
        %jit3A_216 = arith.constant 1 : i32
        %select_n3A_217 = arith.select %eq3A_215, %jit3A_216, %jit3A_213 : i32
        %rem3A_218 = arith.remsi %add3A_192, %select_n3A_217 : i32
        %ne3A_219 = arith.constant 0 : i32
        %ne3A_220 = arith.cmpi ne, %rem3A_218, %ne3A_219 : i32
        %lt3A_221 = arith.constant 0 : i32
        %lt3A_222 = arith.cmpi slt, %rem3A_218, %lt3A_221 : i32
        %lt3A_223 = arith.constant 0 : i32
        %lt3A_224 = arith.cmpi slt, %select_n3A_217, %lt3A_223 : i32
        %ne3A_225 = arith.xori %lt3A_222, %lt3A_224 : i1
        %and3A_226 = arith.andi %ne3A_225, %ne3A_220 : i1
        %add3A_227 = arith.addi %rem3A_218, %select_n3A_217 : i32
        %select_n3A_228 = arith.select %and3A_226, %add3A_227, %rem3A_218 : i32
        %eq3A_229 = arith.constant 0 : i32
        %eq3A_230 = arith.cmpi eq, %select_n3A_228, %eq3A_229 : i32
        %and3A_231 = arith.andi %lt3A_212, %eq3A_230 : i1
        %convert_element_type3A_232 = arith.extui %and3A_231 : i1 to i32
        %cond3A_233 = arith.constant 0 : i32
        %cond3A_234 = arith.cmpi ne, %convert_element_type3A_232, %cond3A_233 : i32
        scf.if %cond3A_234 {
          %mul3A_282 = arith.constant 32 : i32
          %mul3A_283 = arith.muli %add3A_192, %mul3A_282 : i32
          %add3A_284 = arith.addi %multiple_of3A, %mul3A_283 : i32
          %multiple_of3A_285 = tpu.assume_multiple %add3A_284, 32 : i32
          %dma_start3A_286 = arith.constant 0 : i32
          %dma_start3A_287 = tpu.memref_slice %arg7[%multiple_of3A_285, %dma_start3A_286] : memref<10240x64xf32, #tpu.memory_space<vmem_shared>> -> memref<32x64xf32, #tpu.memory_space<vmem_shared>>
          %dma_start3A_288 = arith.constant 0 : i32
          %dma_start3A_289 = tpu.memref_slice %arg7[%multiple_of3A_285, %dma_start3A_288] : memref<10240x64xf32, #tpu.memory_space<vmem_shared>> -> memref<32x64xf32, #tpu.memory_space<vmem_shared>>
          tpu.enqueue_dma source(%dma_start3A_289 : memref<32x64xf32, #tpu.memory_space<vmem_shared>>) target(%arg17 : memref<32x64xf32, #tpu.memory_space<vmem>>) target_semaphore(%arg35 : memref<!tpu.dma_semaphore, #tpu.memory_space<semaphore_mem>>)
          %dma_start3A_290 = arith.constant 0 : i32
          %dma_start3A_291 = arith.constant 0 : i32
          %dma_start3A_292 = tpu.memref_slice %arg4[%arg0, %dma_start3A_290, %dma_start3A_291] : memref<2x10240x64xf32, #tpu.memory_space<hbm>> -> memref<1x10240x64xf32, #tpu.memory_space<hbm>>
          %dma_start3A_293 = tpu.memref_squeeze %dma_start3A_292 : memref<1x10240x64xf32, #tpu.memory_space<hbm>> -> memref<10240x64xf32, #tpu.memory_space<hbm>>
          %dma_start3A_294 = arith.constant 0 : i32
          %dma_start3A_295 = tpu.memref_slice %dma_start3A_293[%multiple_of3A_285, %dma_start3A_294] : memref<10240x64xf32, #tpu.memory_space<hbm>> -> memref<32x64xf32, #tpu.memory_space<hbm>>
          %dma_start3A_296 = arith.constant 0 : i32
          %dma_start3A_297 = arith.constant 0 : i32
          %dma_start3A_298 = tpu.memref_slice %arg4[%arg0, %dma_start3A_296, %dma_start3A_297] : memref<2x10240x64xf32, #tpu.memory_space<hbm>> -> memref<1x10240x64xf32, #tpu.memory_space<hbm>>
          %dma_start3A_299 = tpu.memref_squeeze %dma_start3A_298 : memref<1x10240x64xf32, #tpu.memory_space<hbm>> -> memref<10240x64xf32, #tpu.memory_space<hbm>>
          %dma_start3A_300 = arith.constant 0 : i32
          %dma_start3A_301 = tpu.memref_slice %dma_start3A_299[%multiple_of3A_285, %dma_start3A_300] : memref<10240x64xf32, #tpu.memory_space<hbm>> -> memref<32x64xf32, #tpu.memory_space<hbm>>
          tpu.enqueue_dma source(%dma_start3A_301 : memref<32x64xf32, #tpu.memory_space<hbm>>) target(%arg19 : memref<32x64xf32, #tpu.memory_space<vmem>>) target_semaphore(%arg37 : memref<!tpu.dma_semaphore, #tpu.memory_space<semaphore_mem>>)
        } else {
        }
        %jit3A_235 = arith.constant 2 : i32
        %eq3A_236 = arith.constant 0 : i32
        %eq3A_237 = arith.cmpi eq, %jit3A_235, %eq3A_236 : i32
        %jit3A_238 = arith.constant 1 : i32
        %select_n3A_239 = arith.select %eq3A_237, %jit3A_238, %jit3A_235 : i32
        %rem3A_240 = arith.remsi %scan3A_189, %select_n3A_239 : i32
        %ne3A_241 = arith.constant 0 : i32
        %ne3A_242 = arith.cmpi ne, %rem3A_240, %ne3A_241 : i32
        %lt3A_243 = arith.constant 0 : i32
        %lt3A_244 = arith.cmpi slt, %rem3A_240, %lt3A_243 : i32
        %lt3A_245 = arith.constant 0 : i32
        %lt3A_246 = arith.cmpi slt, %select_n3A_239, %lt3A_245 : i32
        %ne3A_247 = arith.xori %lt3A_244, %lt3A_246 : i1
        %and3A_248 = arith.andi %ne3A_247, %ne3A_242 : i1
        %add3A_249 = arith.addi %rem3A_240, %select_n3A_239 : i32
        %select_n3A_250 = arith.select %and3A_248, %add3A_249, %rem3A_240 : i32
        %eq3A_251 = arith.constant 0 : i32
        %eq3A_252 = arith.cmpi eq, %select_n3A_250, %eq3A_251 : i32
        %convert_element_type3A_253 = arith.extui %eq3A_252 : i1 to i32
        %cond3A_254 = arith.constant 0 : i32
        %cond3A_255 = arith.cmpi ne, %convert_element_type3A_253, %cond3A_254 : i32
        scf.if %cond3A_255 {
          %mul3A_282 = arith.constant 32 : i32
          %mul3A_283 = arith.muli %scan3A_189, %mul3A_282 : i32
          %add3A_284 = arith.addi %multiple_of3A, %mul3A_283 : i32
          %multiple_of3A_285 = tpu.assume_multiple %add3A_284, 32 : i32
          %dma_wait3A_286 = arith.constant 0 : i32
          %dma_wait3A_287 = tpu.memref_slice %arg7[%multiple_of3A_285, %dma_wait3A_286] : memref<10240x64xf32, #tpu.memory_space<vmem_shared>> -> memref<32x64xf32, #tpu.memory_space<vmem_shared>>
          %dma_wait3A_288 = arith.constant 0 : i32
          %dma_wait3A_289 = tpu.memref_slice %arg7[%multiple_of3A_285, %dma_wait3A_288] : memref<10240x64xf32, #tpu.memory_space<vmem_shared>> -> memref<32x64xf32, #tpu.memory_space<vmem_shared>>
          tpu.wait_dma2 semaphore(%arg35 : memref<!tpu.dma_semaphore, #tpu.memory_space<semaphore_mem>>) src(%dma_wait3A_289 : memref<32x64xf32, #tpu.memory_space<vmem_shared>>) dst(%arg17 : memref<32x64xf32, #tpu.memory_space<vmem>>)
          %dma_wait3A_290 = arith.constant 0 : i32
          %dma_wait3A_291 = arith.constant 0 : i32
          %dma_wait3A_292 = tpu.memref_slice %arg4[%arg0, %dma_wait3A_290, %dma_wait3A_291] : memref<2x10240x64xf32, #tpu.memory_space<hbm>> -> memref<1x10240x64xf32, #tpu.memory_space<hbm>>
          %dma_wait3A_293 = tpu.memref_squeeze %dma_wait3A_292 : memref<1x10240x64xf32, #tpu.memory_space<hbm>> -> memref<10240x64xf32, #tpu.memory_space<hbm>>
          %dma_wait3A_294 = arith.constant 0 : i32
          %dma_wait3A_295 = tpu.memref_slice %dma_wait3A_293[%multiple_of3A_285, %dma_wait3A_294] : memref<10240x64xf32, #tpu.memory_space<hbm>> -> memref<32x64xf32, #tpu.memory_space<hbm>>
          %dma_wait3A_296 = arith.constant 0 : i32
          %dma_wait3A_297 = arith.constant 0 : i32
          %dma_wait3A_298 = tpu.memref_slice %arg4[%arg0, %dma_wait3A_296, %dma_wait3A_297] : memref<2x10240x64xf32, #tpu.memory_space<hbm>> -> memref<1x10240x64xf32, #tpu.memory_space<hbm>>
          %dma_wait3A_299 = tpu.memref_squeeze %dma_wait3A_298 : memref<1x10240x64xf32, #tpu.memory_space<hbm>> -> memref<10240x64xf32, #tpu.memory_space<hbm>>
          %dma_wait3A_300 = arith.constant 0 : i32
          %dma_wait3A_301 = tpu.memref_slice %dma_wait3A_299[%multiple_of3A_285, %dma_wait3A_300] : memref<10240x64xf32, #tpu.memory_space<hbm>> -> memref<32x64xf32, #tpu.memory_space<hbm>>
          tpu.wait_dma2 semaphore(%arg37 : memref<!tpu.dma_semaphore, #tpu.memory_space<semaphore_mem>>) src(%dma_wait3A_301 : memref<32x64xf32, #tpu.memory_space<hbm>>) dst(%arg19 : memref<32x64xf32, #tpu.memory_space<vmem>>)
          %ge3A = arith.constant 2 : i32
          %ge3A_302 = arith.cmpi sge, %scan3A_189, %ge3A : i32
          %convert_element_type3A_303 = arith.extui %ge3A_302 : i1 to i32
          %cond3A_304 = arith.constant 0 : i32
          %cond3A_305 = arith.cmpi ne, %convert_element_type3A_303, %cond3A_304 : i32
          scf.if %cond3A_305 {
            %sub3A = arith.constant 2 : i32
            %sub3A_329 = arith.subi %scan3A_189, %sub3A : i32
            %mul3A_330 = arith.constant 32 : i32
            %mul3A_331 = arith.muli %sub3A_329, %mul3A_330 : i32
            %add3A_332 = arith.addi %multiple_of3A, %mul3A_331 : i32
            %multiple_of3A_333 = tpu.assume_multiple %add3A_332, 32 : i32
            %dma_wait3A_334 = arith.constant 0 : i32
            %dma_wait3A_335 = arith.constant 0 : i32
            %dma_wait3A_336 = tpu.memref_slice %arg5[%arg0, %dma_wait3A_334, %dma_wait3A_335] : memref<2x10240x64xf32, #tpu.memory_space<hbm>> -> memref<1x10240x64xf32, #tpu.memory_space<hbm>>
            %dma_wait3A_337 = tpu.memref_squeeze %dma_wait3A_336 : memref<1x10240x64xf32, #tpu.memory_space<hbm>> -> memref<10240x64xf32, #tpu.memory_space<hbm>>
            %dma_wait3A_338 = arith.constant 0 : i32
            %dma_wait3A_339 = tpu.memref_slice %dma_wait3A_337[%multiple_of3A_333, %dma_wait3A_338] : memref<10240x64xf32, #tpu.memory_space<hbm>> -> memref<32x64xf32, #tpu.memory_space<hbm>>
            %dma_wait3A_340 = arith.constant 0 : i32
            %dma_wait3A_341 = arith.constant 0 : i32
            %dma_wait3A_342 = tpu.memref_slice %arg5[%arg0, %dma_wait3A_340, %dma_wait3A_341] : memref<2x10240x64xf32, #tpu.memory_space<hbm>> -> memref<1x10240x64xf32, #tpu.memory_space<hbm>>
            %dma_wait3A_343 = tpu.memref_squeeze %dma_wait3A_342 : memref<1x10240x64xf32, #tpu.memory_space<hbm>> -> memref<10240x64xf32, #tpu.memory_space<hbm>>
            %dma_wait3A_344 = arith.constant 0 : i32
            %dma_wait3A_345 = tpu.memref_slice %dma_wait3A_343[%multiple_of3A_333, %dma_wait3A_344] : memref<10240x64xf32, #tpu.memory_space<hbm>> -> memref<32x64xf32, #tpu.memory_space<hbm>>
            tpu.wait_dma2 semaphore(%arg39 : memref<!tpu.dma_semaphore, #tpu.memory_space<semaphore_mem>>) src(%arg21 : memref<32x64xf32, #tpu.memory_space<vmem>>) dst(%dma_wait3A_345 : memref<32x64xf32, #tpu.memory_space<hbm>>)
          } else {
          }
          %scan3A_306 = arith.constant 0 : i32
          %scan3A_307 = arith.constant 0 : i32
          %scan3A_308 = arith.constant 32 : i32
          %scan3A_309 = arith.addi %scan3A_307, %scan3A_308 : i32
          %scan3A_310 = arith.constant 1 : i32
          %scan3A_311 = scf.for %scan3A_329 = %scan3A_307 to %scan3A_309 step %scan3A_310 iter_args(%scan3A_330 = %scan3A_306) -> (i32)  : i32 {
            %mul3A_331 = arith.constant 32 : i32
            %mul3A_332 = arith.muli %scan3A_189, %mul3A_331 : i32
            %add3A_333 = arith.addi %mul3A_332, %scan3A_329 : i32
            %get3A = arith.index_cast %add3A_333 : i32 to index
            %get3A_334 = tpu.vector_load %arg27[%get3A] {strides = array<i32>} : memref<656xf32, #tpu.memory_space<vmem>>, vector<16xf32>,
            %get3A_335 = vector.shape_cast %get3A_334 : vector<16xf32> to vector<16xf32>
            %slice3A = vector.extract_strided_slice %get3A_335 {offsets = [0], sizes = [1], strides = [1]} : vector<16xf32> to vector<1xf32>
            %squeeze3A = vector.extract %slice3A[0] : f32 from vector<1xf32>
            %mul3A_336 = arith.constant 0.899999976 : f32
            %mul3A_337 = arith.mulf %mul3A_336, %squeeze3A : f32
            %get3A_338 = arith.index_cast %add3A_333 : i32 to index
            %get3A_339 = tpu.vector_load %arg28[%get3A_338] {strides = array<i32>} : memref<656xf32, #tpu.memory_space<vmem>>, vector<16xf32>,
            %get3A_340 = vector.shape_cast %get3A_339 : vector<16xf32> to vector<16xf32>
            %slice3A_341 = vector.extract_strided_slice %get3A_340 {offsets = [0], sizes = [1], strides = [1]} : vector<16xf32> to vector<1xf32>
            %squeeze3A_342 = vector.extract %slice3A_341[0] : f32 from vector<1xf32>
            %mul3A_343 = arith.mulf %mul3A_337, %squeeze3A_342 : f32
            %mul3A_344 = arith.constant 1.000000e-01 : f32
            %mul3A_345 = arith.mulf %mul3A_344, %squeeze3A : f32
            %get3A_346 = arith.index_cast %scan3A_329 : i32 to index
            %get3A_347 = arith.constant 0 : index
            %get3A_348 = tpu.vector_load %arg17[%get3A_346, %get3A_347] {strides = array<i32>} : memref<32x64xf32, #tpu.memory_space<vmem>>, vector<1x16xf32>,
            %get3A_349 = vector.shape_cast %get3A_348 : vector<1x16xf32> to vector<16xf32>
            %get3A_350 = arith.index_cast %scan3A_329 : i32 to index
            %get3A_351 = arith.constant 0 : index
            %get3A_352 = tpu.vector_load %arg19[%get3A_350, %get3A_351] {strides = array<i32>} : memref<32x64xf32, #tpu.memory_space<vmem>>, vector<1x16xf32>,
            %get3A_353 = vector.shape_cast %get3A_352 : vector<1x16xf32> to vector<16xf32>
            %mul3A_354 = vector.broadcast %mul3A_343 : f32 to vector<16xf32>
            %mul3A_355 = arith.mulf %mul3A_354, %get3A_349 : vector<16xf32>
            %mul3A_356 = vector.broadcast %mul3A_345 : f32 to vector<16xf32>
            %mul3A_357 = arith.mulf %mul3A_356, %get3A_353 : vector<16xf32>
            %add3A_358 = arith.addf %mul3A_355, %mul3A_357 : vector<16xf32>
            %swap3A = arith.index_cast %scan3A_329 : i32 to index
            %swap3A_359 = arith.constant 0 : index
            %swap3A_360 = tpu.vector_load %arg21[%swap3A, %swap3A_359] {strides = array<i32>} : memref<32x64xf32, #tpu.memory_space<vmem>>, vector<1x16xf32>,
            %swap3A_361 = vector.shape_cast %swap3A_360 : vector<1x16xf32> to vector<16xf32>
            %swap3A_362 = vector.shape_cast %add3A_358 : vector<16xf32> to vector<1x16xf32>
            tpu.vector_store %arg21[%swap3A, %swap3A_359], %swap3A_362 {strides = array<i32>} : memref<32x64xf32, #tpu.memory_space<vmem>>, vector<1x16xf32>,
            %get3A_363 = arith.index_cast %scan3A_329 : i32 to index
            %get3A_364 = arith.constant 16 : index
            %get3A_365 = tpu.vector_load %arg17[%get3A_363, %get3A_364] {strides = array<i32>} : memref<32x64xf32, #tpu.memory_space<vmem>>, vector<1x16xf32>,
            %get3A_366 = vector.shape_cast %get3A_365 : vector<1x16xf32> to vector<16xf32>
            %get3A_367 = arith.index_cast %scan3A_329 : i32 to index
            %get3A_368 = arith.constant 16 : index
            %get3A_369 = tpu.vector_load %arg19[%get3A_367, %get3A_368] {strides = array<i32>} : memref<32x64xf32, #tpu.memory_space<vmem>>, vector<1x16xf32>,
            %get3A_370 = vector.shape_cast %get3A_369 : vector<1x16xf32> to vector<16xf32>
            %mul3A_371 = vector.broadcast %mul3A_343 : f32 to vector<16xf32>
            %mul3A_372 = arith.mulf %mul3A_371, %get3A_366 : vector<16xf32>
            %mul3A_373 = vector.broadcast %mul3A_345 : f32 to vector<16xf32>
            %mul3A_374 = arith.mulf %mul3A_373, %get3A_370 : vector<16xf32>
            %add3A_375 = arith.addf %mul3A_372, %mul3A_374 : vector<16xf32>
            %swap3A_376 = arith.index_cast %scan3A_329 : i32 to index
            %swap3A_377 = arith.constant 16 : index
            %swap3A_378 = tpu.vector_load %arg21[%swap3A_376, %swap3A_377] {strides = array<i32>} : memref<32x64xf32, #tpu.memory_space<vmem>>, vector<1x16xf32>,
            %swap3A_379 = vector.shape_cast %swap3A_378 : vector<1x16xf32> to vector<16xf32>
            %swap3A_380 = vector.shape_cast %add3A_375 : vector<16xf32> to vector<1x16xf32>
            tpu.vector_store %arg21[%swap3A_376, %swap3A_377], %swap3A_380 {strides = array<i32>} : memref<32x64xf32, #tpu.memory_space<vmem>>, vector<1x16xf32>,
            %get3A_381 = arith.index_cast %scan3A_329 : i32 to index
            %get3A_382 = arith.constant 32 : index
            %get3A_383 = tpu.vector_load %arg17[%get3A_381, %get3A_382] {strides = array<i32>} : memref<32x64xf32, #tpu.memory_space<vmem>>, vector<1x16xf32>,
            %get3A_384 = vector.shape_cast %get3A_383 : vector<1x16xf32> to vector<16xf32>
            %get3A_385 = arith.index_cast %scan3A_329 : i32 to index
            %get3A_386 = arith.constant 32 : index
            %get3A_387 = tpu.vector_load %arg19[%get3A_385, %get3A_386] {strides = array<i32>} : memref<32x64xf32, #tpu.memory_space<vmem>>, vector<1x16xf32>,
            %get3A_388 = vector.shape_cast %get3A_387 : vector<1x16xf32> to vector<16xf32>
            %mul3A_389 = vector.broadcast %mul3A_343 : f32 to vector<16xf32>
            %mul3A_390 = arith.mulf %mul3A_389, %get3A_384 : vector<16xf32>
            %mul3A_391 = vector.broadcast %mul3A_345 : f32 to vector<16xf32>
            %mul3A_392 = arith.mulf %mul3A_391, %get3A_388 : vector<16xf32>
            %add3A_393 = arith.addf %mul3A_390, %mul3A_392 : vector<16xf32>
            %swap3A_394 = arith.index_cast %scan3A_329 : i32 to index
            %swap3A_395 = arith.constant 32 : index
            %swap3A_396 = tpu.vector_load %arg21[%swap3A_394, %swap3A_395] {strides = array<i32>} : memref<32x64xf32, #tpu.memory_space<vmem>>, vector<1x16xf32>,
            %swap3A_397 = vector.shape_cast %swap3A_396 : vector<1x16xf32> to vector<16xf32>
            %swap3A_398 = vector.shape_cast %add3A_393 : vector<16xf32> to vector<1x16xf32>
            tpu.vector_store %arg21[%swap3A_394, %swap3A_395], %swap3A_398 {strides = array<i32>} : memref<32x64xf32, #tpu.memory_space<vmem>>, vector<1x16xf32>,
            %get3A_399 = arith.index_cast %scan3A_329 : i32 to index
            %get3A_400 = arith.constant 48 : index
            %get3A_401 = tpu.vector_load %arg17[%get3A_399, %get3A_400] {strides = array<i32>} : memref<32x64xf32, #tpu.memory_space<vmem>>, vector<1x16xf32>,
            %get3A_402 = vector.shape_cast %get3A_401 : vector<1x16xf32> to vector<16xf32>
            %get3A_403 = arith.index_cast %scan3A_329 : i32 to index
            %get3A_404 = arith.constant 48 : index
            %get3A_405 = tpu.vector_load %arg19[%get3A_403, %get3A_404] {strides = array<i32>} : memref<32x64xf32, #tpu.memory_space<vmem>>, vector<1x16xf32>,
            %get3A_406 = vector.shape_cast %get3A_405 : vector<1x16xf32> to vector<16xf32>
            %mul3A_407 = vector.broadcast %mul3A_343 : f32 to vector<16xf32>
            %mul3A_408 = arith.mulf %mul3A_407, %get3A_402 : vector<16xf32>
            %mul3A_409 = vector.broadcast %mul3A_345 : f32 to vector<16xf32>
            %mul3A_410 = arith.mulf %mul3A_409, %get3A_406 : vector<16xf32>
            %add3A_411 = arith.addf %mul3A_408, %mul3A_410 : vector<16xf32>
            %swap3A_412 = arith.index_cast %scan3A_329 : i32 to index
            %swap3A_413 = arith.constant 48 : index
            %swap3A_414 = tpu.vector_load %arg21[%swap3A_412, %swap3A_413] {strides = array<i32>} : memref<32x64xf32, #tpu.memory_space<vmem>>, vector<1x16xf32>,
            %swap3A_415 = vector.shape_cast %swap3A_414 : vector<1x16xf32> to vector<16xf32>
            %swap3A_416 = vector.shape_cast %add3A_411 : vector<16xf32> to vector<1x16xf32>
            tpu.vector_store %arg21[%swap3A_412, %swap3A_413], %swap3A_416 {strides = array<i32>} : memref<32x64xf32, #tpu.memory_space<vmem>>, vector<1x16xf32>,
            %scan3A_417 = arith.constant 0 : i32
            scf.yield %scan3A_417 : i32
          }
          %scan3A_312 = arith.constant 32 : i32
          %mul3A_313 = arith.constant 32 : i32
          %mul3A_314 = arith.muli %scan3A_189, %mul3A_313 : i32
          %add3A_315 = arith.addi %multiple_of3A, %mul3A_314 : i32
          %multiple_of3A_316 = tpu.assume_multiple %add3A_315, 32 : i32
          %dma_start3A_317 = arith.constant 0 : i32
          %dma_start3A_318 = arith.constant 0 : i32
          %dma_start3A_319 = tpu.memref_slice %arg5[%arg0, %dma_start3A_317, %dma_start3A_318] : memref<2x10240x64xf32, #tpu.memory_space<hbm>> -> memref<1x10240x64xf32, #tpu.memory_space<hbm>>
          %dma_start3A_320 = tpu.memref_squeeze %dma_start3A_319 : memref<1x10240x64xf32, #tpu.memory_space<hbm>> -> memref<10240x64xf32, #tpu.memory_space<hbm>>
          %dma_start3A_321 = arith.constant 0 : i32
          %dma_start3A_322 = tpu.memref_slice %dma_start3A_320[%multiple_of3A_316, %dma_start3A_321] : memref<10240x64xf32, #tpu.memory_space<hbm>> -> memref<32x64xf32, #tpu.memory_space<hbm>>
          %dma_start3A_323 = arith.constant 0 : i32
          %dma_start3A_324 = arith.constant 0 : i32
          %dma_start3A_325 = tpu.memref_slice %arg5[%arg0, %dma_start3A_323, %dma_start3A_324] : memref<2x10240x64xf32, #tpu.memory_space<hbm>> -> memref<1x10240x64xf32, #tpu.memory_space<hbm>>
          %dma_start3A_326 = tpu.memref_squeeze %dma_start3A_325 : memref<1x10240x64xf32, #tpu.memory_space<hbm>> -> memref<10240x64xf32, #tpu.memory_space<hbm>>
          %dma_start3A_327 = arith.constant 0 : i32
          %dma_start3A_328 = tpu.memref_slice %dma_start3A_326[%multiple_of3A_316, %dma_start3A_327] : memref<10240x64xf32, #tpu.memory_space<hbm>> -> memref<32x64xf32, #tpu.memory_space<hbm>>
          tpu.enqueue_dma source(%arg21 : memref<32x64xf32, #tpu.memory_space<vmem>>) target(%dma_start3A_328 : memref<32x64xf32, #tpu.memory_space<hbm>>) target_semaphore(%arg39 : memref<!tpu.dma_semaphore, #tpu.memory_space<semaphore_mem>>)
        } else {
        }
        %jit3A_256 = arith.constant 2 : i32
        %eq3A_257 = arith.constant 0 : i32
        %eq3A_258 = arith.cmpi eq, %jit3A_256, %eq3A_257 : i32
        %jit3A_259 = arith.constant 1 : i32
        %select_n3A_260 = arith.select %eq3A_258, %jit3A_259, %jit3A_256 : i32
        %rem3A_261 = arith.remsi %scan3A_189, %select_n3A_260 : i32
        %ne3A_262 = arith.constant 0 : i32
        %ne3A_263 = arith.cmpi ne, %rem3A_261, %ne3A_262 : i32
        %lt3A_264 = arith.constant 0 : i32
        %lt3A_265 = arith.cmpi slt, %rem3A_261, %lt3A_264 : i32
        %lt3A_266 = arith.constant 0 : i32
        %lt3A_267 = arith.cmpi slt, %select_n3A_260, %lt3A_266 : i32
        %ne3A_268 = arith.xori %lt3A_265, %lt3A_267 : i1
        %and3A_269 = arith.andi %ne3A_268, %ne3A_263 : i1
        %add3A_270 = arith.addi %rem3A_261, %select_n3A_260 : i32
        %select_n3A_271 = arith.select %and3A_269, %add3A_270, %rem3A_261 : i32
        %eq3A_272 = arith.constant 1 : i32
        %eq3A_273 = arith.cmpi eq, %select_n3A_271, %eq3A_272 : i32
        %convert_element_type3A_274 = arith.extui %eq3A_273 : i1 to i32
        %cond3A_275 = arith.constant 0 : i32
        %cond3A_276 = arith.cmpi ne, %convert_element_type3A_274, %cond3A_275 : i32
        scf.if %cond3A_276 {
          %mul3A_282 = arith.constant 32 : i32
          %mul3A_283 = arith.muli %scan3A_189, %mul3A_282 : i32
          %add3A_284 = arith.addi %multiple_of3A, %mul3A_283 : i32
          %multiple_of3A_285 = tpu.assume_multiple %add3A_284, 32 : i32
          %dma_wait3A_286 = arith.constant 0 : i32
          %dma_wait3A_287 = tpu.memref_slice %arg7[%multiple_of3A_285, %dma_wait3A_286] : memref<10240x64xf32, #tpu.memory_space<vmem_shared>> -> memref<32x64xf32, #tpu.memory_space<vmem_shared>>
          %dma_wait3A_288 = arith.constant 0 : i32
          %dma_wait3A_289 = tpu.memref_slice %arg7[%multiple_of3A_285, %dma_wait3A_288] : memref<10240x64xf32, #tpu.memory_space<vmem_shared>> -> memref<32x64xf32, #tpu.memory_space<vmem_shared>>
          tpu.wait_dma2 semaphore(%arg36 : memref<!tpu.dma_semaphore, #tpu.memory_space<semaphore_mem>>) src(%dma_wait3A_289 : memref<32x64xf32, #tpu.memory_space<vmem_shared>>) dst(%arg18 : memref<32x64xf32, #tpu.memory_space<vmem>>)
          %dma_wait3A_290 = arith.constant 0 : i32
          %dma_wait3A_291 = arith.constant 0 : i32
          %dma_wait3A_292 = tpu.memref_slice %arg4[%arg0, %dma_wait3A_290, %dma_wait3A_291] : memref<2x10240x64xf32, #tpu.memory_space<hbm>> -> memref<1x10240x64xf32, #tpu.memory_space<hbm>>
          %dma_wait3A_293 = tpu.memref_squeeze %dma_wait3A_292 : memref<1x10240x64xf32, #tpu.memory_space<hbm>> -> memref<10240x64xf32, #tpu.memory_space<hbm>>
          %dma_wait3A_294 = arith.constant 0 : i32
          %dma_wait3A_295 = tpu.memref_slice %dma_wait3A_293[%multiple_of3A_285, %dma_wait3A_294] : memref<10240x64xf32, #tpu.memory_space<hbm>> -> memref<32x64xf32, #tpu.memory_space<hbm>>
          %dma_wait3A_296 = arith.constant 0 : i32
          %dma_wait3A_297 = arith.constant 0 : i32
          %dma_wait3A_298 = tpu.memref_slice %arg4[%arg0, %dma_wait3A_296, %dma_wait3A_297] : memref<2x10240x64xf32, #tpu.memory_space<hbm>> -> memref<1x10240x64xf32, #tpu.memory_space<hbm>>
          %dma_wait3A_299 = tpu.memref_squeeze %dma_wait3A_298 : memref<1x10240x64xf32, #tpu.memory_space<hbm>> -> memref<10240x64xf32, #tpu.memory_space<hbm>>
          %dma_wait3A_300 = arith.constant 0 : i32
          %dma_wait3A_301 = tpu.memref_slice %dma_wait3A_299[%multiple_of3A_285, %dma_wait3A_300] : memref<10240x64xf32, #tpu.memory_space<hbm>> -> memref<32x64xf32, #tpu.memory_space<hbm>>
          tpu.wait_dma2 semaphore(%arg38 : memref<!tpu.dma_semaphore, #tpu.memory_space<semaphore_mem>>) src(%dma_wait3A_301 : memref<32x64xf32, #tpu.memory_space<hbm>>) dst(%arg20 : memref<32x64xf32, #tpu.memory_space<vmem>>)
          %ge3A = arith.constant 2 : i32
          %ge3A_302 = arith.cmpi sge, %scan3A_189, %ge3A : i32
          %convert_element_type3A_303 = arith.extui %ge3A_302 : i1 to i32
          %cond3A_304 = arith.constant 0 : i32
          %cond3A_305 = arith.cmpi ne, %convert_element_type3A_303, %cond3A_304 : i32
          scf.if %cond3A_305 {
            %sub3A = arith.constant 2 : i32
            %sub3A_329 = arith.subi %scan3A_189, %sub3A : i32
            %mul3A_330 = arith.constant 32 : i32
            %mul3A_331 = arith.muli %sub3A_329, %mul3A_330 : i32
            %add3A_332 = arith.addi %multiple_of3A, %mul3A_331 : i32
            %multiple_of3A_333 = tpu.assume_multiple %add3A_332, 32 : i32
            %dma_wait3A_334 = arith.constant 0 : i32
            %dma_wait3A_335 = arith.constant 0 : i32
            %dma_wait3A_336 = tpu.memref_slice %arg5[%arg0, %dma_wait3A_334, %dma_wait3A_335] : memref<2x10240x64xf32, #tpu.memory_space<hbm>> -> memref<1x10240x64xf32, #tpu.memory_space<hbm>>
            %dma_wait3A_337 = tpu.memref_squeeze %dma_wait3A_336 : memref<1x10240x64xf32, #tpu.memory_space<hbm>> -> memref<10240x64xf32, #tpu.memory_space<hbm>>
            %dma_wait3A_338 = arith.constant 0 : i32
            %dma_wait3A_339 = tpu.memref_slice %dma_wait3A_337[%multiple_of3A_333, %dma_wait3A_338] : memref<10240x64xf32, #tpu.memory_space<hbm>> -> memref<32x64xf32, #tpu.memory_space<hbm>>
            %dma_wait3A_340 = arith.constant 0 : i32
            %dma_wait3A_341 = arith.constant 0 : i32
            %dma_wait3A_342 = tpu.memref_slice %arg5[%arg0, %dma_wait3A_340, %dma_wait3A_341] : memref<2x10240x64xf32, #tpu.memory_space<hbm>> -> memref<1x10240x64xf32, #tpu.memory_space<hbm>>
            %dma_wait3A_343 = tpu.memref_squeeze %dma_wait3A_342 : memref<1x10240x64xf32, #tpu.memory_space<hbm>> -> memref<10240x64xf32, #tpu.memory_space<hbm>>
            %dma_wait3A_344 = arith.constant 0 : i32
            %dma_wait3A_345 = tpu.memref_slice %dma_wait3A_343[%multiple_of3A_333, %dma_wait3A_344] : memref<10240x64xf32, #tpu.memory_space<hbm>> -> memref<32x64xf32, #tpu.memory_space<hbm>>
            tpu.wait_dma2 semaphore(%arg40 : memref<!tpu.dma_semaphore, #tpu.memory_space<semaphore_mem>>) src(%arg22 : memref<32x64xf32, #tpu.memory_space<vmem>>) dst(%dma_wait3A_345 : memref<32x64xf32, #tpu.memory_space<hbm>>)
          } else {
          }
          %scan3A_306 = arith.constant 0 : i32
          %scan3A_307 = arith.constant 0 : i32
          %scan3A_308 = arith.constant 32 : i32
          %scan3A_309 = arith.addi %scan3A_307, %scan3A_308 : i32
          %scan3A_310 = arith.constant 1 : i32
          %scan3A_311 = scf.for %scan3A_329 = %scan3A_307 to %scan3A_309 step %scan3A_310 iter_args(%scan3A_330 = %scan3A_306) -> (i32)  : i32 {
            %mul3A_331 = arith.constant 32 : i32
            %mul3A_332 = arith.muli %scan3A_189, %mul3A_331 : i32
            %add3A_333 = arith.addi %mul3A_332, %scan3A_329 : i32
            %get3A = arith.index_cast %add3A_333 : i32 to index
            %get3A_334 = tpu.vector_load %arg27[%get3A] {strides = array<i32>} : memref<656xf32, #tpu.memory_space<vmem>>, vector<16xf32>,
            %get3A_335 = vector.shape_cast %get3A_334 : vector<16xf32> to vector<16xf32>
            %slice3A = vector.extract_strided_slice %get3A_335 {offsets = [0], sizes = [1], strides = [1]} : vector<16xf32> to vector<1xf32>
            %squeeze3A = vector.extract %slice3A[0] : f32 from vector<1xf32>
            %mul3A_336 = arith.constant 0.899999976 : f32
            %mul3A_337 = arith.mulf %mul3A_336, %squeeze3A : f32
            %get3A_338 = arith.index_cast %add3A_333 : i32 to index
            %get3A_339 = tpu.vector_load %arg28[%get3A_338] {strides = array<i32>} : memref<656xf32, #tpu.memory_space<vmem>>, vector<16xf32>,
            %get3A_340 = vector.shape_cast %get3A_339 : vector<16xf32> to vector<16xf32>
            %slice3A_341 = vector.extract_strided_slice %get3A_340 {offsets = [0], sizes = [1], strides = [1]} : vector<16xf32> to vector<1xf32>
            %squeeze3A_342 = vector.extract %slice3A_341[0] : f32 from vector<1xf32>
            %mul3A_343 = arith.mulf %mul3A_337, %squeeze3A_342 : f32
            %mul3A_344 = arith.constant 1.000000e-01 : f32
            %mul3A_345 = arith.mulf %mul3A_344, %squeeze3A : f32
            %get3A_346 = arith.index_cast %scan3A_329 : i32 to index
            %get3A_347 = arith.constant 0 : index
            %get3A_348 = tpu.vector_load %arg18[%get3A_346, %get3A_347] {strides = array<i32>} : memref<32x64xf32, #tpu.memory_space<vmem>>, vector<1x16xf32>,
            %get3A_349 = vector.shape_cast %get3A_348 : vector<1x16xf32> to vector<16xf32>
            %get3A_350 = arith.index_cast %scan3A_329 : i32 to index
            %get3A_351 = arith.constant 0 : index
            %get3A_352 = tpu.vector_load %arg20[%get3A_350, %get3A_351] {strides = array<i32>} : memref<32x64xf32, #tpu.memory_space<vmem>>, vector<1x16xf32>,
            %get3A_353 = vector.shape_cast %get3A_352 : vector<1x16xf32> to vector<16xf32>
            %mul3A_354 = vector.broadcast %mul3A_343 : f32 to vector<16xf32>
            %mul3A_355 = arith.mulf %mul3A_354, %get3A_349 : vector<16xf32>
            %mul3A_356 = vector.broadcast %mul3A_345 : f32 to vector<16xf32>
            %mul3A_357 = arith.mulf %mul3A_356, %get3A_353 : vector<16xf32>
            %add3A_358 = arith.addf %mul3A_355, %mul3A_357 : vector<16xf32>
            %swap3A = arith.index_cast %scan3A_329 : i32 to index
            %swap3A_359 = arith.constant 0 : index
            %swap3A_360 = tpu.vector_load %arg22[%swap3A, %swap3A_359] {strides = array<i32>} : memref<32x64xf32, #tpu.memory_space<vmem>>, vector<1x16xf32>,
            %swap3A_361 = vector.shape_cast %swap3A_360 : vector<1x16xf32> to vector<16xf32>
            %swap3A_362 = vector.shape_cast %add3A_358 : vector<16xf32> to vector<1x16xf32>
            tpu.vector_store %arg22[%swap3A, %swap3A_359], %swap3A_362 {strides = array<i32>} : memref<32x64xf32, #tpu.memory_space<vmem>>, vector<1x16xf32>,
            %get3A_363 = arith.index_cast %scan3A_329 : i32 to index
            %get3A_364 = arith.constant 16 : index
            %get3A_365 = tpu.vector_load %arg18[%get3A_363, %get3A_364] {strides = array<i32>} : memref<32x64xf32, #tpu.memory_space<vmem>>, vector<1x16xf32>,
            %get3A_366 = vector.shape_cast %get3A_365 : vector<1x16xf32> to vector<16xf32>
            %get3A_367 = arith.index_cast %scan3A_329 : i32 to index
            %get3A_368 = arith.constant 16 : index
            %get3A_369 = tpu.vector_load %arg20[%get3A_367, %get3A_368] {strides = array<i32>} : memref<32x64xf32, #tpu.memory_space<vmem>>, vector<1x16xf32>,
            %get3A_370 = vector.shape_cast %get3A_369 : vector<1x16xf32> to vector<16xf32>
            %mul3A_371 = vector.broadcast %mul3A_343 : f32 to vector<16xf32>
            %mul3A_372 = arith.mulf %mul3A_371, %get3A_366 : vector<16xf32>
            %mul3A_373 = vector.broadcast %mul3A_345 : f32 to vector<16xf32>
            %mul3A_374 = arith.mulf %mul3A_373, %get3A_370 : vector<16xf32>
            %add3A_375 = arith.addf %mul3A_372, %mul3A_374 : vector<16xf32>
            %swap3A_376 = arith.index_cast %scan3A_329 : i32 to index
            %swap3A_377 = arith.constant 16 : index
            %swap3A_378 = tpu.vector_load %arg22[%swap3A_376, %swap3A_377] {strides = array<i32>} : memref<32x64xf32, #tpu.memory_space<vmem>>, vector<1x16xf32>,
            %swap3A_379 = vector.shape_cast %swap3A_378 : vector<1x16xf32> to vector<16xf32>
            %swap3A_380 = vector.shape_cast %add3A_375 : vector<16xf32> to vector<1x16xf32>
            tpu.vector_store %arg22[%swap3A_376, %swap3A_377], %swap3A_380 {strides = array<i32>} : memref<32x64xf32, #tpu.memory_space<vmem>>, vector<1x16xf32>,
            %get3A_381 = arith.index_cast %scan3A_329 : i32 to index
            %get3A_382 = arith.constant 32 : index
            %get3A_383 = tpu.vector_load %arg18[%get3A_381, %get3A_382] {strides = array<i32>} : memref<32x64xf32, #tpu.memory_space<vmem>>, vector<1x16xf32>,
            %get3A_384 = vector.shape_cast %get3A_383 : vector<1x16xf32> to vector<16xf32>
            %get3A_385 = arith.index_cast %scan3A_329 : i32 to index
            %get3A_386 = arith.constant 32 : index
            %get3A_387 = tpu.vector_load %arg20[%get3A_385, %get3A_386] {strides = array<i32>} : memref<32x64xf32, #tpu.memory_space<vmem>>, vector<1x16xf32>,
            %get3A_388 = vector.shape_cast %get3A_387 : vector<1x16xf32> to vector<16xf32>
            %mul3A_389 = vector.broadcast %mul3A_343 : f32 to vector<16xf32>
            %mul3A_390 = arith.mulf %mul3A_389, %get3A_384 : vector<16xf32>
            %mul3A_391 = vector.broadcast %mul3A_345 : f32 to vector<16xf32>
            %mul3A_392 = arith.mulf %mul3A_391, %get3A_388 : vector<16xf32>
            %add3A_393 = arith.addf %mul3A_390, %mul3A_392 : vector<16xf32>
            %swap3A_394 = arith.index_cast %scan3A_329 : i32 to index
            %swap3A_395 = arith.constant 32 : index
            %swap3A_396 = tpu.vector_load %arg22[%swap3A_394, %swap3A_395] {strides = array<i32>} : memref<32x64xf32, #tpu.memory_space<vmem>>, vector<1x16xf32>,
            %swap3A_397 = vector.shape_cast %swap3A_396 : vector<1x16xf32> to vector<16xf32>
            %swap3A_398 = vector.shape_cast %add3A_393 : vector<16xf32> to vector<1x16xf32>
            tpu.vector_store %arg22[%swap3A_394, %swap3A_395], %swap3A_398 {strides = array<i32>} : memref<32x64xf32, #tpu.memory_space<vmem>>, vector<1x16xf32>,
            %get3A_399 = arith.index_cast %scan3A_329 : i32 to index
            %get3A_400 = arith.constant 48 : index
            %get3A_401 = tpu.vector_load %arg18[%get3A_399, %get3A_400] {strides = array<i32>} : memref<32x64xf32, #tpu.memory_space<vmem>>, vector<1x16xf32>,
            %get3A_402 = vector.shape_cast %get3A_401 : vector<1x16xf32> to vector<16xf32>
            %get3A_403 = arith.index_cast %scan3A_329 : i32 to index
            %get3A_404 = arith.constant 48 : index
            %get3A_405 = tpu.vector_load %arg20[%get3A_403, %get3A_404] {strides = array<i32>} : memref<32x64xf32, #tpu.memory_space<vmem>>, vector<1x16xf32>,
            %get3A_406 = vector.shape_cast %get3A_405 : vector<1x16xf32> to vector<16xf32>
            %mul3A_407 = vector.broadcast %mul3A_343 : f32 to vector<16xf32>
            %mul3A_408 = arith.mulf %mul3A_407, %get3A_402 : vector<16xf32>
            %mul3A_409 = vector.broadcast %mul3A_345 : f32 to vector<16xf32>
            %mul3A_410 = arith.mulf %mul3A_409, %get3A_406 : vector<16xf32>
            %add3A_411 = arith.addf %mul3A_408, %mul3A_410 : vector<16xf32>
            %swap3A_412 = arith.index_cast %scan3A_329 : i32 to index
            %swap3A_413 = arith.constant 48 : index
            %swap3A_414 = tpu.vector_load %arg22[%swap3A_412, %swap3A_413] {strides = array<i32>} : memref<32x64xf32, #tpu.memory_space<vmem>>, vector<1x16xf32>,
            %swap3A_415 = vector.shape_cast %swap3A_414 : vector<1x16xf32> to vector<16xf32>
            %swap3A_416 = vector.shape_cast %add3A_411 : vector<16xf32> to vector<1x16xf32>
            tpu.vector_store %arg22[%swap3A_412, %swap3A_413], %swap3A_416 {strides = array<i32>} : memref<32x64xf32, #tpu.memory_space<vmem>>, vector<1x16xf32>,
            %scan3A_417 = arith.constant 0 : i32
            scf.yield %scan3A_417 : i32
          }
          %scan3A_312 = arith.constant 32 : i32
          %mul3A_313 = arith.constant 32 : i32
          %mul3A_314 = arith.muli %scan3A_189, %mul3A_313 : i32
          %add3A_315 = arith.addi %multiple_of3A, %mul3A_314 : i32
          %multiple_of3A_316 = tpu.assume_multiple %add3A_315, 32 : i32
          %dma_start3A_317 = arith.constant 0 : i32
          %dma_start3A_318 = arith.constant 0 : i32
          %dma_start3A_319 = tpu.memref_slice %arg5[%arg0, %dma_start3A_317, %dma_start3A_318] : memref<2x10240x64xf32, #tpu.memory_space<hbm>> -> memref<1x10240x64xf32, #tpu.memory_space<hbm>>
          %dma_start3A_320 = tpu.memref_squeeze %dma_start3A_319 : memref<1x10240x64xf32, #tpu.memory_space<hbm>> -> memref<10240x64xf32, #tpu.memory_space<hbm>>
          %dma_start3A_321 = arith.constant 0 : i32
          %dma_start3A_322 = tpu.memref_slice %dma_start3A_320[%multiple_of3A_316, %dma_start3A_321] : memref<10240x64xf32, #tpu.memory_space<hbm>> -> memref<32x64xf32, #tpu.memory_space<hbm>>
          %dma_start3A_323 = arith.constant 0 : i32
          %dma_start3A_324 = arith.constant 0 : i32
          %dma_start3A_325 = tpu.memref_slice %arg5[%arg0, %dma_start3A_323, %dma_start3A_324] : memref<2x10240x64xf32, #tpu.memory_space<hbm>> -> memref<1x10240x64xf32, #tpu.memory_space<hbm>>
          %dma_start3A_326 = tpu.memref_squeeze %dma_start3A_325 : memref<1x10240x64xf32, #tpu.memory_space<hbm>> -> memref<10240x64xf32, #tpu.memory_space<hbm>>
          %dma_start3A_327 = arith.constant 0 : i32
          %dma_start3A_328 = tpu.memref_slice %dma_start3A_326[%multiple_of3A_316, %dma_start3A_327] : memref<10240x64xf32, #tpu.memory_space<hbm>> -> memref<32x64xf32, #tpu.memory_space<hbm>>
          tpu.enqueue_dma source(%arg22 : memref<32x64xf32, #tpu.memory_space<vmem>>) target(%dma_start3A_328 : memref<32x64xf32, #tpu.memory_space<hbm>>) target_semaphore(%arg40 : memref<!tpu.dma_semaphore, #tpu.memory_space<semaphore_mem>>)
        } else {
        }
        %mul3A_277 = arith.constant 32 : i32
        %mul3A_278 = arith.muli %scan3A_189, %mul3A_277 : i32
        %add3A_279 = arith.addi %multiple_of3A, %mul3A_278 : i32
        %multiple_of3A_280 = tpu.assume_multiple %add3A_279, 32 : i32
        "tpu.region"() ({
          %run_scoped3A = tpu.sem_alloc : memref<!tpu.dma_semaphore, #tpu.memory_space<semaphore_mem>>
          %dma_start3A_282 = arith.constant 0 : i32
          %dma_start3A_283 = tpu.memref_slice %arg7[%multiple_of3A_280, %dma_start3A_282] : memref<10240x64xf32, #tpu.memory_space<vmem_shared>> -> memref<32x64xf32, #tpu.memory_space<vmem_shared>>
          %dma_start3A_284 = arith.constant 0 : i32
          %dma_start3A_285 = tpu.memref_slice %arg7[%multiple_of3A_280, %dma_start3A_284] : memref<10240x64xf32, #tpu.memory_space<vmem_shared>> -> memref<32x64xf32, #tpu.memory_space<vmem_shared>>
          tpu.enqueue_dma source(%arg23 : memref<32x64xf32, #tpu.memory_space<vmem>>) target(%dma_start3A_285 : memref<32x64xf32, #tpu.memory_space<vmem_shared>>) target_semaphore(%run_scoped3A : memref<!tpu.dma_semaphore, #tpu.memory_space<semaphore_mem>>)
          %dma_wait3A_286 = arith.constant 0 : i32
          %dma_wait3A_287 = tpu.memref_slice %arg7[%multiple_of3A_280, %dma_wait3A_286] : memref<10240x64xf32, #tpu.memory_space<vmem_shared>> -> memref<32x64xf32, #tpu.memory_space<vmem_shared>>
          %dma_wait3A_288 = arith.constant 0 : i32
          %dma_wait3A_289 = tpu.memref_slice %arg7[%multiple_of3A_280, %dma_wait3A_288] : memref<10240x64xf32, #tpu.memory_space<vmem_shared>> -> memref<32x64xf32, #tpu.memory_space<vmem_shared>>
          tpu.wait_dma2 semaphore(%run_scoped3A : memref<!tpu.dma_semaphore, #tpu.memory_space<semaphore_mem>>) src(%arg23 : memref<32x64xf32, #tpu.memory_space<vmem>>) dst(%dma_wait3A_289 : memref<32x64xf32, #tpu.memory_space<vmem_shared>>)
          tpu.yield
        }) : () -> ()
        %scan3A_281 = arith.constant 0 : i32
        scf.yield %scan3A_281 : i32
      }
      %scan3A_157 = arith.constant 20 : i32
      %add3A_158 = arith.constant 576 : i32
      %add3A_159 = arith.addi %multiple_of3A, %add3A_158 : i32
      %multiple_of3A_160 = tpu.assume_multiple %add3A_159, 32 : i32
      %dma_wait3A = arith.constant 0 : i32
      %dma_wait3A_161 = arith.constant 0 : i32
      %dma_wait3A_162 = tpu.memref_slice %arg5[%arg0, %dma_wait3A, %dma_wait3A_161] : memref<2x10240x64xf32, #tpu.memory_space<hbm>> -> memref<1x10240x64xf32, #tpu.memory_space<hbm>>
      %dma_wait3A_163 = tpu.memref_squeeze %dma_wait3A_162 : memref<1x10240x64xf32, #tpu.memory_space<hbm>> -> memref<10240x64xf32, #tpu.memory_space<hbm>>
      %dma_wait3A_164 = arith.constant 0 : i32
      %dma_wait3A_165 = tpu.memref_slice %dma_wait3A_163[%multiple_of3A_160, %dma_wait3A_164] : memref<10240x64xf32, #tpu.memory_space<hbm>> -> memref<32x64xf32, #tpu.memory_space<hbm>>
      %dma_wait3A_166 = arith.constant 0 : i32
      %dma_wait3A_167 = arith.constant 0 : i32
      %dma_wait3A_168 = tpu.memref_slice %arg5[%arg0, %dma_wait3A_166, %dma_wait3A_167] : memref<2x10240x64xf32, #tpu.memory_space<hbm>> -> memref<1x10240x64xf32, #tpu.memory_space<hbm>>
      %dma_wait3A_169 = tpu.memref_squeeze %dma_wait3A_168 : memref<1x10240x64xf32, #tpu.memory_space<hbm>> -> memref<10240x64xf32, #tpu.memory_space<hbm>>
      %dma_wait3A_170 = arith.constant 0 : i32
      %dma_wait3A_171 = tpu.memref_slice %dma_wait3A_169[%multiple_of3A_160, %dma_wait3A_170] : memref<10240x64xf32, #tpu.memory_space<hbm>> -> memref<32x64xf32, #tpu.memory_space<hbm>>
      tpu.wait_dma2 semaphore(%arg39 : memref<!tpu.dma_semaphore, #tpu.memory_space<semaphore_mem>>) src(%arg21 : memref<32x64xf32, #tpu.memory_space<vmem>>) dst(%dma_wait3A_171 : memref<32x64xf32, #tpu.memory_space<hbm>>)
      %add3A_172 = arith.constant 608 : i32
      %add3A_173 = arith.addi %multiple_of3A, %add3A_172 : i32
      %multiple_of3A_174 = tpu.assume_multiple %add3A_173, 32 : i32
      %dma_wait3A_175 = arith.constant 0 : i32
      %dma_wait3A_176 = arith.constant 0 : i32
      %dma_wait3A_177 = tpu.memref_slice %arg5[%arg0, %dma_wait3A_175, %dma_wait3A_176] : memref<2x10240x64xf32, #tpu.memory_space<hbm>> -> memref<1x10240x64xf32, #tpu.memory_space<hbm>>
      %dma_wait3A_178 = tpu.memref_squeeze %dma_wait3A_177 : memref<1x10240x64xf32, #tpu.memory_space<hbm>> -> memref<10240x64xf32, #tpu.memory_space<hbm>>
      %dma_wait3A_179 = arith.constant 0 : i32
      %dma_wait3A_180 = tpu.memref_slice %dma_wait3A_178[%multiple_of3A_174, %dma_wait3A_179] : memref<10240x64xf32, #tpu.memory_space<hbm>> -> memref<32x64xf32, #tpu.memory_space<hbm>>
      %dma_wait3A_181 = arith.constant 0 : i32
      %dma_wait3A_182 = arith.constant 0 : i32
      %dma_wait3A_183 = tpu.memref_slice %arg5[%arg0, %dma_wait3A_181, %dma_wait3A_182] : memref<2x10240x64xf32, #tpu.memory_space<hbm>> -> memref<1x10240x64xf32, #tpu.memory_space<hbm>>
      %dma_wait3A_184 = tpu.memref_squeeze %dma_wait3A_183 : memref<1x10240x64xf32, #tpu.memory_space<hbm>> -> memref<10240x64xf32, #tpu.memory_space<hbm>>
      %dma_wait3A_185 = arith.constant 0 : i32
      %dma_wait3A_186 = tpu.memref_slice %dma_wait3A_184[%multiple_of3A_174, %dma_wait3A_185] : memref<10240x64xf32, #tpu.memory_space<hbm>> -> memref<32x64xf32, #tpu.memory_space<hbm>>
      tpu.wait_dma2 semaphore(%arg40 : memref<!tpu.dma_semaphore, #tpu.memory_space<semaphore_mem>>) src(%arg22 : memref<32x64xf32, #tpu.memory_space<vmem>>) dst(%dma_wait3A_186 : memref<32x64xf32, #tpu.memory_space<hbm>>)
      %barrier3A_187 = arith.constant 0 : index
      tpu.barrier barrier_id(%barrier3A_187)
      %scan3A_188 = arith.constant 0 : i32
      scf.yield %scan3A_188 : i32
    }
    %scan3A_76 = arith.constant 10 : i32
    %eq3A = arith.constant 0 : i32
    %eq3A_77 = arith.cmpi eq, %arg0, %eq3A : i32
    %convert_element_type3A = arith.extui %eq3A_77 : i1 to i32
    %cond3A = arith.constant 0 : i32
    %cond3A_78 = arith.cmpi ne, %convert_element_type3A, %cond3A : i32
    scf.if %cond3A_78 {
      "tpu.region"() ({
        %run_scoped3A = tpu.sem_alloc : memref<!tpu.dma_semaphore, #tpu.memory_space<semaphore_mem>>
        %dma_start3A_79 = arith.constant 0 : i32
        %dma_start3A_80 = tpu.memref_slice %arg29[%dma_start3A_79] : memref<656xf32, #tpu.memory_space<vmem>> -> memref<640xf32, #tpu.memory_space<vmem>>
        %dma_start3A_81 = tpu.memref_slice %arg6[%multiple_of3A] : memref<10240xf32, #tpu.memory_space<hbm>> -> memref<640xf32, #tpu.memory_space<hbm>>
        %dma_start3A_82 = tpu.memref_slice %arg6[%multiple_of3A] : memref<10240xf32, #tpu.memory_space<hbm>> -> memref<640xf32, #tpu.memory_space<hbm>>
        %dma_start3A_83 = arith.constant 0 : i32
        %dma_start3A_84 = tpu.memref_slice %arg29[%dma_start3A_83] : memref<656xf32, #tpu.memory_space<vmem>> -> memref<640xf32, #tpu.memory_space<vmem>>
        tpu.enqueue_dma source(%dma_start3A_84 : memref<640xf32, #tpu.memory_space<vmem>>) target(%dma_start3A_82 : memref<640xf32, #tpu.memory_space<hbm>>) target_semaphore(%run_scoped3A : memref<!tpu.dma_semaphore, #tpu.memory_space<semaphore_mem>>)
        %dma_wait3A = arith.constant 0 : i32
        %dma_wait3A_85 = tpu.memref_slice %arg29[%dma_wait3A] : memref<656xf32, #tpu.memory_space<vmem>> -> memref<640xf32, #tpu.memory_space<vmem>>
        %dma_wait3A_86 = tpu.memref_slice %arg6[%multiple_of3A] : memref<10240xf32, #tpu.memory_space<hbm>> -> memref<640xf32, #tpu.memory_space<hbm>>
        %dma_wait3A_87 = tpu.memref_slice %arg6[%multiple_of3A] : memref<10240xf32, #tpu.memory_space<hbm>> -> memref<640xf32, #tpu.memory_space<hbm>>
        %dma_wait3A_88 = arith.constant 0 : i32
        %dma_wait3A_89 = tpu.memref_slice %arg29[%dma_wait3A_88] : memref<656xf32, #tpu.memory_space<vmem>> -> memref<640xf32, #tpu.memory_space<vmem>>
        tpu.wait_dma2 semaphore(%run_scoped3A : memref<!tpu.dma_semaphore, #tpu.memory_space<semaphore_mem>>) src(%dma_wait3A_89 : memref<640xf32, #tpu.memory_space<vmem>>) dst(%dma_wait3A_87 : memref<640xf32, #tpu.memory_space<hbm>>)
        tpu.yield
      }) : () -> ()
    } else {
    }
    return
  }
}

module attributes {stable_mosaic.version = 14 : i64} {
  func.func @body(%arg0: memref<10000x128xf32, #tpu.memory_space<vmem>>, %arg1: memref<128x128xf32, #tpu.memory_space<vmem>>, %arg2: memref<128xf32, #tpu.memory_space<vmem>>, %arg3: memref<2x10240x64xf32, #tpu.memory_space<vmem>>) attributes {dimension_semantics = [], scalar_prefetch = 0 : i64, scratch_operands = 0 : i64, tpu.core_type = #tpu.core_type<tc>} {
    %get3A = arith.constant 0 : index
    %get3A_0 = arith.constant 0 : index
    %get3A_1 = vector.load %arg0[%get3A, %get3A_0] : memref<10000x128xf32, #tpu.memory_space<vmem>>, vector<10000x128xf32>
    %get3A_2 = arith.constant 0 : index
    %get3A_3 = arith.constant 0 : index
    %get3A_4 = vector.load %arg1[%get3A_2, %get3A_3] : memref<128x128xf32, #tpu.memory_space<vmem>>, vector<128x128xf32>
    %dot_general3A = arith.constant dense<0.000000e+00> : vector<10000x128xf32>
    %dot_general3A_5 = tpu.matmul %get3A_1, %get3A_4, %dot_general3A {dimension_numbers = #tpu.dot_dimension_numbers<[1], [1], [0], [0], [0, 0, 1, 0], [], []>, transpose_lhs_hint = false} : vector<10000x128xf32>, vector<128x128xf32>, vector<10000x128xf32> -> vector<10000x128xf32>
    %get3A_6 = arith.constant 0 : index
    %get3A_7 = vector.load %arg2[%get3A_6] : memref<128xf32, #tpu.memory_space<vmem>>, vector<128xf32>
    %broadcast_in_dim3A = vector.shape_cast %get3A_7 : vector<128xf32> to vector<1x128xf32>
    %add3A = vector.broadcast %broadcast_in_dim3A : vector<1x128xf32> to vector<10000x128xf32>
    %add3A_8 = arith.addf %dot_general3A_5, %add3A : vector<10000x128xf32>
    %max3A = arith.constant 0.000000e+00 : f32
    %max3A_9 = vector.broadcast %max3A : f32 to vector<10000x128xf32>
    %max3A_10 = arith.maximumf %add3A_8, %max3A_9 : vector<10000x128xf32>
    %slice3A = vector.extract_strided_slice %max3A_10 {offsets = [0, 0], sizes = [10000, 64], strides = [1, 1]} : vector<10000x128xf32> to vector<10000x64xf32>
    %swap3A = arith.constant 0 : index
    %swap3A_11 = arith.constant 0 : index
    %swap3A_12 = arith.constant 0 : index
    %swap3A_13 = vector.load %arg3[%swap3A, %swap3A_11, %swap3A_12] : memref<2x10240x64xf32, #tpu.memory_space<vmem>>, vector<1x10000x64xf32>
    %swap3A_14 = vector.shape_cast %swap3A_13 : vector<1x10000x64xf32> to vector<10000x64xf32>
    %swap3A_15 = vector.shape_cast %slice3A : vector<10000x64xf32> to vector<1x10000x64xf32>
    tpu.vector_store %arg3[%swap3A, %swap3A_11, %swap3A_12], %swap3A_15 {strides = array<i32>} : memref<2x10240x64xf32, #tpu.memory_space<vmem>>, vector<1x10000x64xf32>,
    %slice3A_16 = vector.extract_strided_slice %max3A_10 {offsets = [0, 64], sizes = [10000, 64], strides = [1, 1]} : vector<10000x128xf32> to vector<10000x64xf32>
    %swap3A_17 = arith.constant 1 : index
    %swap3A_18 = arith.constant 0 : index
    %swap3A_19 = arith.constant 0 : index
    %swap3A_20 = vector.load %arg3[%swap3A_17, %swap3A_18, %swap3A_19] : memref<2x10240x64xf32, #tpu.memory_space<vmem>>, vector<1x10000x64xf32>
    %swap3A_21 = vector.shape_cast %swap3A_20 : vector<1x10000x64xf32> to vector<10000x64xf32>
    %swap3A_22 = vector.shape_cast %slice3A_16 : vector<10000x64xf32> to vector<1x10000x64xf32>
    tpu.vector_store %arg3[%swap3A_17, %swap3A_18, %swap3A_19], %swap3A_22 {strides = array<i32>} : memref<2x10240x64xf32, #tpu.memory_space<vmem>>, vector<1x10000x64xf32>,
    %broadcast_in_dim3A_23 = arith.constant 0.000000e+00 : f32
    %broadcast_in_dim3A_24 = vector.broadcast %broadcast_in_dim3A_23 : f32 to vector<240x64xf32>
    %swap3A_25 = arith.constant 0 : index
    %swap3A_26 = arith.constant 10000 : index
    %swap3A_27 = arith.constant 0 : index
    %swap3A_28 = vector.load %arg3[%swap3A_25, %swap3A_26, %swap3A_27] : memref<2x10240x64xf32, #tpu.memory_space<vmem>>, vector<1x240x64xf32>
    %swap3A_29 = vector.shape_cast %swap3A_28 : vector<1x240x64xf32> to vector<240x64xf32>
    %swap3A_30 = vector.shape_cast %broadcast_in_dim3A_24 : vector<240x64xf32> to vector<1x240x64xf32>
    tpu.vector_store %arg3[%swap3A_25, %swap3A_26, %swap3A_27], %swap3A_30 {strides = array<i32>} : memref<2x10240x64xf32, #tpu.memory_space<vmem>>, vector<1x240x64xf32>,
    %swap3A_31 = arith.constant 1 : index
    %swap3A_32 = arith.constant 10000 : index
    %swap3A_33 = arith.constant 0 : index
    %swap3A_34 = vector.load %arg3[%swap3A_31, %swap3A_32, %swap3A_33] : memref<2x10240x64xf32, #tpu.memory_space<vmem>>, vector<1x240x64xf32>
    %swap3A_35 = vector.shape_cast %swap3A_34 : vector<1x240x64xf32> to vector<240x64xf32>
    %swap3A_36 = vector.shape_cast %broadcast_in_dim3A_24 : vector<240x64xf32> to vector<1x240x64xf32>
    tpu.vector_store %arg3[%swap3A_31, %swap3A_32, %swap3A_33], %swap3A_36 {strides = array<i32>} : memref<2x10240x64xf32, #tpu.memory_space<vmem>>, vector<1x240x64xf32>,
    return
  }
}

module attributes {stable_mosaic.version = 14 : i64} {
  func.func @body(%arg0: memref<2x10240x64xf32, #tpu.memory_space<vmem>>, %arg1: memref<10240xf32, #tpu.memory_space<vmem>>, %arg2: memref<128xf32, #tpu.memory_space<vmem>>, %arg3: memref<128xf32, #tpu.memory_space<vmem>>, %arg4: memref<10000x128xf32, #tpu.memory_space<vmem>>) attributes {dimension_semantics = [], scalar_prefetch = 0 : i64, scratch_operands = 0 : i64, tpu.core_type = #tpu.core_type<tc>} {
    %get3A = arith.constant 0 : index
    %get3A_0 = vector.load %arg1[%get3A] : memref<10240xf32, #tpu.memory_space<vmem>>, vector<10000xf32>
    %broadcast_in_dim3A = vector.shape_cast %get3A_0 : vector<10000xf32> to vector<10000x1xf32>
    %get3A_1 = arith.constant 0 : index
    %get3A_2 = arith.constant 0 : index
    %get3A_3 = arith.constant 0 : index
    %get3A_4 = vector.load %arg0[%get3A_1, %get3A_2, %get3A_3] : memref<2x10240x64xf32, #tpu.memory_space<vmem>>, vector<1x10000x64xf32>
    %get3A_5 = vector.shape_cast %get3A_4 : vector<1x10000x64xf32> to vector<10000x64xf32>
    %mul3A = vector.broadcast %broadcast_in_dim3A : vector<10000x1xf32> to vector<10000x64xf32>
    %mul3A_6 = arith.mulf %get3A_5, %mul3A : vector<10000x64xf32>
    %reduce_sum3A = arith.constant dense<0.000000e+00> : vector<64xf32>
    %reduce_sum3A_7 = vector.multi_reduction <add>, %mul3A_6, %reduce_sum3A [0] : vector<10000x64xf32> to vector<64xf32>
    %div3A = arith.constant 1.000000e+04 : f32
    %div3A_8 = vector.broadcast %div3A : f32 to vector<64xf32>
    %div3A_9 = arith.divf %reduce_sum3A_7, %div3A_8 : vector<64xf32>
    %broadcast_in_dim3A_10 = vector.shape_cast %div3A_9 : vector<64xf32> to vector<1x64xf32>
    %sub3A = vector.broadcast %broadcast_in_dim3A_10 : vector<1x64xf32> to vector<10000x64xf32>
    %sub3A_11 = arith.subf %mul3A_6, %sub3A : vector<10000x64xf32>
    %integer_pow3A = arith.mulf %sub3A_11, %sub3A_11 : vector<10000x64xf32>
    %reduce_sum3A_12 = arith.constant dense<0.000000e+00> : vector<64xf32>
    %reduce_sum3A_13 = vector.multi_reduction <add>, %integer_pow3A, %reduce_sum3A_12 [0] : vector<10000x64xf32> to vector<64xf32>
    %div3A_14 = arith.constant 1.000000e+04 : f32
    %div3A_15 = vector.broadcast %div3A_14 : f32 to vector<64xf32>
    %div3A_16 = arith.divf %reduce_sum3A_13, %div3A_15 : vector<64xf32>
    %add3A = arith.constant 9.99999974E-6 : f32
    %add3A_17 = vector.broadcast %add3A : f32 to vector<64xf32>
    %add3A_18 = arith.addf %div3A_16, %add3A_17 : vector<64xf32>
    %rsqrt3A = math.rsqrt %add3A_18 : vector<64xf32>
    %get3A_19 = arith.constant 0 : index
    %get3A_20 = vector.load %arg2[%get3A_19] : memref<128xf32, #tpu.memory_space<vmem>>, vector<64xf32>
    %mul3A_21 = arith.mulf %rsqrt3A, %get3A_20 : vector<64xf32>
    %broadcast_in_dim3A_22 = vector.shape_cast %div3A_9 : vector<64xf32> to vector<1x64xf32>
    %sub3A_23 = vector.broadcast %broadcast_in_dim3A_22 : vector<1x64xf32> to vector<10000x64xf32>
    %sub3A_24 = arith.subf %mul3A_6, %sub3A_23 : vector<10000x64xf32>
    %broadcast_in_dim3A_25 = vector.shape_cast %mul3A_21 : vector<64xf32> to vector<1x64xf32>
    %mul3A_26 = vector.broadcast %broadcast_in_dim3A_25 : vector<1x64xf32> to vector<10000x64xf32>
    %mul3A_27 = arith.mulf %sub3A_24, %mul3A_26 : vector<10000x64xf32>
    %get3A_28 = arith.constant 0 : index
    %get3A_29 = vector.load %arg3[%get3A_28] : memref<128xf32, #tpu.memory_space<vmem>>, vector<64xf32>
    %broadcast_in_dim3A_30 = vector.shape_cast %get3A_29 : vector<64xf32> to vector<1x64xf32>
    %add3A_31 = vector.broadcast %broadcast_in_dim3A_30 : vector<1x64xf32> to vector<10000x64xf32>
    %add3A_32 = arith.addf %mul3A_27, %add3A_31 : vector<10000x64xf32>
    %swap3A = arith.constant 0 : index
    %swap3A_33 = arith.constant 0 : index
    %swap3A_34 = vector.load %arg4[%swap3A, %swap3A_33] : memref<10000x128xf32, #tpu.memory_space<vmem>>, vector<10000x64xf32>
    tpu.vector_store %arg4[%swap3A, %swap3A_33], %add3A_32 {strides = array<i32>} : memref<10000x128xf32, #tpu.memory_space<vmem>>, vector<10000x64xf32>,
    %get3A_35 = arith.constant 1 : index
    %get3A_36 = arith.constant 0 : index
    %get3A_37 = arith.constant 0 : index
    %get3A_38 = vector.load %arg0[%get3A_35, %get3A_36, %get3A_37] : memref<2x10240x64xf32, #tpu.memory_space<vmem>>, vector<1x10000x64xf32>
    %get3A_39 = vector.shape_cast %get3A_38 : vector<1x10000x64xf32> to vector<10000x64xf32>
    %mul3A_40 = vector.broadcast %broadcast_in_dim3A : vector<10000x1xf32> to vector<10000x64xf32>
    %mul3A_41 = arith.mulf %get3A_39, %mul3A_40 : vector<10000x64xf32>
    %reduce_sum3A_42 = arith.constant dense<0.000000e+00> : vector<64xf32>
    %reduce_sum3A_43 = vector.multi_reduction <add>, %mul3A_41, %reduce_sum3A_42 [0] : vector<10000x64xf32> to vector<64xf32>
    %div3A_44 = arith.constant 1.000000e+04 : f32
    %div3A_45 = vector.broadcast %div3A_44 : f32 to vector<64xf32>
    %div3A_46 = arith.divf %reduce_sum3A_43, %div3A_45 : vector<64xf32>
    %broadcast_in_dim3A_47 = vector.shape_cast %div3A_46 : vector<64xf32> to vector<1x64xf32>
    %sub3A_48 = vector.broadcast %broadcast_in_dim3A_47 : vector<1x64xf32> to vector<10000x64xf32>
    %sub3A_49 = arith.subf %mul3A_41, %sub3A_48 : vector<10000x64xf32>
    %integer_pow3A_50 = arith.mulf %sub3A_49, %sub3A_49 : vector<10000x64xf32>
    %reduce_sum3A_51 = arith.constant dense<0.000000e+00> : vector<64xf32>
    %reduce_sum3A_52 = vector.multi_reduction <add>, %integer_pow3A_50, %reduce_sum3A_51 [0] : vector<10000x64xf32> to vector<64xf32>
    %div3A_53 = arith.constant 1.000000e+04 : f32
    %div3A_54 = vector.broadcast %div3A_53 : f32 to vector<64xf32>
    %div3A_55 = arith.divf %reduce_sum3A_52, %div3A_54 : vector<64xf32>
    %add3A_56 = arith.constant 9.99999974E-6 : f32
    %add3A_57 = vector.broadcast %add3A_56 : f32 to vector<64xf32>
    %add3A_58 = arith.addf %div3A_55, %add3A_57 : vector<64xf32>
    %rsqrt3A_59 = math.rsqrt %add3A_58 : vector<64xf32>
    %get3A_60 = arith.constant 64 : index
    %get3A_61 = vector.load %arg2[%get3A_60] : memref<128xf32, #tpu.memory_space<vmem>>, vector<64xf32>
    %mul3A_62 = arith.mulf %rsqrt3A_59, %get3A_61 : vector<64xf32>
    %broadcast_in_dim3A_63 = vector.shape_cast %div3A_46 : vector<64xf32> to vector<1x64xf32>
    %sub3A_64 = vector.broadcast %broadcast_in_dim3A_63 : vector<1x64xf32> to vector<10000x64xf32>
    %sub3A_65 = arith.subf %mul3A_41, %sub3A_64 : vector<10000x64xf32>
    %broadcast_in_dim3A_66 = vector.shape_cast %mul3A_62 : vector<64xf32> to vector<1x64xf32>
    %mul3A_67 = vector.broadcast %broadcast_in_dim3A_66 : vector<1x64xf32> to vector<10000x64xf32>
    %mul3A_68 = arith.mulf %sub3A_65, %mul3A_67 : vector<10000x64xf32>
    %get3A_69 = arith.constant 64 : index
    %get3A_70 = vector.load %arg3[%get3A_69] : memref<128xf32, #tpu.memory_space<vmem>>, vector<64xf32>
    %broadcast_in_dim3A_71 = vector.shape_cast %get3A_70 : vector<64xf32> to vector<1x64xf32>
    %add3A_72 = vector.broadcast %broadcast_in_dim3A_71 : vector<1x64xf32> to vector<10000x64xf32>
    %add3A_73 = arith.addf %mul3A_68, %add3A_72 : vector<10000x64xf32>
    %swap3A_74 = arith.constant 0 : index
    %swap3A_75 = arith.constant 64 : index
    %swap3A_76 = vector.load %arg4[%swap3A_74, %swap3A_75] : memref<10000x128xf32, #tpu.memory_space<vmem>>, vector<10000x64xf32>
    tpu.vector_store %arg4[%swap3A_74, %swap3A_75], %add3A_73 {strides = array<i32>} : memref<10000x128xf32, #tpu.memory_space<vmem>>, vector<10000x64xf32>,
    return
  }
}

</mosaic_0001>

<sc_bundles>
// kernel: kernel.5.cloned.1.call-start
scs
__scs_entry_jumppad:
0x0: {  	(pc) =	sbr.rel $0x88, $3  }
0x1: {  	(tag) =	ssettag $0x0;
	lr =	simm.s32 $0x1  }
0x2: {  	[smem:$0x3F9B] =	sst lr;
	_ =	strace $0xD0000000  }
0x3: {  	_ = 	snop  }
0x4: {  	_ = 	snop  }
0x5: {  	_ = 	snop  }
0x6: {  	_ = 	snop  }
0x7: {  	_ = 	snop  }
__scs_overlays_trampoline_lowered:
0x8: {  	[smem:$0x3FAA] =	sst s0  }
0x9: {  	[smem:$0x3FAB] =	sst s1  }
0xa: {  	[smem:$0x3FAC] =	sst s2  }
0xb: {  	[smem:$0x3FAD] =	sst s3  }
0xc: {  	[smem:$0x3FAE] =	sst s4  }
0xd: {  	[smem:$0x3FAF] =	sst s5  }
0xe: {  	[smem:$0x3FB0] =	sst s6  }
0xf: {  	[smem:$0x3FB1] =	sst s7  }
0x10: {  	[smem:$0x3FB2] =	sst s8  }
0x11: {  	[smem:$0x3FB3] =	sst s9;
	s0 =	simm.s32 @!p0 $0x0  }
0x12: {  	s1 =	sld [smem:$0x3F99];
	s0 =	simm.s32 @p0 $0x1  }
0x13: {  	[smem:$0x3FB4] =	sst s0;
	s0 =	simm.s32 @!p1 $0x0  }
0x14: {  	s2 =	sld [smem:$0x3F98];
	s0 =	simm.s32 @p1 $0x1  }
0x15: {  	[smem:$0x3FB5] =	sst s0;
	s0 =	simm.s32 @!p2 $0x0  }
0x16: {  	s3 =	sld [smem:$0x3FDB];
	s0 =	simm.s32 @p2 $0x1  }
0x17: {  	s4 =	simm.s32 $0x1BF5;
	[smem:$0x3FB7] =	sst s0  }
0x18: {  	s0 =	sld [smem:$0x3F9A];
	_ =	swait.ge [sflag:s4], $0x0  }
0x19: {  	s7 =	sld [smem:$0x3F9B]  }
0x1a: {  	s8 =	sadd.s32 $0xFFFFE003, lr  }
0x1b: {  	s9 =	sadd.s32 $0xFFFFFEF7, lr;
	s5 =	simm.s32 $0xFFFFFFFF;
	p2 =	slt.u32 s8, $0xFFFFF086  }
0x1c: {  	p1 =	slt.u32 s9, $0xF7A;
	s5 =	simm.s32 @!p2 $0x0  }
0x1d: {  	s5 =	simm.s32 @p1 $0x1;
	p0 =	seq.s32 s7, s2  }
0x1e: {  	s7 =	smul.u32 @!p0 $0xF7A, s2;
	p2 =	seq.s32 @!p0 s5, $0x0  }
0x1f: {  	s9 =	smul.u32 $0xF7A, s1;
	s8 =	simm.s32 @!p0 $0x1BF5;
	p2 =	por !p2, p0  }
0x20: {  	[sflag:s8] =	ssyncset.s32 @!p0 $0xFFFFF086;
	s6 =	sadd.s32 @!p0 s3, s7;
	s7 =	simm.s32 @!p0 $0x108  }
0x21: {  	s3 =	sadd.s32 s3, s9;
	s6 =	sadd.s32 @!p0 $0x88, s6;
	s7 =	simm.s32 @p2 $0x1082  }
0x22: {  	[simem:s7], [sflag:s8] =	dma.local @!p0 [hbm:s6], $0xF7A  }
0x23: {  	s9 =	sor.u32 $0xD0000000, s2;
	s6 =	simm.s32 $0x108;
	_ =	swait.ge @!p0 [sflag:s8], $0x0  }
0x24: {  	s3 =	sadd.s32 $0x88, s3;
	s6 =	simm.s32 @!p1 $0x1082;
	[sflag:s4] =	ssyncset.s32 $0xFFFFF086  }
0x25: {  	[simem:s6], [sflag:s4] =	dma.local [hbm:s3], $0xF7A  }
0x26: {  	[smem:$0x3F9B] =	sst s1;
	(tag) =	ssettag s2;
	_ =	strace s9  }
0x27: {  	s1 =	sld [smem:$0x3FAB]  }
0x28: {  	s2 =	sld [smem:$0x3FAC]  }
0x29: {  	s4 =	sld [smem:$0x3FAE]  }
0x2a: {  	p0 =	seq.s32 s5, $0x0;
	s5 =	sld [smem:$0x3FAF]  }
0x2b: {  	s6 =	sld [smem:$0x3FB0]  }
0x2c: {  	s7 =	sld [smem:$0x3FB1]  }
0x2d: {  	s3 =	simm.s32 $0x108;
	s8 =	sld [smem:$0x3FB2]  }
0x2e: {  	s3 =	simm.s32 @!p0 $0x1082;
	s9 =	sld [smem:$0x3FB3]  }
0x2f: {  	lr =	sadd.s32 s0, s3;
	s0 =	sld [smem:$0x3FAA]  }
0x30: {  	s3 =	sld [smem:$0x3FAD]  }
0x31: {  	[smem:$0x3FB6] =	sst s10  }
0x32: {  	s10 =	sld [smem:$0x3FB4];
	_ =	sdelay $0x3  }
0x33: {  	p0 =	seq.s32 s10, $0x1;
	s10 =	sld [smem:$0x3FB6];
	_ =	sdelay $0x3  }
0x34: {  	[smem:$0x3FB6] =	sst s10  }
0x35: {  	s10 =	sld [smem:$0x3FB5];
	_ =	sdelay $0x3  }
0x36: {  	p1 =	seq.s32 s10, $0x1;
	s10 =	sld [smem:$0x3FB6];
	_ =	sdelay $0x3  }
0x37: {  	[smem:$0x3FB6] =	sst s10  }
0x38: {  	s10 =	sld [smem:$0x3FB7]  }
0x39: {  	_ = 	snop;
	(pc) =	sbr.ind lr, $3  }
0x3a: {  	_ = 	snop  }
0x3b: {  	_ = 	snop  }
0x3c: {  	p2 =	seq.s32 s10, $0x1;
	s10 =	sld [smem:$0x3FB6]  }
0x3d: {  	_ =	shalt  }
0x3e: {  	_ =	shalt  }
0x3f: {  	_ =	shalt  }
0x40: {  	_ =	shalt  }
0x41: {  	_ =	shalt  }
0x42: {  	_ =	shalt  }
0x43: {  	_ =	shalt  }
0x44: {  	_ =	shalt  }
0x45: {  	_ =	shalt  }
0x46: {  	_ =	shalt  }
0x47: {  	_ =	shalt  }
0x48: {  	_ =	shalt  }
0x49: {  	_ =	shalt  }
0x4a: {  	_ =	shalt  }
0x4b: {  	_ =	shalt  }
0x4c: {  	_ =	shalt  }
0x4d: {  	_ =	shalt  }
0x4e: {  	_ =	shalt  }
0x4f: {  	_ =	shalt  }
0x50: {  	_ =	shalt  }
0x51: {  	_ =	shalt  }
0x52: {  	_ =	shalt  }
0x53: {  	_ =	shalt  }
0x54: {  	_ =	shalt  }
0x55: {  	_ =	shalt  }
0x56: {  	_ =	shalt  }
0x57: {  	_ =	shalt  }
0x58: {  	_ =	shalt  }
0x59: {  	_ =	shalt  }
0x5a: {  	_ =	shalt  }
0x5b: {  	_ =	shalt  }
0x5c: {  	_ =	shalt  }
0x5d: {  	_ =	shalt  }
0x5e: {  	_ =	shalt  }
0x5f: {  	_ =	shalt  }
0x60: {  	_ =	shalt  }
0x61: {  	_ =	shalt  }
0x62: {  	_ =	shalt  }
0x63: {  	_ =	shalt  }
0x64: {  	_ =	shalt  }
0x65: {  	_ =	shalt  }
0x66: {  	_ =	shalt  }
0x67: {  	_ =	shalt  }
0x68: {  	_ =	shalt  }
0x69: {  	_ =	shalt  }
0x6a: {  	_ =	shalt  }
0x6b: {  	_ =	shalt  }
0x6c: {  	_ =	shalt  }
0x6d: {  	_ =	shalt  }
0x6e: {  	_ =	shalt  }
0x6f: {  	_ =	shalt  }
0x70: {  	_ =	shalt  }
0x71: {  	_ =	shalt  }
0x72: {  	_ =	shalt  }
0x73: {  	_ =	shalt  }
0x74: {  	_ =	shalt  }
0x75: {  	_ =	shalt  }
0x76: {  	_ =	shalt  }
0x77: {  	_ =	shalt  }
0x78: {  	_ =	shalt  }
0x79: {  	_ =	shalt  }
0x7a: {  	_ =	shalt  }
0x7b: {  	_ =	shalt  }
0x7c: {  	_ =	shalt  }
0x7d: {  	_ =	shalt  }
0x7e: {  	_ =	shalt  }
0x7f: {  	_ =	shalt  }
0x80: {  	_ =	shalt  }
0x81: {  	_ =	shalt  }
0x82: {  	_ =	shalt  }
0x83: {  	_ =	shalt  }
0x84: {  	_ =	shalt  }
0x85: {  	_ =	shalt  }
0x86: {  	_ =	shalt  }
0x87: {  	_ =	shalt  }
.Lfunc_end0:
.L_simem_size_0:
called_computation_lowered:
.L_overlay_start_0:
0x88: {  	s2 =	sld [smem:$0x3FD9]  }
0x89: {  	s3 =	sld [smem:$0x3FFE];
	_ =	sdelay $0x1  }
0x8a: {  	s1 =	srdreg.scid  }
0x8b: {  	s0 =	sand.u32 $0x1, s1  }
0x8c: {  	s17 =	sshll.u32 s0, $0xA;
	s2 =	sadd.s32 s3, s2  }
0x8d: {  	s2 =	sadd.s32 s2, s17  }
0x8e: {  	[smem:$0x3FC2] =	sst s2  }
0x8f: {  	_ = 	snop  }
0x90: {  	s2 =	sld [smem:$0x3FD0];
	(tm) =	ssettm $0x1  }
0x91: {  	s18 =	sld [smem:$0x3FFB];
	_ =	sdelay $0x3  }
0x92: {  	_ =	strace s18  }
0x93: {  	s3 =	sld [smem:$0x3FFC];
	_ =	sdelay $0x3  }
0x94: {  	_ =	strace s3  }
0x95: {  	s3 =	sld [smem:$0x3FFD];
	_ =	sdelay $0x3  }
0x96: {  	_ =	strace s3  }
0x97: {  	_ =	strace $0x8FFFFFFF  }
0x98: {  	s19 =	sld [smem:$0x3FDB];
	_ =	sdelay $0x1  }
0x99: {  	s4 =	simm.s32 $_scs_section_size  }
0x9a: {  	s5 =	simm.s32 $_size__tile_overlayer_lowered;
	s6 =	simm.s32 $_tile_overlayer_lowered  }
0x9b: {  	s22 =	simm.s32 $0x1BFF;
	s21 =	sshll.u32 s6, $0x1;
	s3 =	sadd.s32 s4, s19  }
0x9c: {  	s7 =	simm.s32 $0x0;
	s20 =	sshll.u32 s5, $0x1;
	s5 =	sadd.s32 s21, s3  }
0x9d: {  	[timem:s7], [sflag:s22] =	dma.local [hbm:s5], s20  }
0x9e: {  	_ =	swait.ge [sflag:s22], s20  }
0x9f: {  	s4 =	ssub.s32 $0x0, s20;
	[sflag:s22] =	ssyncset.done $0x0  }
0xa0: {  	[sflag:s22] =	ssyncadd.s32 s4;
	_ =	sdelay $0x1  }
0xa1: {  	s23 =	simm.s32 $0x1B8B  }
0xa2: {  	_ =	swait.ge [sflag:s23], $0x1  }
0xa3: {  	[sflag:s23] =	ssyncset.done $0x0  }
0xa4: {  	s25 =	simm.s32 $0x1B8E;
	s24 =	sld [smem:$0x3FFE];
	[sflag:s23] =	ssyncadd.s32 $0xFFFFFFFF  }
0xa5: {  	s26 =	simm.s32 $execute0_lowered;
	[smem:$0x3FD2] =	sst s25  }
0xa6: {  	s5 =	sshll.u32 s26, $0x1;
	_ =	strace $0x80000046;
	[dreg:$0x1] =	wrdreg $0xFFFFFFFF  }
0xa7: {  	s28 =	simm.s32 $_size_execute0_lowered;
	s3 =	sadd.s32 s3, s5;
	[dreg:$0x0] =	wrdreg $0x0  }
0xa8: {  	s5 =	sshll.u32 s28, $0x1;
	[dreg:$0x2] =	wrdreg s3  }
0xa9: {  	[dreg:$0x3] =	wrdreg s5  }
0xaa: {  	[dreg:$0x4] =	wrdreg $0xC0  }
0xab: {  	_ =	task [dreg:s7], $0x5FFFF  }
0xac: {  	[dreg:$0x1] =	wrdreg $0xFFFFFFFF  }
0xad: {  	[dreg:$0x0] =	wrdreg $0x60  }
0xae: {  	[dreg:$0x2] =	wrdreg s2  }
0xaf: {  	[dreg:$0x3] =	wrdreg s24  }
0xb0: {  	[dreg:$0x4] =	wrdreg $0x0  }
0xb1: {  	[dreg:$0x5] =	wrdreg $0xA0000  }
0xb2: {  	[dreg:$0x6] =	wrdreg $0xA2800  }
0xb3: {  	[dreg:$0x7] =	wrdreg $0x9  }
0xb4: {  	_ =	task.clear_ibuf [dreg:s7], $0x8FFFF;
	_ =	strace $0x90000046  }
0xb5: {  	s29 =	simm.s32 $0x9;
	_ =	strace $0x80000048  }
0xb6: {  	_ =	swait.ge [sflag:s29], $0x1  }
0xb7: {  	[sflag:s29] =	ssyncadd.s32 $0xFFFFFFFF  }
0xb8: {  	_ =	strace $0x90000048  }
0xb9: {  	_ =	sfence  }
0xba: {  	s30 =	sld [smem:$0x0];
	_ =	sdelay $0x2  }
0xbb: {  	s31 =	sshll.u32 s1, $0xD;
	s1 =	sshrl.u32 s1, $0x2  }
0xbc: {  	s3 =	sand.u32 $0x4000, s31;
	s1 =	sadd.s32 s1, s30  }
0xbd: {  	s0 =	sor.u32 s3, s0;
	s1 =	sshll.u32 s1, $0x11  }
0xbe: {  	s0 =	sor.u32 s1, s0  }
0xbf: {  	s0 =	sadd.s32 $0x8F2B, s0  }
0xc0: {  	[sflag:s0] =	ssyncadd.remote.s32 $0x1  }
0xc1: {  	_ =	sfence.sel $0xFFFF  }
0xc2: {  	[dreg:$0x0] =	wrdreg $0xFFFFFFFF;
	(pc) =	sbr.abs _section_cstart, $3  }
0xc3: {  	[dreg:$0x1] =	wrdreg $0xFFFFFFFF  }
0xc4: {  	_ =	task.clear_ibuf [dreg:s7], $0x2FFFF;
	_ =	strace $0x9FFFFFFF  }
0xc5: {  	(tm) =	ssettm $0x7FFFFFFF  }
tec
execute0_lowered:
.L_overlay_start_1:
0x0: {  	(tag) =	ssettag $0x1  }
0x1: {  	s0 =	rddreg [dreg:$0x0]  }
0x2: {  	s2 =	rddreg [dreg:$0x1]  }
0x3: {  	s1 =	rddreg [dreg:$0x2]  }
0x4: {  	s3 =	rddreg [dreg:$0x3];
	s15 =	stileid.u32  }
0x5: {  	s5 =	srdreg.scid;
	s7 =	smul.u32 $0x9CC, s15  }
0x6: {  	s4 =	rddreg [dreg:$0x4];
	s23 =	simm.s32 $0x1E9C0;
	s6 =	smul.u32 $0x280, s15  }
0x7: {  	s24 =	simm.s32 $0x1F1C0;
	s29 =	simm.s32 $0x8;
	s18 =	smul.u32 $0x28000, s15  }
0x8: {  	s8 =	sand.u32 $0x1, s5;
	s5 =	simm.s32 $0x0;
	s20 =	smul.u32 $0xA00, s15  }
0x9: {  	s30 =	simm.s32 $0x6;
	s9 =	smul.u32 $0x14000, s8;
	[smem:$0x7FF] =	sst s5  }
0xa: {  	s11 =	ssub.s32 $0x2, s8;
	p0 =	sne.s32 s8, $0x0;
	s8 =	simm.s32 $0x9  }
0xb: {  	_ =	strace $0x80000047;
	s10 =	sadd.s32 s7, s2;
	s12 =	sshrl.u32 s6, $0x3  }
0xc: {  	s13 =	sshrl.u32 s11, $0x1;
	s0 =	sadd.s32 s0, s7;
	s17 =	sadd.s32 s6, s3  }
0xd: {  	s19 =	sadd.s32 s6, s4;
	s28 =	sshrl.u32 s20, $0x2;
	s7 =	simm.s32 $0x0  }
0xe: {  	s9 =	sadd.s32 s9, s2;
	s2 =	sadd.s32 s12, s2;
	[dreg:$0x6] =	wrdreg s0  }
0xf: {  	s14 =	ssub.s32 s11, s13;
	s16 =	sadd.s32 $0x1400, s10;
	[dreg:$0x8] =	wrdreg s17  }
0x10: {  	[dreg:$0x9] =	wrdreg s19;
	s12 =	smul.u32 $0xA000, s15;
	s0 =	sshrl.u32 s18, $0x2  }
0x11: {  	s18 =	sadd.s32 s28, s3;
	s19 =	sadd.s32 s28, s4;
	s10 =	simm.s32 $0xF360  }
0x12: {  	s17 =	simm.s32 $0x7;
	[dreg:$0x7] =	wrdreg s16;
	s11 =	sadd.s32 $0xB200, s9  }
.Ltmp0:
0x13: {  	s13 =	sadd.s32 $0x33200, s9;
	s25 =	sadd.s32 $0x5B200, s2;
	(pc) =	sbr.rel .LBB2_1-.Ltmp0, $4  }
0x14: {  	s15 =	sadd.s32 s0, s1;
	s26 =	smax.u32 s14, $0x1;
	[dreg:$0xb] =	wrdreg s25  }
0x15: {  	s21 =	sadd.s32 s12, s1;
	s22 =	sshrl.u32 s12, $0x3;
	[dreg:$0xc] =	wrdreg s26  }
0x16: {  	s26 =	simm.s32 $0x1C9C0;
	[dreg:$0xa] =	wrdreg s21;
	s31 =	sadd.s32 s22, s11  }
0x17: {  	v0 =	vimm.f32 $0.0e+00;
	v1 =	vimm.f32 $1.000000000e+00;
	s21 =	simm.s32 $0xC;
	s22 =	simm.s32 $0x60;
	[dreg:$0xd] =	wrdreg s31  }
.LBB2_37:
0x18: {  	s0 =	simm.s32 @!p0 $0x0;
	s2 =	simm.s32 @!p0 $0x1F9E0;
	s7 =	rddreg [dreg:$0xb]  }
0x19: {  	[hbm4b:s7+s0] =	stream.linear.scatter @!p0 [tilespmem:s2], [sflag:$0xC], $0x280, $0x38;
	[tilespmem:$0x1FC70] =	vst v63  }
0x1a: {  	s0 =	simm.s32 @!p0 $0xC  }
0x1b: {  	_ =	swait.ge @!p0 [sflag:s0], $0x280  }
0x1c: {  	s28 =	rddreg [dreg:$0xe]  }
0x1d: {  	s31 =	rddreg [dreg:$0xc];
	s7 =	sadd.s32 $0x1, s28  }
0x1e: {  	p1 =	sne.s32 s7, s31  }
.Ltmp1:
0x1f: {  	_ = 	snop;
	(pc) =	sbr.rel @!p1 .LBB2_38-.Ltmp1, $3  }
0x20: {  	_ =	sdelay $0x1  }
0x21: {  	[sflag:s0] =	ssyncset.done @!p0 $0x0  }
0x22: {  	s10 =	simm.s32 $0xF360;
	[sflag:s0] =	ssyncadd.s32 @!p0 $0xFFFFFD80  }
.LBB2_1:
0x23: {  	[dreg:$0xe] =	wrdreg s7  }
0x24: {  	s0 =	rddreg [dreg:$0x6];
	s2 =	simm.s32 $0xA500  }
0x25: {  	[tilespmem:s2], [sflag:$0xC] =	stream.linear.gather [hbm4b:s0+s5], $0x4E60, $0x38;
	[tilespmem:$0x1FC70] =	vst v63  }
0x26: {  	_ =	swait.ge [sflag:s21], $0x4E60  }
0x27: {  	[sflag:s21] =	ssyncset.done $0x0  }
0x28: {  	s31 =	rddreg [dreg:$0x7];
	[sflag:s21] =	ssyncadd.s32 $0xFFFFB1A0  }
0x29: {  	[tilespmem:s10], [sflag:$0xC] =	stream.linear.gather [hbm4b:s31+s5], $0x4E60, $0x38;
	[tilespmem:$0x1FC70] =	vst v63  }
0x2a: {  	_ =	swait.ge [sflag:s21], $0x4E60  }
0x2b: {  	[sflag:s21] =	ssyncset.done $0x0  }
0x2c: {  	s2 =	simm.s32 $0x100;
	s0 =	simm.s32 $0x0;
	[sflag:s21] =	ssyncadd.s32 $0xFFFFB1A0  }
.LBB2_2:
0x2d: {  	p1 =	sne.s32 s2, $0x1F00;
	[tilespmem:s0+$0x1E9F0] =	vst v0;
	s7 =	smov.u32 s2;
	s2 =	sadd.s32 $0x100, s2  }
.Ltmp2:
0x2e: {  	[tilespmem:s0+$0x1E9E0] =	vst v0;
	(pc) =	sbr.rel @p1 .LBB2_2-.Ltmp2, $3  }
0x2f: {  	[tilespmem:s0+$0x1E9C0] =	vst v0  }
0x30: {  	[tilespmem:s0+$0x1E9D0] =	vst v0;
	_ =	sdelay $0x1  }
0x31: {  	s0 =	sshra.s32 s7, $0x2  }
0x32: {  	[tilespmem:s0+$0x1E9F0] =	vst v0  }
0x33: {  	[tilespmem:s0+$0x1E9E0] =	vst v0  }
0x34: {  	[tilespmem:s0+$0x1E9C0] =	vst v0  }
0x35: {  	[tilespmem:s0+$0x1E9D0] =	vst v0  }
0x36: {  	[tilespmem:$0x1F1E0] =	vst v1  }
0x37: {  	[tilespmem:$0x1F1F0] =	vst v1  }
0x38: {  	[tilespmem:$0x1F200] =	vst v1  }
0x39: {  	[tilespmem:$0x1F210] =	vst v1  }
0x3a: {  	[tilespmem:$0x1F220] =	vst v1  }
0x3b: {  	[tilespmem:$0x1F230] =	vst v1  }
0x3c: {  	[tilespmem:$0x1F1C0] =	vst v0  }
0x3d: {  	[tilespmem:$0x1F1D0] =	vst v0  }
0x3e: {  	[spmem:s15] =	stream.linear.scatter [tilespmem:s23], [sflag:$0xC], $0x800, $0x38;
	[tilespmem:$0x1FC70] =	vst v63  }
0x3f: {  	_ =	swait.ge [sflag:s21], $0x800  }
0x40: {  	[sflag:s21] =	ssyncset.done $0x0  }
0x41: {  	s28 =	sadd.s32 $0x0, s18;
	[sflag:s21] =	ssyncadd.s32 $0xFFFFF800  }
0x42: {  	[spmem:s28] =	stream.linear.scatter [tilespmem:s24], [sflag:$0xC], $0x20, $0x38;
	[tilespmem:$0x1FC70] =	vst v63  }
0x43: {  	_ =	swait.ge [sflag:s21], $0x20  }
0x44: {  	[sflag:s21] =	ssyncset.done $0x0  }
0x45: {  	s31 =	sadd.s32 $0x0, s19;
	[sflag:s21] =	ssyncadd.s32 $0xFFFFFFE0  }
0x46: {  	[spmem:s31] =	stream.linear.scatter [tilespmem:s24], [sflag:$0xC], $0x20, $0x38;
	[tilespmem:$0x1FC70] =	vst v63  }
0x47: {  	_ =	swait.ge [sflag:s21], $0x20  }
0x48: {  	s0 =	simm.s32 $0x80;
	s2 =	smov.u32 s15;
	[sflag:s21] =	ssyncset.done $0x0  }
.LBB2_4:
0x49: {  	p1 =	sne.s32 s0, $0x980;
	[sflag:s21] =	ssyncadd.s32 $0xFFFFFFE0;
	s2 =	sadd.s32 $0x800, s2  }
0x4a: {  	[spmem:s2] =	stream.linear.scatter [tilespmem:s23], [sflag:$0xC], $0x800, $0x38;
	[tilespmem:$0x1FC70] =	vst v63  }
0x4b: {  	s7 =	smov.u32 s0;
	s0 =	sadd.s32 $0x80, s0;
	_ =	swait.ge [sflag:s21], $0x800  }
0x4c: {  	s7 =	sshra.s32 s7, $0x2;
	[sflag:s21] =	ssyncset.done $0x0  }
0x4d: {  	s9 =	sadd.s32 s7, s18;
	[sflag:s21] =	ssyncadd.s32 $0xFFFFF800  }
0x4e: {  	[spmem:s9] =	stream.linear.scatter [tilespmem:s24], [sflag:$0xC], $0x20, $0x38;
	[tilespmem:$0x1FC70] =	vst v63  }
0x4f: {  	_ =	swait.ge [sflag:s21], $0x20  }
.Ltmp3:
0x50: {  	[sflag:s21] =	ssyncset.done $0x0;
	(pc) =	sbr.rel @p1 .LBB2_4-.Ltmp3, $4  }
0x51: {  	s7 =	sadd.s32 s7, s19;
	[sflag:s21] =	ssyncadd.s32 $0xFFFFFFE0  }
0x52: {  	[spmem:s7] =	stream.linear.scatter [tilespmem:s24], [sflag:$0xC], $0x20, $0x38;
	[tilespmem:$0x1FC70] =	vst v63  }
0x53: {  	_ =	swait.ge [sflag:s21], $0x20  }
0x54: {  	[sflag:s21] =	ssyncset.done $0x0  }
0x55: {  	[sflag:s21] =	ssyncadd.s32 $0xFFFFFFE0  }
0x56: {  	s0 =	simm.s32 $0xA500;
	s2 =	simm.s32 $0x1F1E0;
	[bflag:$0x0] =	sbarrier.arrive $0xFFFF  }
0x57: {  	[spmem:s3] =	stream.indirect.scatter.add.f32 [tilespmem:s2], [sflag:$0x6], $0x1, s0, s22, $0xb8;
	[tilespmem:$0x1FC70] =	vst v63  }
0x58: {  	s0 =	simm.s32 $0x1  }
0x59: {  	s31 =	sand.u32 $0x1, s0  }
0x5a: {  	[spmem:s4] =	stream.indirect.scatter.add.f32 [tilespmem:s2], [sflag:$0x8], $0x1, s10, s22, $0xb8;
	[tilespmem:$0x1FC70] =	vst v63  }
0x5b: {  	s9 =	simm.s32 $0x0;
	p1 =	seq.s32 s31, $0x0  }
0x5c: {  	s2 =	simm.s32 $0xA560;
	s10 =	simm.s32 @!p1 $0x60;
	s14 =	simm.s32 @!p1 $0x1F1E0  }
0x5d: {  	[spmem:s3] =	stream.indirect.scatter.add.f32 @!p1 [tilespmem:s14], [sflag:$0x7], $0x1, s2, s10, $0xb8;
	[tilespmem:$0x1FC70] =	vst v63  }
0x5e: {  	s7 =	simm.s32 $0xF3C0;
	s9 =	sand.u32 $0x1, s9  }
0x5f: {  	[spmem:s4] =	stream.indirect.scatter.add.f32 @!p1 [tilespmem:s14], [sflag:$0x9], $0x1, s7, s10, $0xb8;
	[tilespmem:$0x1FC70] =	vst v63  }
0x60: {  	p1 =	seq.s32 s9, $0x0  }
0x61: {  	s9 =	simm.s32 @!p1 $0x60;
	s14 =	simm.s32 @!p1 $0x1F1E0;
	s10 =	simm.s32 @!p1 $0x7  }
0x62: {  	[spmem:s3] =	stream.indirect.scatter.add.f32 @!p1 [tilespmem:s14], [sflag:$0x6], $0x1, s2, s9, $0xb8;
	[tilespmem:$0x1FC70] =	vst v63  }
0x63: {  	s10 =	simm.s32 @p1 $0x6  }
0x64: {  	[spmem:s4] =	stream.indirect.scatter.add.f32 @!p1 [tilespmem:s14], [sflag:$0x8], $0x1, s7, s9, $0xb8;
	[tilespmem:$0x1FC70] =	vst v63  }
0x65: {  	s9 =	simm.s32 @!p1 $0x9;
	_ =	swait.ge [sflag:s10], $0x60  }
0x66: {  	s9 =	simm.s32 @p1 $0x8;
	[sflag:s10] =	ssyncset.done $0x0  }
.LBB2_6:
0x67: {  	[sflag:s10] =	ssyncadd.s32 $0xFFFFFFA0;
	s10 =	smov.u32 s0;
	s0 =	sadd.s32 $0x1, s0  }
0x68: {  	s14 =	sand.u32 $0x1, s0;
	p1 =	sne.s32 s0, $0xD0;
	_ =	swait.ge [sflag:s9], $0x60  }
0x69: {  	s2 =	sadd.s32 $0x60, s2;
	p2 =	seq.s32 s14, $0x0;
	[sflag:s9] =	ssyncset.done $0x0  }
0x6a: {  	s14 =	simm.s32 @!p2 $0x60;
	s16 =	simm.s32 @!p2 $0x1F1E0;
	[sflag:s9] =	ssyncadd.s32 $0xFFFFFFA0  }
0x6b: {  	[spmem:s3] =	stream.indirect.scatter.add.f32 @!p2 [tilespmem:s16], [sflag:$0x7], $0x1, s2, s14, $0xb8;
	[tilespmem:$0x1FC70] =	vst v63  }
0x6c: {  	s7 =	sadd.s32 $0x60, s7;
	s9 =	sand.u32 $0x1, s10  }
0x6d: {  	[spmem:s4] =	stream.indirect.scatter.add.f32 @!p2 [tilespmem:s16], [sflag:$0x9], $0x1, s7, s14, $0xb8;
	[tilespmem:$0x1FC70] =	vst v63  }
0x6e: {  	p2 =	seq.s32 s9, $0x0  }
0x6f: {  	s14 =	simm.s32 @!p2 $0x60;
	s16 =	simm.s32 @!p2 $0x1F1E0;
	s10 =	simm.s32 @!p2 $0x7  }
0x70: {  	[spmem:s3] =	stream.indirect.scatter.add.f32 @!p2 [tilespmem:s16], [sflag:$0x6], $0x1, s2, s14, $0xb8;
	[tilespmem:$0x1FC70] =	vst v63  }
.Ltmp4:
0x71: {  	_ = 	snop;
	(pc) =	sbr.rel @p1 .LBB2_6-.Ltmp4, $4  }
0x72: {  	s9 =	simm.s32 @!p2 $0x9;
	s10 =	simm.s32 @p2 $0x6  }
0x73: {  	[spmem:s4] =	stream.indirect.scatter.add.f32 @!p2 [tilespmem:s16], [sflag:$0x8], $0x1, s7, s14, $0xb8;
	[tilespmem:$0x1FC70] =	vst v63  }
0x74: {  	s9 =	simm.s32 @p2 $0x8;
	_ =	swait.ge [sflag:s10], $0x60  }
0x75: {  	[sflag:s10] =	ssyncset.done $0x0  }
0x76: {  	[sflag:s10] =	ssyncadd.s32 $0xFFFFFFA0  }
0x77: {  	_ =	swait.ge [sflag:s9], $0x60  }
0x78: {  	[sflag:s9] =	ssyncset.done $0x0  }
0x79: {  	[sflag:s9] =	ssyncadd.s32 $0xFFFFFFA0  }
0x7a: {  	_ =	swait.ge [sflag:s30], $0x60  }
0x7b: {  	[sflag:s30] =	ssyncset.done $0x0  }
0x7c: {  	[sflag:s30] =	ssyncadd.s32 $0xFFFFFFA0  }
0x7d: {  	_ =	swait.ge [sflag:s29], $0x60  }
0x7e: {  	[sflag:s29] =	ssyncset.done $0x0  }
0x7f: {  	[sflag:s29] =	ssyncadd.s32 $0xFFFFFFA0  }
0x80: {  	[bflag:$0x0] =	sbarrier.arrive $0xFFFF  }
0x81: {  	s2 =	simm.s32 $0x1F240;
	s0 =	rddreg [dreg:$0x8]  }
0x82: {  	[tilespmem:s2], [sflag:$0xC] =	stream.linear.gather [spmem:s0], $0x280, $0x38;
	[tilespmem:$0x1FC70] =	vst v63  }
0x83: {  	_ =	swait.ge [sflag:s21], $0x280  }
0x84: {  	[sflag:s21] =	ssyncset.done $0x0  }
0x85: {  	s14 =	simm.s32 $0x0;
	[sflag:s21] =	ssyncadd.s32 $0xFFFFFD80  }
0x86: {  	v2 =	vld [tilespmem:s14+$0x1F240];
	_ =	sdelay $0x3  }
0x87: {  	s2 =	simm.s32 $0x10  }
0x88: {  	v13 =	vmax.f32 v2, $1.000000000e+00;
	v2 =	vld [tilespmem:s2+$0x1F240]  }
0x89: {  	v3 =	vshra.s32 v13, $0x1;
	v5 =	vmul.f32 $5.000000000e-01, v13  }
0x8a: {  	v3 =	vsub.s32 $0x5F3759DF, v3  }
0x8b: {  	v4 =	vmul.f32 v3, v5;
	_ =	sdelay $0x1  }
0x8c: {  	s20 =	simm.s32 $0x20;
	v4 =	vmul.f32 v3, v4;
	v2 =	vmax.f32 v2, $1.000000000e+00  }
0x8d: {  	v6 =	vld [tilespmem:s20+$0x1F240];
	v7 =	vshra.s32 v2, $0x1;
	v12 =	vmul.f32 $5.000000000e-01, v2  }
0x8e: {  	v4 =	vsub.f32 $1.500000000e+00, v4;
	v7 =	vsub.s32 $0x5F3759DF, v7  }
0x8f: {  	v8 =	vmul.f32 v7, v12  }
0x90: {  	v9 =	vmul.f32 v3, v4  }
0x91: {  	s16 =	simm.s32 $0x30;
	v4 =	vmul.f32 v7, v8  }
0x92: {  	v10 =	vld [tilespmem:s16+$0x1F240];
	v3 =	vmax.f32 v6, $1.000000000e+00;
	v8 =	vmul.f32 v9, v5  }
0x93: {  	v11 =	vshra.s32 v3, $0x1;
	v6 =	vmul.f32 $5.000000000e-01, v3;
	v4 =	vsub.f32 $1.500000000e+00, v4  }
0x94: {  	v11 =	vsub.s32 $0x5F3759DF, v11;
	v8 =	vmul.f32 v8, v9  }
0x95: {  	v14 =	vmul.f32 v11, v6;
	v15 =	vmul.f32 v7, v4  }
0x96: {  	s25 =	simm.s32 $0x40;
	v7 =	vsub.f32 $1.500000000e+00, v8  }
0x97: {  	v4 =	vmax.f32 v10, $1.000000000e+00;
	v8 =	vmul.f32 v11, v14;
	v14 =	vld [tilespmem:s25+$0x1F240];
	v10 =	vmul.f32 v15, v12  }
0x98: {  	v16 =	vmul.f32 v7, v9;
	v9 =	vshra.s32 v4, $0x1;
	v7 =	vmul.f32 $5.000000000e-01, v4  }
0x99: {  	v8 =	vsub.f32 $1.500000000e+00, v8;
	v17 =	vmul.f32 v10, v15;
	v18 =	vsub.s32 $0x5F3759DF, v9  }
0x9a: {  	v5 =	vmul.f32 v16, v5;
	v9 =	vmul.f32 v18, v7  }
0x9b: {  	v10 =	vmul.f32 v11, v8;
	v8 =	vsub.f32 $1.500000000e+00, v17  }
0x9c: {  	v11 =	vmul.f32 v5, v16;
	v5 =	vmax.f32 v14, $1.000000000e+00;
	v14 =	vmul.f32 v18, v9  }
0x9d: {  	s28 =	simm.s32 $0x50;
	v17 =	vmul.f32 v10, v6  }
0x9e: {  	v9 =	vmul.f32 v8, v15;
	v15 =	vsub.f32 $1.500000000e+00, v11;
	v20 =	vsub.f32 $1.500000000e+00, v14;
	v14 =	vld [tilespmem:s28+$0x1F240]  }
0x9f: {  	v19 =	vshra.s32 v5, $0x1;
	v8 =	vmul.f32 $5.000000000e-01, v5;
	v21 =	vmul.f32 v17, v10  }
0xa0: {  	v11 =	vsub.s32 $0x5F3759DF, v19;
	v19 =	vmul.f32 v9, v12;
	v22 =	vmul.f32 v15, v16  }
0xa1: {  	v17 =	vmul.f32 v11, v8;
	v12 =	vmul.f32 v18, v20  }
0xa2: {  	s0 =	simm.s32 $0x180;
	v16 =	vsub.f32 $1.500000000e+00, v21;
	v15 =	vmul.f32 v19, v9;
	[tilespmem:s14+$0x1F4C0] =	vst v22;
	v13 =	vmul.f32 v22, v13  }
.LBB2_8:
0xa3: {  	s7 =	sshra.s32 s0, $0x2;
	v18 =	vmax.f32 v14, $1.000000000e+00;
	v17 =	vmul.f32 v11, v17;
	v19 =	vmul.f32 v12, v7;
	v20 =	vmovc v3;
	v3 =	vmovc v4;
	p1 =	sne.s32 s0, $0x9C0  }
.Ltmp5:
0xa4: {  	v4 =	vmovc v5;
	v14 =	vld [tilespmem:s7+$0x1F240];
	v21 =	vshra.s32 v18, $0x1;
	v16 =	vmul.f32 v16, v10;
	v15 =	vsub.f32 $1.500000000e+00, v15;
	[tilespmem:s14+$0x1F9E0] =	vst v13;
	v5 =	vmovc v18;
	s14 =	smov.u32 s2;
	s2 =	smov.u32 s20;
	(pc) =	sbr.rel @p1 .LBB2_8-.Ltmp5, $4  }
0xa5: {  	s0 =	sadd.s32 $0x40, s0;
	v10 =	vmovc v12;
	s20 =	smov.u32 s16;
	v13 =	vmul.f32 $5.000000000e-01, v5;
	v18 =	vsub.f32 $1.500000000e+00, v17;
	v19 =	vmul.f32 v19, v12  }
0xa6: {  	s16 =	smov.u32 s25;
	s25 =	smov.u32 s28;
	s28 =	smov.u32 s7;
	v21 =	vsub.s32 $0x5F3759DF, v21;
	v22 =	vmul.f32 v16, v6;
	v23 =	vmul.f32 v15, v9;
	v9 =	vmovc v16;
	v6 =	vmovc v7  }
0xa7: {  	v7 =	vmovc v8;
	v17 =	vmul.f32 v21, v13;
	v12 =	vmul.f32 v11, v18;
	v8 =	vmovc v13;
	v11 =	vmov v21  }
0xa8: {  	v16 =	vsub.f32 $1.500000000e+00, v19;
	v15 =	vmul.f32 v22, v9;
	[tilespmem:s14+$0x1F4C0] =	vst v23;
	v13 =	vmul.f32 v23, v2;
	v2 =	vmovc v20  }
0xa9: {  	v14 =	vmax.f32 v14, $1.000000000e+00  }
0xaa: {  	v18 =	vshra.s32 v14, $0x1;
	v19 =	vmul.f32 $5.000000000e-01, v14  }
0xab: {  	v18 =	vsub.s32 $0x5F3759DF, v18  }
0xac: {  	v17 =	vmul.f32 v11, v17;
	v20 =	vmul.f32 v18, v19;
	_ =	sdelay $0x1  }
0xad: {  	v17 =	vsub.f32 $1.500000000e+00, v17;
	v20 =	vmul.f32 v18, v20  }
0xae: {  	v21 =	vmul.f32 v12, v7  }
0xaf: {  	v11 =	vmul.f32 v11, v17;
	v56 =	vsub.f32 $1.500000000e+00, v20  }
0xb0: {  	v57 =	vmul.f32 v21, v12  }
0xb1: {  	v58 =	vmul.f32 v11, v8;
	v17 =	vmul.f32 v18, v56  }
0xb2: {  	v10 =	vmul.f32 v16, v10;
	v59 =	vsub.f32 $1.500000000e+00, v57  }
0xb3: {  	v18 =	vmul.f32 v58, v11;
	v60 =	vmul.f32 v17, v19  }
0xb4: {  	v6 =	vmul.f32 v10, v6;
	v12 =	vmul.f32 v59, v12  }
0xb5: {  	v61 =	vsub.f32 $1.500000000e+00, v18;
	v62 =	vmul.f32 v60, v17  }
0xb6: {  	v15 =	vsub.f32 $1.500000000e+00, v15;
	v6 =	vmul.f32 v6, v10;
	v7 =	vmul.f32 v12, v7  }
0xb7: {  	v11 =	vmul.f32 v61, v11;
	v63 =	vsub.f32 $1.500000000e+00, v62  }
0xb8: {  	v9 =	vmul.f32 v15, v9;
	v6 =	vsub.f32 $1.500000000e+00, v6;
	v7 =	vmul.f32 v7, v12  }
0xb9: {  	v8 =	vmul.f32 v11, v8;
	v15 =	vmul.f32 v63, v17  }
0xba: {  	v2 =	vmul.f32 v9, v2;
	v6 =	vmul.f32 v6, v10  }
0xbb: {  	[tilespmem:s14+$0x1F9E0] =	vst v13;
	v7 =	vsub.f32 $1.500000000e+00, v7;
	v8 =	vmul.f32 v8, v11;
	v10 =	vmul.f32 v15, v19  }
0xbc: {  	[tilespmem:s2+$0x1F4C0] =	vst v9;
	v3 =	vmul.f32 v6, v3  }
0xbd: {  	[tilespmem:s2+$0x1F9E0] =	vst v2;
	v2 =	vmul.f32 v7, v12;
	v7 =	vsub.f32 $1.500000000e+00, v8;
	v8 =	vmul.f32 v10, v15  }
0xbe: {  	[tilespmem:s20+$0x1F4C0] =	vst v6  }
0xbf: {  	[tilespmem:s20+$0x1F9E0] =	vst v3;
	v3 =	vmul.f32 v2, v4;
	v4 =	vmul.f32 v7, v11;
	v6 =	vsub.f32 $1.500000000e+00, v8  }
0xc0: {  	[tilespmem:s16+$0x1F4C0] =	vst v2  }
0xc1: {  	[tilespmem:s16+$0x1F9E0] =	vst v3;
	v2 =	vmul.f32 v4, v5;
	v3 =	vmul.f32 v6, v15  }
0xc2: {  	[tilespmem:s25+$0x1F4C0] =	vst v4  }
0xc3: {  	[tilespmem:s25+$0x1F9E0] =	vst v2;
	v2 =	vmul.f32 v3, v14  }
0xc4: {  	[tilespmem:s28+$0x1F4C0] =	vst v3  }
0xc5: {  	s0 =	rddreg [dreg:$0x9];
	s31 =	simm.s32 $0x1F240;
	[tilespmem:s28+$0x1F9E0] =	vst v2  }
0xc6: {  	[tilespmem:s31], [sflag:$0xC] =	stream.linear.gather [spmem:s0], $0x280, $0x38;
	[tilespmem:$0x1FC70] =	vst v63  }
0xc7: {  	_ =	swait.ge [sflag:s21], $0x280  }
0xc8: {  	[sflag:s21] =	ssyncset.done $0x0  }
0xc9: {  	s14 =	simm.s32 $0x0;
	[sflag:s21] =	ssyncadd.s32 $0xFFFFFD80  }
0xca: {  	v2 =	vld [tilespmem:s14+$0x1F240];
	_ =	sdelay $0x4  }
0xcb: {  	s2 =	simm.s32 $0x10;
	v2 =	vmax.f32 v2, $1.000000000e+00  }
0xcc: {  	v3 =	vld [tilespmem:s2+$0x1F240];
	v4 =	vshra.s32 v2, $0x1;
	v8 =	vmul.f32 $5.000000000e-01, v2  }
0xcd: {  	v4 =	vsub.s32 $0x5F3759DF, v4  }
0xce: {  	v2 =	vmul.f32 v4, v8;
	_ =	sdelay $0x1  }
0xcf: {  	s16 =	simm.s32 $0x20;
	v5 =	vmul.f32 v4, v2  }
0xd0: {  	v2 =	vmax.f32 v3, $1.000000000e+00;
	v3 =	vld [tilespmem:s16+$0x1F240]  }
0xd1: {  	v6 =	vshra.s32 v2, $0x1;
	v2 =	vmul.f32 $5.000000000e-01, v2;
	v5 =	vsub.f32 $1.500000000e+00, v5  }
0xd2: {  	v6 =	vsub.s32 $0x5F3759DF, v6  }
0xd3: {  	v7 =	vmul.f32 v6, v2;
	v5 =	vmul.f32 v4, v5;
	_ =	sdelay $0x1  }
0xd4: {  	s20 =	simm.s32 $0x30;
	v3 =	vmax.f32 v3, $1.000000000e+00;
	v7 =	vmul.f32 v6, v7;
	v9 =	vmul.f32 v5, v8  }
0xd5: {  	v10 =	vld [tilespmem:s20+$0x1F240];
	v11 =	vshra.s32 v3, $0x1;
	v4 =	vmul.f32 $5.000000000e-01, v3  }
0xd6: {  	v3 =	vsub.f32 $1.500000000e+00, v7;
	v7 =	vmul.f32 v9, v5;
	v9 =	vsub.s32 $0x5F3759DF, v11  }
0xd7: {  	v11 =	vmul.f32 v9, v4  }
0xd8: {  	v6 =	vmul.f32 v6, v3;
	v3 =	vsub.f32 $1.500000000e+00, v7  }
0xd9: {  	v7 =	vmul.f32 v9, v11  }
0xda: {  	s25 =	simm.s32 $0x40;
	v10 =	vmax.f32 v10, $1.000000000e+00;
	v11 =	vmul.f32 v6, v2;
	v3 =	vmul.f32 v3, v5  }
0xdb: {  	v12 =	vshra.s32 v10, $0x1;
	v5 =	vmul.f32 $5.000000000e-01, v10;
	v10 =	vld [tilespmem:s25+$0x1F240];
	v13 =	vsub.f32 $1.500000000e+00, v7  }
0xdc: {  	v11 =	vmul.f32 v11, v6;
	v7 =	vsub.s32 $0x5F3759DF, v12;
	v14 =	vmul.f32 v3, v8  }
0xdd: {  	v12 =	vmul.f32 v7, v5  }
0xde: {  	s28 =	simm.s32 $0x159C0;
	s0 =	simm.s32 $0x140;
	v8 =	vmul.f32 v9, v13;
	v11 =	vsub.f32 $1.500000000e+00, v11;
	v9 =	vmul.f32 v14, v3  }
.LBB2_10:
0xdf: {  	s7 =	smov.u32 s20  }
0xe0: {  	v13 =	vmax.f32 v10, $1.000000000e+00;
	v12 =	vmul.f32 v7, v12;
	v14 =	vmul.f32 v8, v4;
	s20 =	smov.u32 s25;
	s25 =	sshra.s32 s0, $0x2;
	p1 =	seq.s32 s0, $0x9C0  }
.Ltmp6:
0xe1: {  	v10 =	vld [tilespmem:s25+$0x1F240];
	v15 =	vshra.s32 v13, $0x1;
	v11 =	vmul.f32 v11, v6;
	v9 =	vsub.f32 $1.500000000e+00, v9;
	v6 =	vmovc v8;
	(pc) =	sbr.rel @!p1 .LBB2_10-.Ltmp6, $4  }
0xe2: {  	s0 =	sadd.s32 $0x40, s0;
	v13 =	vmul.f32 $5.000000000e-01, v13;
	v8 =	vsub.f32 $1.500000000e+00, v12;
	v14 =	vmul.f32 v14, v6  }
0xe3: {  	v15 =	vsub.s32 $0x5F3759DF, v15;
	v16 =	vmul.f32 v11, v2;
	v17 =	vmul.f32 v9, v3;
	v3 =	vmovc v11;
	v2 =	vmovc v4  }
0xe4: {  	v12 =	vmul.f32 v15, v13;
	v4 =	vmovc v5;
	v5 =	vmovc v13;
	v8 =	vmul.f32 v7, v8;
	v7 =	vmov v15  }
0xe5: {  	v11 =	vsub.f32 $1.500000000e+00, v14;
	v9 =	vmul.f32 v16, v3;
	[tilespmem:s14+$0x1F750] =	vst v17;
	s14 =	smov.u32 s2;
	s2 =	smov.u32 s16;
	s16 =	smov.u32 s7  }
0xe6: {  	v10 =	vmax.f32 v10, $1.000000000e+00  }
0xe7: {  	v13 =	vshra.s32 v10, $0x1;
	v10 =	vmul.f32 $5.000000000e-01, v10  }
0xe8: {  	v13 =	vsub.s32 $0x5F3759DF, v13  }
0xe9: {  	v14 =	vmul.f32 v13, v10  }
0xea: {  	v12 =	vmul.f32 v7, v12  }
0xeb: {  	v14 =	vmul.f32 v13, v14  }
0xec: {  	v12 =	vsub.f32 $1.500000000e+00, v12  }
0xed: {  	v14 =	vsub.f32 $1.500000000e+00, v14  }
0xee: {  	v53 =	vmul.f32 v7, v12  }
0xef: {  	v54 =	vmul.f32 v8, v4;
	v13 =	vmul.f32 v13, v14  }
0xf0: {  	v55 =	vmul.f32 v53, v5  }
0xf1: {  	v12 =	vmul.f32 v54, v8;
	v15 =	vmul.f32 v13, v10  }
0xf2: {  	v14 =	vmul.f32 v55, v53  }
0xf3: {  	v12 =	vsub.f32 $1.500000000e+00, v12;
	v15 =	vmul.f32 v15, v13  }
0xf4: {  	v6 =	vmul.f32 v11, v6;
	v56 =	vsub.f32 $1.500000000e+00, v14  }
0xf5: {  	v57 =	vmul.f32 v12, v8;
	v58 =	vsub.f32 $1.500000000e+00, v15  }
0xf6: {  	v2 =	vmul.f32 v6, v2;
	v7 =	vmul.f32 v56, v53  }
0xf7: {  	v59 =	vmul.f32 v57, v4;
	v60 =	vmul.f32 v58, v13  }
0xf8: {  	v2 =	vmul.f32 v2, v6;
	v61 =	vmul.f32 v7, v5  }
0xf9: {  	v9 =	vsub.f32 $1.500000000e+00, v9;
	v4 =	vmul.f32 v59, v57;
	v10 =	vmul.f32 v60, v10  }
0xfa: {  	v2 =	vsub.f32 $1.500000000e+00, v2;
	v5 =	vmul.f32 v61, v7  }
0xfb: {  	v3 =	vmul.f32 v9, v3;
	v4 =	vsub.f32 $1.500000000e+00, v4;
	v62 =	vmul.f32 v10, v60  }
0xfc: {  	v2 =	vmul.f32 v2, v6;
	v5 =	vsub.f32 $1.500000000e+00, v5  }
0xfd: {  	[tilespmem:s14+$0x1F750] =	vst v3;
	v3 =	vmul.f32 v4, v57;
	v63 =	vsub.f32 $1.500000000e+00, v62  }
0xfe: {  	[tilespmem:s2+$0x1F750] =	vst v2;
	v2 =	vmul.f32 v5, v7  }
0xff: {  	[tilespmem:s16+$0x1F750] =	vst v3;
	v3 =	vmul.f32 v63, v60  }
0x100: {  	s0 =	simm.s32 $0x0;
	[tilespmem:s20+$0x1F750] =	vst v2  }
0x101: {  	s7 =	simm.s32 $0x0;
	s2 =	simm.s32 $0x1F4C0;
	[tilespmem:s25+$0x1F750] =	vst v3;
	s25 =	simm.s32 $0x141C0  }
.LBB2_12:
0x102: {  	s9 =	sshll.u32 s7, $0x5  }
0x103: {  	s9 =	sadd.s32 s6, s9  }
0x104: {  	s9 =	sshll.u32 s9, $0x3  }
0x105: {  	s10 =	sadd.s32 s9, s11  }
0x106: {  	[tilespmem:s26], [sflag:$0xC] =	stream.linear.gather [hbm4b:s10+s0], $0x800, $0x38;
	[tilespmem:$0x1FC70] =	vst v63  }
0x107: {  	_ =	swait.ge [sflag:s21], $0x800  }
0x108: {  	[sflag:s21] =	ssyncset.done $0x0  }
0x109: {  	s10 =	simm.s32 $0x0;
	[sflag:s21] =	ssyncadd.s32 $0xFFFFF800  }
0x10a: {  	v2 =	vld [tilespmem:s10+$0x1C9C0]  }
0x10b: {  	v4 =	vld [tilespmem:s10+$0x1C9D0]  }
0x10c: {  	s14 =	simm.s32 $0x100;
	s16 =	smov.u32 s2;
	v3 =	vld.msk [tilespmem:s2+$0x0 ss:$0x0], $0xffff  }
.LBB2_13:
0x10d: {  	p1 =	sne.s32 s14, $0x1F00;
	v5 =	vld [tilespmem:s10+$0x1C9E0]  }
0x10e: {  	v6 =	vld [tilespmem:s10+$0x1C9F0];
	_ =	sdelay $0x3  }
0x10f: {  	v2 =	vmul.f32 v2, v3;
	v4 =	vmul.f32 v4, v3  }
0x110: {  	v5 =	vmul.f32 v5, v3;
	v3 =	vmul.f32 v6, v3  }
.Ltmp7:
0x111: {  	[tilespmem:s10+$0x1D9C0] =	vst v2;
	(pc) =	sbr.rel @p1 .LBB2_13-.Ltmp7, $4  }
0x112: {  	s20 =	sshra.s32 s14, $0x2;
	[tilespmem:s10+$0x1D9D0] =	vst v4  }
0x113: {  	v2 =	vld [tilespmem:s20+$0x1C9C0];
	[tilespmem:s10+$0x1D9E0] =	vst v5  }
0x114: {  	s16 =	sadd.s32 $0x1, s16;
	v4 =	vld [tilespmem:s20+$0x1C9D0];
	[tilespmem:s10+$0x1D9F0] =	vst v3;
	s10 =	smov.u32 s20  }
0x115: {  	s14 =	sadd.s32 $0x100, s14;
	v3 =	vld.msk [tilespmem:s16+$0x0 ss:$0x0], $0xffff  }
0x116: {  	_ = 	snop  }
0x117: {  	v5 =	vld [tilespmem:s10+$0x1C9E0]  }
0x118: {  	v6 =	vld [tilespmem:s10+$0x1C9F0];
	_ =	sdelay $0x1  }
0x119: {  	v2 =	vmul.f32 v2, v3  }
0x11a: {  	v4 =	vmul.f32 v4, v3  }
0x11b: {  	v5 =	vmul.f32 v5, v3;
	[tilespmem:s10+$0x1D9C0] =	vst v2  }
0x11c: {  	s7 =	sadd.s32 $0x1, s7;
	v2 =	vmul.f32 v6, v3;
	[tilespmem:s10+$0x1D9D0] =	vst v4  }
0x11d: {  	p1 =	sne.s32 s7, $0x14;
	[tilespmem:s10+$0x1D9E0] =	vst v5  }
.Ltmp8:
0x11e: {  	s9 =	sadd.s32 s9, s13;
	s31 =	simm.s32 $0x1D9C0;
	[tilespmem:s10+$0x1D9F0] =	vst v2;
	(pc) =	sbr.rel @p1 .LBB2_12-.Ltmp8, $4  }
0x11f: {  	[hbm4b:s9+s5] =	stream.linear.scatter [tilespmem:s31], [sflag:$0xC], $0x800, $0x38;
	[tilespmem:$0x1FC70] =	vst v63  }
0x120: {  	_ =	swait.ge [sflag:s21], $0x800  }
0x121: {  	[sflag:s21] =	ssyncset.done $0x0  }
0x122: {  	s2 =	sadd.s32 $0x20, s2;
	[sflag:s21] =	ssyncadd.s32 $0xFFFFF800  }
.Ltmp9:
0x123: {  	(pc) =	sbr.rel .LBB2_16-.Ltmp9, $3  }
0x124: {  	_ =	sdelay $0x1  }
0x125: {  	[bflag:$0x0] =	sbarrier.arrive $0xFFFF  }
0x126: {  	s2 =	simm.s32 $0x0  }
.LBB2_36:
0x127: {  	s0 =	simm.s32 $0xA  }
0x128: {  	_ =	swait.ge [sflag:s0], $0x800  }
0x129: {  	[sflag:s0] =	ssyncset.done $0x0  }
0x12a: {  	s31 =	simm.s32 $0xB;
	[sflag:s0] =	ssyncadd.s32 $0xFFFFF800  }
0x12b: {  	_ =	swait.ge [sflag:s31], $0x800  }
0x12c: {  	s2 =	rddreg [dreg:$0xf]  }
0x12d: {  	s2 =	sadd.s32 $0x1, s2  }
0x12e: {  	p1 =	sne.s32 s2, $0xA  }
.Ltmp10:
0x12f: {  	_ = 	snop;
	(pc) =	sbr.rel @!p1 .LBB2_37-.Ltmp10, $4  }
0x130: {  	[sflag:s31] =	ssyncset.done $0x0  }
0x131: {  	[sflag:s31] =	ssyncadd.s32 $0xFFFFF800  }
0x132: {  	s22 =	simm.s32 $0x60;
	[bflag:$0x0] =	sbarrier.arrive $0xFFFF  }
0x133: {  	s26 =	simm.s32 $0x1C9C0;
	s25 =	simm.s32 $0x141C0;
	s28 =	simm.s32 $0x159C0  }
.LBB2_16:
0x134: {  	s0 =	simm.s32 $0xA500  }
0x135: {  	[tilespmem:s25], [sflag:$0x1] =	stream.indirect.gather [hbm4b:s13+s22], $0x40, s0, s22, $0xb8;
	[tilespmem:$0x1FC70] =	vst v63  }
0x136: {  	s10 =	simm.s32 $0xA560  }
0x137: {  	[tilespmem:s28], [sflag:$0x2] =	stream.indirect.gather [hbm4b:s13+s22], $0x40, s10, s22, $0xb8;
	[tilespmem:$0x1FC70] =	vst v63  }
.Ltmp11:
0x138: {  	[dreg:$0xf] =	wrdreg s2;
	s14 =	simm.s32 $0xA5C0;
	(pc) =	sbr.rel .LBB2_17-.Ltmp11, $4  }
0x139: {  	s16 =	simm.s32 $0x171C0;
	s20 =	simm.s32 $0xA620;
	s31 =	simm.s32 $0x189C0  }
0x13a: {  	[tilespmem:s16], [sflag:$0x3] =	stream.indirect.gather [hbm4b:s13+s22], $0x40, s14, s22, $0xb8;
	[tilespmem:$0x1FC70] =	vst v63  }
0x13b: {  	s2 =	simm.s32 $0xF360;
	s14 =	simm.s32 $0x4;
	s16 =	simm.s32 $0xA680  }
0x13c: {  	[tilespmem:s31], [sflag:$0x4] =	stream.indirect.gather [hbm4b:s13+s22], $0x40, s20, s22, $0xb8;
	[tilespmem:$0x1FC70] =	vst v63  }
.LBB2_18:
0x13d: {  	[tilespmem:s25], [sflag:$0x1] =	stream.indirect.gather [hbm4b:s13+s22], $0x40, s16, s22, $0xb8;
	[tilespmem:$0x1FC70] =	vst v63  }
.LBB2_26:
0x13e: {  	s7 =	smul.u32 $0xCD, s0;
	_ =	sdelay $0x1  }
0x13f: {  	s7 =	sshrl.u32 s7, $0xA  }
0x140: {  	s7 =	sand.u32 $0x3F, s7  }
0x141: {  	s7 =	smul.u32 $0x5, s7;
	_ =	sdelay $0x1  }
0x142: {  	s31 =	ssub.s32 s0, s7  }
0x143: {  	s0 =	sand.u32 $0xFF, s31  }
0x144: {  	p1 =	sgt.s32 s0, $0x1  }
0x145: {  	p4 =	seq.s32 @p1 s0, $0x2  }
0x146: {  	p2 =	por !p4, !p1  }
0x147: {  	p3 =	por p4, !p1;
	s7 =	simm.s32 @!p2 $0x3  }
0x148: {  	p5 =	seq.s32 @!p3 s0, $0x3;
	_ =	swait.ge @!p2 [sflag:s7], $0x1800  }
0x149: {  	s9 =	simm.s32 @!p2 $0x171C0;
	p3 =	por @p1 !p5, p4;
	[sflag:s7] =	ssyncset.done @!p2 $0x0  }
0x14a: {  	p6 =	por p3, !p1;
	[sflag:s7] =	ssyncadd.s32 @!p2 $0xFFFFE800;
	s7 =	simm.s32 @!p2 $0x60  }
0x14b: {  	[spmem:s1] =	stream.indirect.scatter.add.f32 @!p2 [tilespmem:s9], [sflag:$0xD], $0x40, s2, s7, $0xb8;
	[tilespmem:$0x1FC70] =	vst v63  }
0x14c: {  	s7 =	simm.s32 @!p6 $0x4  }
0x14d: {  	p4 =	por @p1 p5, p4;
	_ =	swait.ge @!p6 [sflag:s7], $0x1800  }
0x14e: {  	p5 =	por p4, !p1;
	[sflag:s7] =	ssyncset.done @!p6 $0x0  }
0x14f: {  	s9 =	simm.s32 @!p6 $0x189C0;
	[sflag:s7] =	ssyncadd.s32 @!p6 $0xFFFFE800;
	s7 =	simm.s32 @!p6 $0x60  }
0x150: {  	[spmem:s1] =	stream.indirect.scatter.add.f32 @!p6 [tilespmem:s9], [sflag:$0xD], $0x40, s2, s7, $0xb8;
	[tilespmem:$0x1FC70] =	vst v63  }
0x151: {  	s7 =	simm.s32 @!p5 $0x5  }
0x152: {  	s14 =	sadd.s32 $0x1, s14;
	p6 =	seq.s32 @!p1 s0, $0x0;
	_ =	swait.ge @!p5 [sflag:s7], $0x1800  }
0x153: {  	s9 =	simm.s32 @!p5 $0x1A1C0;
	p4 =	por !p6, p1;
	[sflag:s7] =	ssyncset.done @!p5 $0x0  }
0x154: {  	s0 =	simm.s32 @!p4 $0x1;
	[sflag:s7] =	ssyncadd.s32 @!p5 $0xFFFFE800;
	s7 =	simm.s32 @!p5 $0x60  }
0x155: {  	[spmem:s1] =	stream.indirect.scatter.add.f32 @!p5 [tilespmem:s9], [sflag:$0xC], $0x40, s2, s7, $0xb8;
	[tilespmem:$0x1FC70] =	vst v63  }
0x156: {  	p3 =	por !p3, !p1;
	p6 =	por p6, p1;
	_ =	swait.ge @!p4 [sflag:s0], $0x1800  }
0x157: {  	s10 =	simm.s32 @!p6 $0x159C0;
	s7 =	simm.s32 @!p4 $0x141C0;
	[sflag:s0] =	ssyncset.done @!p4 $0x0  }
0x158: {  	s9 =	simm.s32 @!p5 $0xC;
	[sflag:s0] =	ssyncadd.s32 @!p4 $0xFFFFE800;
	s0 =	simm.s32 @!p4 $0x60  }
0x159: {  	[spmem:s1] =	stream.indirect.scatter.add.f32 @!p4 [tilespmem:s7], [sflag:$0xD], $0x40, s2, s0, $0xb8;
	[tilespmem:$0x1FC70] =	vst v63  }
0x15a: {  	s9 =	simm.s32 @p3 $0xD;
	s7 =	simm.s32 @!p6 $0x2;
	s0 =	simm.s32 @!p4 $0xD  }
0x15b: {  	s9 =	simm.s32 @!p2 $0xD;
	_ =	swait.ge @!p6 [sflag:s7], $0x1800;
	s0 =	simm.s32 @p4 $0xD  }
0x15c: {  	[sflag:s7] =	ssyncset.done @!p6 $0x0;
	s0 =	smov.u32 @p1 s9;
	p1 =	sne.s32 s14, $0xD5  }
.Ltmp12:
0x15d: {  	[sflag:s7] =	ssyncadd.s32 @!p6 $0xFFFFE800;
	s7 =	simm.s32 @!p6 $0x60;
	(pc) =	sbr.rel @!p1 .LBB2_27-.Ltmp12, $4  }
0x15e: {  	[spmem:s1] =	stream.indirect.scatter.add.f32 @!p6 [tilespmem:s10], [sflag:$0xD], $0x40, s2, s7, $0xb8;
	[tilespmem:$0x1FC70] =	vst v63  }
0x15f: {  	_ =	swait.ge [sflag:s0], $0x1800  }
0x160: {  	[sflag:s0] =	ssyncset.done $0x0  }
0x161: {  	s16 =	sadd.s32 $0x60, s16;
	s2 =	sadd.s32 $0x60, s2;
	[sflag:s0] =	ssyncadd.s32 $0xFFFFE800  }
.LBB2_17:
0x162: {  	s0 =	sand.u32 $0xFF, s14  }
0x163: {  	s0 =	smul.u32 $0xCD, s0;
	_ =	sdelay $0x1  }
0x164: {  	s0 =	sshrl.u32 s0, $0xA  }
0x165: {  	s7 =	smul.u32 $0x5, s0  }
0x166: {  	s0 =	sadd.s32 $0xFFFFFFFC, s14  }
0x167: {  	p1 =	sgt.u32 s0, $0xCC;
	s7 =	ssub.s32 s14, s7  }
0x168: {  	s7 =	sand.u32 @!p1 $0xFF, s7  }
0x169: {  	p2 =	sne.s32 @!p1 s7, $0x0  }
0x16a: {  	p2 =	por p1, p2  }
.Ltmp13:
0x16b: {  	_ = 	snop;
	(pc) =	sbr.rel @!p2 .LBB2_18-.Ltmp13, $1  }
0x16c: {  	_ =	sdelay $0x3  }
0x16d: {  	p2 =	sne.s32 @!p1 s7, $0x1  }
0x16e: {  	p2 =	por p1, p2  }
.Ltmp14:
0x16f: {  	_ = 	snop;
	(pc) =	sbr.rel @p2 .LBB2_21-.Ltmp14, $1  }
0x170: {  	_ =	sdelay $0x3  }
.Ltmp15:
0x171: {  	(pc) =	sbr.rel .LBB2_26-.Ltmp15, $2  }
0x172: {  	_ =	sdelay $0x2  }
0x173: {  	[tilespmem:s28], [sflag:$0x2] =	stream.indirect.gather [hbm4b:s13+s22], $0x40, s16, s22, $0xb8;
	[tilespmem:$0x1FC70] =	vst v63  }
.LBB2_21:
0x174: {  	p2 =	sne.s32 @!p1 s7, $0x2  }
0x175: {  	p2 =	por p1, p2  }
.Ltmp16:
0x176: {  	_ = 	snop;
	(pc) =	sbr.rel @p2 .LBB2_23-.Ltmp16, $1  }
0x177: {  	_ =	sdelay $0x3  }
.Ltmp17:
0x178: {  	(pc) =	sbr.rel .LBB2_26-.Ltmp17, $3  }
0x179: {  	_ =	sdelay $0x1  }
0x17a: {  	s7 =	simm.s32 $0x171C0  }
0x17b: {  	[tilespmem:s7], [sflag:$0x3] =	stream.indirect.gather [hbm4b:s13+s22], $0x40, s16, s22, $0xb8;
	[tilespmem:$0x1FC70] =	vst v63  }
.LBB2_23:
0x17c: {  	p2 =	sne.s32 @!p1 s7, $0x3  }
0x17d: {  	p2 =	por p1, p2  }
.Ltmp18:
0x17e: {  	_ = 	snop;
	(pc) =	sbr.rel @p2 .LBB2_25-.Ltmp18, $1  }
0x17f: {  	_ =	sdelay $0x3  }
.Ltmp19:
0x180: {  	(pc) =	sbr.rel .LBB2_26-.Ltmp19, $3  }
0x181: {  	_ =	sdelay $0x1  }
0x182: {  	s7 =	simm.s32 $0x189C0  }
0x183: {  	[tilespmem:s7], [sflag:$0x4] =	stream.indirect.gather [hbm4b:s13+s22], $0x40, s16, s22, $0xb8;
	[tilespmem:$0x1FC70] =	vst v63  }
.LBB2_25:
.Ltmp20:
0x184: {  	(pc) =	sbr.rel .LBB2_26-.Ltmp20, $4  }
0x185: {  	p2 =	sne.s32 @!p1 s7, $0x4  }
0x186: {  	p1 =	por p2, p1  }
0x187: {  	s7 =	simm.s32 @!p1 $0x60;
	s9 =	simm.s32 @!p1 $0x1A1C0  }
0x188: {  	[tilespmem:s9], [sflag:$0x5] =	stream.indirect.gather @!p1 [hbm4b:s13+s7], $0x40, s16, s7, $0xb8;
	[tilespmem:$0x1FC70] =	vst v63  }
.LBB2_27:
.Ltmp21:
0x189: {  	[bflag:$0x0] =	sbarrier.arrive $0xFFFF;
	(pc) =	sbr.rel .LBB2_28-.Ltmp21, $4  }
0x18a: {  	s2 =	simm.s32 $0x1B9C0;
	s25 =	simm.s32 $0x0;
	s0 =	rddreg [dreg:$0xa]  }
0x18b: {  	[tilespmem:s2], [sflag:$0x6] =	stream.linear.gather [spmem:s0], $0x800, $0x38;
	[tilespmem:$0x1FC70] =	vst v63  }
0x18c: {  	s7 =	simm.s32 $0x1F4C0;
	s31 =	rddreg [dreg:$0xd];
	s0 =	simm.s32 $0x1F750  }
0x18d: {  	[tilespmem:s26], [sflag:$0x8] =	stream.linear.gather [hbm4b:s31+s25], $0x800, $0x38;
	[tilespmem:$0x1FC70] =	vst v63  }
.LBB2_34:
0x18e: {  	s9 =	smul.f32 $8.999999760e-01, s22  }
0x18f: {  	s14 =	smul.f32 $1.000000010e-01, s22;
	s16 =	spop (v2sf)  }
0x190: {  	s9 =	smul.f32 s16, s9;
	_ =	sdelay $0x1  }
0x191: {  	v6 =	vmul.f32 s14, v6;
	v5 =	vmul.f32 s9, v5  }
0x192: {  	v7 =	vmul.f32 s14, v7;
	v3 =	vmul.f32 s9, v3  }
0x193: {  	v2 =	vmul.f32 s14, v2;
	v4 =	vmul.f32 s9, v4;
	v5 =	vadd.f32 v5, v6  }
0x194: {  	v62 =	vmul.f32 s14, v9;
	v8 =	vmul.f32 s9, v8;
	v3 =	vadd.f32 v7, v3  }
0x195: {  	v2 =	vadd.f32 v2, v4;
	[tilespmem:s10+$0x1E1C0] =	vst v5  }
0x196: {  	v63 =	vadd.f32 v62, v8;
	[tilespmem:s10+$0x1E1F0] =	vst v3  }
0x197: {  	s28 =	sshll.u32 s28, $0x3;
	[tilespmem:s10+$0x1E1D0] =	vst v2  }
0x198: {  	s31 =	simm.s32 $0x1E1C0;
	s9 =	sadd.s32 s13, s28;
	[tilespmem:s10+$0x1E1E0] =	vst v63  }
0x199: {  	[hbm4b:s9+s5] =	stream.linear.scatter [tilespmem:s31], [sflag:$0xB], $0x800, $0x38;
	[tilespmem:$0x1FC70] =	vst v63  }
.LBB2_35:
0x19a: {  	s9 =	sshll.u32 s25, $0xB  }
0x19b: {  	p1 =	sne.s32 s2, $0x14;
	s9 =	sand.u32 $0x3FFFF800, s9  }
.Ltmp22:
0x19c: {  	s9 =	sadd.s32 s9, s15;
	(pc) =	sbr.rel @!p1 .LBB2_36-.Ltmp22, $4  }
0x19d: {  	[spmem:s9] =	stream.linear.scatter [tilespmem:s23], [sflag:$0xC], $0x800, $0x38;
	[tilespmem:$0x1FC70] =	vst v63  }
0x19e: {  	_ =	swait.ge [sflag:s21], $0x800  }
0x19f: {  	s0 =	sadd.s32 $0x20, s0;
	[sflag:s21] =	ssyncset.done $0x0  }
0x1a0: {  	s7 =	sadd.s32 $0x20, s7;
	s25 =	smov.u32 s2;
	[sflag:s21] =	ssyncadd.s32 $0xFFFFF800  }
.LBB2_28:
0x1a1: {  	s2 =	sadd.s32 $0x1, s25  }
0x1a2: {  	s9 =	sand.u32 $0x1, s2  }
0x1a3: {  	p1 =	seq.s32 s9, $0x0  }
0x1a4: {  	s16 =	sand.u32 $0x1, s25;
	s9 =	sshll.u32 @!p1 s2, $0xB  }
0x1a5: {  	p6 =	seq.s32 s25, $0x13;
	p2 =	seq.s32 s16, $0x1;
	s9 =	sadd.s32 @!p1 s12, s9  }
0x1a6: {  	s14 =	simm.s32 @!p1 $0x1C1C0;
	s10 =	sadd.s32 @!p1 s9, s1;
	s9 =	sshrl.u32 @!p1 s9, $0x3  }
0x1a7: {  	[tilespmem:s14], [sflag:$0x7] =	stream.linear.gather @!p1 [spmem:s10], $0x800, $0x38;
	[tilespmem:$0x1FC70] =	vst v63  }
0x1a8: {  	s9 =	sadd.s32 @!p1 s11, s9;
	s10 =	simm.s32 @!p1 $0x0;
	s14 =	simm.s32 @!p1 $0x1D1C0  }
0x1a9: {  	[tilespmem:s14], [sflag:$0x9] =	stream.linear.gather @!p1 [hbm4b:s9+s10], $0x800, $0x38;
	[tilespmem:$0x1FC70] =	vst v63  }
0x1aa: {  	p1 =	por !p2, p6  }
0x1ab: {  	s31 =	sshll.u32 s25, $0x5;
	s9 =	sshll.u32 @!p1 s2, $0xB  }
.Ltmp23:
0x1ac: {  	s28 =	sadd.s32 s6, s31;
	s9 =	sadd.s32 @!p1 s12, s9;
	(pc) =	sbr.rel @p2 .LBB2_32-.Ltmp23, $4  }
0x1ad: {  	s14 =	simm.s32 @!p1 $0x1B9C0;
	s10 =	sadd.s32 @!p1 s9, s1;
	s9 =	sshrl.u32 @!p1 s9, $0x3  }
0x1ae: {  	[tilespmem:s14], [sflag:$0x6] =	stream.linear.gather @!p1 [spmem:s10], $0x800, $0x38;
	[tilespmem:$0x1FC70] =	vst v63  }
0x1af: {  	s9 =	sadd.s32 @!p1 s11, s9;
	s10 =	simm.s32 @!p1 $0x0;
	s14 =	simm.s32 @!p1 $0x1C9C0  }
0x1b0: {  	[tilespmem:s14], [sflag:$0x8] =	stream.linear.gather @!p1 [hbm4b:s9+s10], $0x800, $0x38;
	[tilespmem:$0x1FC70] =	vst v63  }
0x1b1: {  	_ =	swait.ge [sflag:s30], $0x800  }
0x1b2: {  	[sflag:s30] =	ssyncset.done $0x0  }
0x1b3: {  	[sflag:s30] =	ssyncadd.s32 $0xFFFFF800  }
0x1b4: {  	_ =	swait.ge [sflag:s29], $0x800  }
0x1b5: {  	p1 =	slt.u32 s25, $0x2;
	[sflag:s29] =	ssyncset.done $0x0  }
0x1b6: {  	s9 =	simm.s32 @!p1 $0xA;
	[sflag:s29] =	ssyncadd.s32 $0xFFFFF800  }
0x1b7: {  	_ =	swait.ge @!p1 [sflag:s9], $0x800  }
0x1b8: {  	[sflag:s9] =	ssyncset.done @!p1 $0x0  }
0x1b9: {  	[sflag:s9] =	ssyncadd.s32 @!p1 $0xFFFFF800  }
0x1ba: {  	v2 =	vld [tilespmem:s7+$0x0];
	_ =	sdelay $0x1  }
0x1bb: {  	v8 =	vld [tilespmem:s0+$0x0];
	_ =	sdelay $0x2  }
0x1bc: {  	(v2sf) =	vpush v2, $0x0;
	_ =	sdelay $0x1  }
0x1bd: {  	(v2sf) =	vpush v8, $0x0;
	_ =	sdelay $0x4  }
0x1be: {  	s10 =	simm.s32 $0x0  }
0x1bf: {  	v3 =	vld [tilespmem:s10+$0x1B9F0]  }
0x1c0: {  	v6 =	vld [tilespmem:s10+$0x1C9C0]  }
0x1c1: {  	v5 =	vld [tilespmem:s10+$0x1B9C0]  }
0x1c2: {  	v4 =	vld [tilespmem:s10+$0x1B9D0]  }
0x1c3: {  	v7 =	vld [tilespmem:s10+$0x1C9F0]  }
0x1c4: {  	v9 =	vld [tilespmem:s10+$0x1C9E0]  }
0x1c5: {  	s31 =	smov.u32 s0;
	v2 =	vld [tilespmem:s10+$0x1C9D0]  }
0x1c6: {  	s14 =	smov.u32 s7;
	s9 =	simm.s32 $0x100;
	v8 =	vld [tilespmem:s10+$0x1B9E0];
	s22 =	spop (v2sf)  }
.LBB2_30:
0x1c7: {  	s20 =	smul.f32 $8.999999760e-01, s22;
	s31 =	sadd.s32 $0x1, s31;
	s14 =	sadd.s32 $0x1, s14  }
0x1c8: {  	p1 =	sne.s32 s9, $0x1F00;
	s22 =	smul.f32 $1.000000010e-01, s22;
	s26 =	spop (v2sf)  }
0x1c9: {  	s20 =	smul.f32 s26, s20;
	s26 =	smov.u32 s9;
	s9 =	sadd.s32 $0x100, s9  }
0x1ca: {  	v6 =	vmul.f32 s22, v6;
	v9 =	vmul.f32 s22, v9  }
0x1cb: {  	v7 =	vmul.f32 s22, v7;
	v5 =	vmul.f32 s20, v5  }
0x1cc: {  	v8 =	vmul.f32 s20, v8;
	v3 =	vmul.f32 s20, v3  }
0x1cd: {  	v2 =	vmul.f32 s22, v2;
	v4 =	vmul.f32 s20, v4;
	v5 =	vadd.f32 v5, v6  }
0x1ce: {  	v6 =	vadd.f32 v9, v8;
	v3 =	vadd.f32 v7, v3  }
0x1cf: {  	v2 =	vadd.f32 v2, v4;
	[tilespmem:s10+$0x1D9C0] =	vst v5  }
0x1d0: {  	[tilespmem:s10+$0x1D9F0] =	vst v3  }
0x1d1: {  	[tilespmem:s10+$0x1D9D0] =	vst v2  }
0x1d2: {  	[tilespmem:s10+$0x1D9E0] =	vst v6  }
0x1d3: {  	v2 =	vld [tilespmem:s14+$0x0];
	_ =	sdelay $0x1  }
0x1d4: {  	v3 =	vld [tilespmem:s31+$0x0];
	_ =	sdelay $0x2  }
0x1d5: {  	(v2sf) =	vpush v2, $0x0;
	_ =	sdelay $0x1  }
0x1d6: {  	(v2sf) =	vpush v3, $0x0;
	_ =	sdelay $0x2  }
0x1d7: {  	s10 =	sshra.s32 s26, $0x2  }
0x1d8: {  	v3 =	vld [tilespmem:s10+$0x1B9F0]  }
0x1d9: {  	v2 =	vld [tilespmem:s10+$0x1C9D0]  }
0x1da: {  	v6 =	vld [tilespmem:s10+$0x1C9C0]  }
0x1db: {  	v5 =	vld [tilespmem:s10+$0x1B9C0]  }
0x1dc: {  	v4 =	vld [tilespmem:s10+$0x1B9D0]  }
.Ltmp24:
0x1dd: {  	(pc) =	sbr.rel @p1 .LBB2_30-.Ltmp24, $4  }
0x1de: {  	_ = 	snop  }
0x1df: {  	v7 =	vld [tilespmem:s10+$0x1C9F0]  }
0x1e0: {  	v9 =	vld [tilespmem:s10+$0x1C9E0]  }
0x1e1: {  	v8 =	vld [tilespmem:s10+$0x1B9E0];
	s22 =	spop (v2sf)  }
0x1e2: {  	s9 =	smul.f32 $8.999999760e-01, s22  }
0x1e3: {  	s14 =	smul.f32 $1.000000010e-01, s22;
	s20 =	spop (v2sf)  }
0x1e4: {  	s9 =	smul.f32 s20, s9;
	_ =	sdelay $0x1  }
0x1e5: {  	v6 =	vmul.f32 s14, v6;
	v5 =	vmul.f32 s9, v5  }
0x1e6: {  	v7 =	vmul.f32 s14, v7;
	v3 =	vmul.f32 s9, v3  }
0x1e7: {  	v2 =	vmul.f32 s14, v2;
	v4 =	vmul.f32 s9, v4;
	v5 =	vadd.f32 v5, v6  }
0x1e8: {  	p1 =	seq.s32 s16, $0x0;
	v62 =	vmul.f32 s14, v9;
	v8 =	vmul.f32 s9, v8;
	v3 =	vadd.f32 v7, v3  }
.Ltmp25:
0x1e9: {  	v2 =	vadd.f32 v2, v4;
	[tilespmem:s10+$0x1D9C0] =	vst v5;
	(pc) =	sbr.rel @p1 .LBB2_35-.Ltmp25, $4  }
0x1ea: {  	v63 =	vadd.f32 v62, v8;
	[tilespmem:s10+$0x1D9F0] =	vst v3  }
0x1eb: {  	s26 =	sshll.u32 s28, $0x3;
	[tilespmem:s10+$0x1D9D0] =	vst v2  }
0x1ec: {  	s31 =	simm.s32 $0x1D9C0;
	s9 =	sadd.s32 s13, s26;
	[tilespmem:s10+$0x1D9E0] =	vst v63  }
0x1ed: {  	[hbm4b:s9+s5] =	stream.linear.scatter [tilespmem:s31], [sflag:$0xA], $0x800, $0x38;
	[tilespmem:$0x1FC70] =	vst v63  }
.LBB2_32:
0x1ee: {  	_ =	swait.ge [sflag:s17], $0x800  }
0x1ef: {  	[sflag:s17] =	ssyncset.done $0x0  }
0x1f0: {  	[sflag:s17] =	ssyncadd.s32 $0xFFFFF800  }
0x1f1: {  	_ =	swait.ge [sflag:s8], $0x800  }
0x1f2: {  	p1 =	slt.u32 s25, $0x2;
	[sflag:s8] =	ssyncset.done $0x0  }
0x1f3: {  	s9 =	simm.s32 @!p1 $0xB;
	[sflag:s8] =	ssyncadd.s32 $0xFFFFF800  }
0x1f4: {  	_ =	swait.ge @!p1 [sflag:s9], $0x800  }
0x1f5: {  	[sflag:s9] =	ssyncset.done @!p1 $0x0  }
0x1f6: {  	[sflag:s9] =	ssyncadd.s32 @!p1 $0xFFFFF800  }
0x1f7: {  	v2 =	vld [tilespmem:s7+$0x0];
	_ =	sdelay $0x1  }
0x1f8: {  	v8 =	vld [tilespmem:s0+$0x0];
	_ =	sdelay $0x2  }
0x1f9: {  	(v2sf) =	vpush v2, $0x0;
	_ =	sdelay $0x1  }
0x1fa: {  	(v2sf) =	vpush v8, $0x0;
	_ =	sdelay $0x4  }
0x1fb: {  	s10 =	simm.s32 $0x0  }
0x1fc: {  	v3 =	vld [tilespmem:s10+$0x1C1F0]  }
0x1fd: {  	v6 =	vld [tilespmem:s10+$0x1D1C0]  }
0x1fe: {  	v5 =	vld [tilespmem:s10+$0x1C1C0]  }
0x1ff: {  	v4 =	vld [tilespmem:s10+$0x1C1D0]  }
0x200: {  	v7 =	vld [tilespmem:s10+$0x1D1F0]  }
0x201: {  	v9 =	vld [tilespmem:s10+$0x1D1E0]  }
0x202: {  	s16 =	smov.u32 s0;
	v2 =	vld [tilespmem:s10+$0x1D1D0]  }
0x203: {  	s14 =	smov.u32 s7;
	s9 =	simm.s32 $0x100;
	v8 =	vld [tilespmem:s10+$0x1C1E0];
	s22 =	spop (v2sf)  }
.LBB2_33:
0x204: {  	s20 =	smul.f32 $8.999999760e-01, s22;
	s16 =	sadd.s32 $0x1, s16;
	s14 =	sadd.s32 $0x1, s14  }
0x205: {  	p1 =	sne.s32 s9, $0x1F00;
	s22 =	smul.f32 $1.000000010e-01, s22;
	s26 =	spop (v2sf)  }
0x206: {  	s20 =	smul.f32 s26, s20;
	s26 =	smov.u32 s9;
	s9 =	sadd.s32 $0x100, s9  }
0x207: {  	v6 =	vmul.f32 s22, v6;
	v9 =	vmul.f32 s22, v9  }
0x208: {  	v7 =	vmul.f32 s22, v7;
	v5 =	vmul.f32 s20, v5  }
0x209: {  	v8 =	vmul.f32 s20, v8;
	v3 =	vmul.f32 s20, v3  }
0x20a: {  	v2 =	vmul.f32 s22, v2;
	v4 =	vmul.f32 s20, v4;
	v5 =	vadd.f32 v5, v6  }
0x20b: {  	v6 =	vadd.f32 v9, v8;
	v3 =	vadd.f32 v7, v3  }
0x20c: {  	v2 =	vadd.f32 v2, v4;
	[tilespmem:s10+$0x1E1C0] =	vst v5  }
0x20d: {  	[tilespmem:s10+$0x1E1F0] =	vst v3  }
0x20e: {  	[tilespmem:s10+$0x1E1D0] =	vst v2  }
0x20f: {  	[tilespmem:s10+$0x1E1E0] =	vst v6  }
0x210: {  	v2 =	vld [tilespmem:s14+$0x0];
	_ =	sdelay $0x1  }
0x211: {  	v3 =	vld [tilespmem:s16+$0x0];
	_ =	sdelay $0x2  }
0x212: {  	(v2sf) =	vpush v2, $0x0;
	_ =	sdelay $0x1  }
0x213: {  	(v2sf) =	vpush v3, $0x0;
	_ =	sdelay $0x2  }
0x214: {  	s10 =	sshra.s32 s26, $0x2  }
0x215: {  	v3 =	vld [tilespmem:s10+$0x1C1F0]  }
0x216: {  	v2 =	vld [tilespmem:s10+$0x1D1D0]  }
0x217: {  	v6 =	vld [tilespmem:s10+$0x1D1C0]  }
0x218: {  	v5 =	vld [tilespmem:s10+$0x1C1C0]  }
0x219: {  	v4 =	vld [tilespmem:s10+$0x1C1D0]  }
.Ltmp26:
0x21a: {  	(pc) =	sbr.rel @p1 .LBB2_33-.Ltmp26, $4  }
0x21b: {  	_ = 	snop  }
0x21c: {  	v7 =	vld [tilespmem:s10+$0x1D1F0]  }
0x21d: {  	v9 =	vld [tilespmem:s10+$0x1D1E0]  }
0x21e: {  	v8 =	vld [tilespmem:s10+$0x1C1E0];
	s22 =	spop (v2sf)  }
.Ltmp27:
0x21f: {  	_ = 	snop;
	(pc) =	sbr.rel .LBB2_34-.Ltmp27, $1  }
0x220: {  	_ =	sdelay $0x3  }
.LBB2_38:
0x221: {  	_ =	sfence.sel $0x180000  }
0x222: {  	[bflag:$0x0] =	sbarrier.arrive $0xFFFF  }
0x223: {  	_ =	strace $0x90000047  }
0x224: {  	s0 =	stileid.u32;
	[bflag:$0x2] =	sbarrier.arrive $0xFFFF  }
0x225: {  	p0 =	sne.s32 s0, $0x0;
	s0 =	rddreg [dreg:$0x5]  }
0x226: {  	s0 =	sadd.s32 @!p0 $0x100000, s0  }
0x227: {  	[sflag:s0] =	ssyncadd.tile.s32 @!p0 $0x1;
	_ =	shalt  }
.Lfunc_end2:
_tile_overlayer_lowered:
.L_overlay_start_2:
0x228: {  	(tag) =	ssettag $0x2  }
0x229: {  	s0 =	rddreg [dreg:$0x0];
	s2 =	stileid.u32  }
0x22a: {  	s1 =	rddreg [dreg:$0x1];
	p0 =	sne.s32 s2, $0x0  }
0x22b: {  	s3 =	rddreg [dreg:$0x2];
	[bflag:$0x3] =	sbarrier.arrive $0xFFFF;
	s2 =	simm.s32 @!p0 $0x1C0C  }
0x22c: {  	[timem:s3], [sflag:s2] =	dma.local @!p0 [hbm:s0], s1  }
0x22d: {  	s0 =	simm.s32 @!p0 $0xC  }
0x22e: {  	_ =	swait.ge @!p0 [sflag:s0], s1  }
0x22f: {  	s1 =	ssub.s32 @!p0 $0x0, s1;
	[sflag:s0] =	ssyncset.done @!p0 $0x0  }
0x230: {  	[sflag:s0] =	ssyncadd.s32 @!p0 s1  }
0x231: {  	[bflag:$0x3] =	sbarrier.arrive $0xFFFF  }
0x232: {  	_ =	shalt  }

</sc_bundles>
